<compile_context>
chip_gen: v7x
topology: tpu7x:2x2x1
jax: 0.10.2.dev20260603
libtpu: 0.0.44.dev20260713+nightly
codegen_flags: <defaults>
</compile_context>

<pallas_src>
import functools

import jax
import jax.numpy as jnp
from jax import lax
from jax.experimental import pallas as pl
from jax.experimental.pallas import tpu as pltpu
import jax.experimental.pallas.tpu_sc as plsc

L = 4096
DIM = 768
C = 1536
N = 16
K = 1228
KP = 1280
T = 128
B = 2
DUMMY = 2 * L
NR = B * KP
RIDX_N = NR + 16


def _k1_center(al_ref, w_ref, b_ref, xc_ref, win_ref, bin_ref, cn_ref):
    xn = jnp.tanh(al_ref[0, 0] * xc_ref[...]) * w_ref[...] + b_ref[...]
    xp = jax.lax.dot_general(xn, win_ref[...], (((1,), (1,)), ((), ())),
                             preferred_element_type=jnp.float32) + bin_ref[...]
    nrm = jnp.sqrt(jnp.sum(xp * xp, axis=-1, keepdims=True))
    cn_ref[...] = xp / jnp.clip(nrm, 1e-12, None)


def _k2_proj(al_ref, w_ref, b_ref, x_ref, win_ref, bin_ref, cn_ref,
             xp_ref, sim_ref):
    x = x_ref[...].reshape(256, DIM)
    xn = jnp.tanh(al_ref[0, 0] * x) * w_ref[...] + b_ref[...]
    xp = jax.lax.dot_general(xn, win_ref[...], (((1,), (1,)), ((), ())),
                             preferred_element_type=jnp.float32) + bin_ref[...]
    xp_ref[...] = xp.reshape(1, 256, C)
    x2 = (xp * xp).reshape(256, 12, 128)
    nps = jnp.sum(x2, axis=-1)
    nr = nps[:, 0]
    for j in range(1, 12):
        nr = nr + nps[:, j]
    nrm = jnp.sqrt(nr).reshape(256, 1)
    xu = xp / jnp.clip(nrm, 1e-12, None)
    xub = xu.astype(jnp.bfloat16).astype(jnp.float32)
    cnb = cn_ref[...].reshape(1, C).astype(jnp.bfloat16).astype(jnp.float32)
    p3 = (xub * cnb).reshape(256, 12, 128)
    ps = jnp.sum(p3, axis=-1)
    s = ps[:, 0]
    for j in range(1, 12):
        s = s + ps[:, j]
    sim_ref[...] = s.reshape(1, 1, 256)


def _k3_rank(si_ref, sj_ref, rank_ref):
    i = pl.program_id(1)
    j = pl.program_id(2)

    @pl.when(j == 0)
    def _():
        rank_ref[...] = jnp.zeros_like(rank_ref)

    si = si_ref[...].reshape(256, 1)
    sj = sj_ref[...].reshape(1, 1024)
    ig = i * 256 + jax.lax.broadcasted_iota(jnp.int32, (256, 1), 0)
    jg = j * 1024 + jax.lax.broadcasted_iota(jnp.int32, (1, 1024), 1)
    beat = (sj > si) | ((sj == si) & (jg < ig))
    cnt = jnp.sum(beat.astype(jnp.int32), axis=1)
    rank_ref[...] += cnt.reshape(1, 1, 256)


def _sc_invert(rank_hbm, ridx_hbm, fillv, rv, dbi, dbv, sem):
    c = lax.axis_index("c")
    s = lax.axis_index("s")
    for q in range(5):
        fillv[pl.ds(q * 16, 16)] = jnp.full((16,), DUMMY, jnp.int32)
    pltpu.sync_copy(fillv, ridx_hbm.at[pl.ds(c * KP + s * 80, 80)])
    plsc.subcore_barrier()
    for j in range(4):
        g0 = c * L + s * 256 + j * 64
        pltpu.sync_copy(rank_hbm.at[pl.ds(g0, 64)], rv)
        for q in range(4):
            r16 = rv[pl.ds(q * 16, 16)]
            val16 = g0 + q * 16 + lax.iota(jnp.int32, 16)
            dst16 = jnp.where(r16 < K, c * KP + r16, NR)
            dbi[pl.ds(q * 16, 16)] = dst16
            dbv[pl.ds(q * 16, 16)] = val16
        pltpu.async_copy(dbv, ridx_hbm.at[dbi], sem).wait()


def _sc_gather(tab_hbm, ridx_hbm, out_hbm, idxv, rows, sem):
    c = lax.axis_index("c")
    s = lax.axis_index("s")
    w = c * 16 + s
    pltpu.sync_copy(ridx_hbm.at[pl.ds(w * 80, 80)], idxv)
    for q in range(5):
        idxv[pl.ds(q * 16, 16)] = jnp.minimum(
            idxv[pl.ds(q * 16, 16)], DUMMY - 1)
    pltpu.async_copy(tab_hbm.at[idxv], rows, sem).wait()
    pltpu.sync_copy(rows, out_hbm.at[pl.ds(w * 80, 80)])


def _sc_scatter(x_hbm, ridx_hbm, yf_hbm, out_hbm, buf, idxv, rows, sem):
    c = lax.axis_index("c")
    s = lax.axis_index("s")
    for j in range(4):
        r0 = c * L + s * 256 + j * 64
        pltpu.sync_copy(x_hbm.at[pl.ds(r0, 64)], buf)
        pltpu.sync_copy(buf, out_hbm.at[pl.ds(r0, 64)])
    plsc.subcore_barrier()
    w0 = c * KP + s * 80
    pltpu.sync_copy(ridx_hbm.at[pl.ds(w0, 80)], idxv)
    pltpu.sync_copy(yf_hbm.at[pl.ds(w0, 80)], rows)
    pltpu.async_copy(rows, out_hbm.at[idxv], sem).wait()


def _k6a_scan(xs_ref, w4_ref, kstk_ref, apv_ref, pt_ref, m128_ref, sct_ref,
              ys_ref, ht_ref, tail_ref):
    n = pl.program_id(1)

    @pl.when(n == 0)
    def _():
        ht_ref[...] = jnp.zeros_like(ht_ref)
        tail_ref[...] = jnp.zeros_like(tail_ref)

    xblk = xs_ref[...].reshape(T, C)
    ext = jnp.concatenate([tail_ref[...], xblk], axis=0)
    w4 = w4_ref[...]
    xc = (w4[0:1, :] * ext[5:5 + T] + w4[1:2, :] * ext[6:6 + T]
          + w4[2:3, :] * ext[7:7 + T] + w4[3:4, :] * ext[8:8 + T])
    ht = ht_ref[...]
    sct = sct_ref[...]
    g2 = (sct[:, None, :] * ht[None, :, :]).reshape(N * N, C)
    y = jax.lax.dot_general(apv_ref[...], g2, (((1,), (0,)), ((), ())),
                            preferred_element_type=jnp.float32)
    for m in range(N):
        km = kstk_ref[m]
        cm = jax.lax.dot_general(km, xc, (((1,), (0,)), ((), ())),
                                 preferred_element_type=jnp.float32)
        y = y + cm * sct[m:m + 1, :]
    ys_ref[...] = y.reshape(1, T, C)
    ht_ref[...] = (jnp.dot(m128_ref[...], ht,
                           preferred_element_type=jnp.float32)
                   + jax.lax.dot_general(pt_ref[...], xc,
                                         (((1,), (0,)), ((), ())),
                                         preferred_element_type=jnp.float32))
    tail_ref[...] = ext[T:T + 8]


def _k6b_proj(ys_ref, wout_ref, bout_ref, xr_ref, yf_ref):
    y = ys_ref[...].reshape(T, C)
    o = jax.lax.dot_general(y, wout_ref[...], (((1,), (1,)), ((), ())),
                            preferred_element_type=jnp.float32)
    yf_ref[...] = (o + bout_ref[...] + xr_ref[...].reshape(T, DIM)
                   ).reshape(1, T, DIM)


def _k7_base(x_ref, o_ref):
    r = pl.program_id(0)
    o_ref[...] = jnp.where(r >= 1024, jnp.zeros_like(x_ref), x_ref[...])


def _k7_scatter(idx_ref, yf_ref, base_ref, o_ref):
    del idx_ref, base_ref
    o_ref[...] = yf_ref[...]


def _f32(x):
    return jnp.asarray(x, jnp.float32)


def kernel(x, alpha, dyt_w, dyt_b, W_in, b_in, W_out, b_out, A, Bp, Cp,
           conv_w):
    sigB = jax.nn.sigmoid(Bp).reshape(N)
    sigC = jax.nn.sigmoid(Cp)
    sct = sigC.T
    S = jnp.eye(N, dtype=jnp.float32)[None]
    Am = A
    while S.shape[0] < T:
        S = jnp.concatenate([S, jnp.einsum('dmn,nk->dmk', S, Am)], axis=0)
        Am = jnp.dot(Am, Am)
    S = S[:T]
    a_t1 = jnp.concatenate(
        [S[1:], jnp.dot(S[-1], A)[None]], axis=0)
    apv = a_t1.reshape(T, N * N)
    m128 = a_t1[-1]
    kv = jnp.einsum('dmn,n->dm', S, sigB)
    pt = kv[::-1].T
    d = (jnp.arange(T)[:, None] - jnp.arange(T)[None, :])
    kstk = jnp.where((d >= 0)[None], kv[jnp.clip(d, 0, T - 1)].transpose(
        2, 0, 1), 0.0).astype(jnp.float32)
    w4 = conv_w[:, 0, :].T

    al = alpha.reshape(1, 1)
    dw = dyt_w.reshape(1, DIM)
    db = dyt_b.reshape(1, DIM)
    bi = b_in.reshape(1, C)
    bo = b_out.reshape(1, DIM)

    xc = x[:, L // 2, :]
    cn = pl.pallas_call(
        _k1_center,
        out_shape=jax.ShapeDtypeStruct((B, C), jnp.float32),
    )(al, dw, db, xc, W_in, bi)

    xp, sim = pl.pallas_call(
        _k2_proj,
        grid=(B, L // 256),
        in_specs=[
            pl.BlockSpec((1, 1), lambda b, l: (0, 0)),
            pl.BlockSpec((1, DIM), lambda b, l: (0, 0)),
            pl.BlockSpec((1, DIM), lambda b, l: (0, 0)),
            pl.BlockSpec((1, 256, DIM), lambda b, l: (b, l, 0)),
            pl.BlockSpec((C, DIM), lambda b, l: (0, 0)),
            pl.BlockSpec((1, C), lambda b, l: (0, 0)),
            pl.BlockSpec((1, 1, C), lambda b, l: (b, 0, 0)),
        ],
        out_specs=[
            pl.BlockSpec((1, 256, C), lambda b, l: (b, l, 0)),
            pl.BlockSpec((1, 1, 256), lambda b, l: (b, 0, l)),
        ],
        out_shape=[
            jax.ShapeDtypeStruct((B, L, C), jnp.float32),
            jax.ShapeDtypeStruct((B, 1, L), jnp.float32),
        ],
    )(al, dw, db, x, W_in, bi, cn.reshape(B, 1, C))

    rank = pl.pallas_call(
        _k3_rank,
        grid=(B, L // 256, L // 1024),
        in_specs=[
            pl.BlockSpec((1, 1, 256), lambda b, i, j: (b, 0, i)),
            pl.BlockSpec((1, 1, 1024), lambda b, i, j: (b, 0, j)),
        ],
        out_specs=pl.BlockSpec((1, 1, 256), lambda b, i, j: (b, 0, i)),
        out_shape=jax.ShapeDtypeStruct((B, 1, L), jnp.int32),
    )(sim, sim)

    mesh = plsc.VectorSubcoreMesh(core_axis_name="c", subcore_axis_name="s")
    ridx = pl.kernel(
        _sc_invert, mesh=mesh,
        out_type=jax.ShapeDtypeStruct((RIDX_N,), jnp.int32),
        scratch_types=[
            pltpu.VMEM((80,), jnp.int32),
            pltpu.VMEM((64,), jnp.int32),
            pltpu.VMEM((64,), jnp.int32),
            pltpu.VMEM((64,), jnp.int32),
            pltpu.SemaphoreType.DMA,
        ],
    )(rank.reshape(B * L))

    xs = pl.kernel(
        _sc_gather, mesh=mesh,
        out_type=jax.ShapeDtypeStruct((NR, C), jnp.float32),
        scratch_types=[
            pltpu.VMEM((80,), jnp.int32),
            pltpu.VMEM((80, C), jnp.float32),
            pltpu.SemaphoreType.DMA,
        ],
    )(xp.reshape(B * L, C), ridx)
    xr = pl.kernel(
        _sc_gather, mesh=mesh,
        out_type=jax.ShapeDtypeStruct((NR, DIM), jnp.float32),
        scratch_types=[
            pltpu.VMEM((80,), jnp.int32),
            pltpu.VMEM((80, DIM), jnp.float32),
            pltpu.SemaphoreType.DMA,
        ],
    )(x.reshape(B * L, DIM), ridx)

    xs3 = xs.reshape(B, KP, C)
    ys = pl.pallas_call(
        _k6a_scan,
        grid=(B, KP // T),
        in_specs=[
            pl.BlockSpec((1, T, C), lambda b, n: (b, n, 0)),
            pl.BlockSpec((4, C), lambda b, n: (0, 0)),
            pl.BlockSpec((N, T, T), lambda b, n: (0, 0, 0)),
            pl.BlockSpec((T, N * N), lambda b, n: (0, 0)),
            pl.BlockSpec((N, T), lambda b, n: (0, 0)),
            pl.BlockSpec((N, N), lambda b, n: (0, 0)),
            pl.BlockSpec((N, C), lambda b, n: (0, 0)),
        ],
        out_specs=pl.BlockSpec((1, T, C), lambda b, n: (b, n, 0)),
        out_shape=jax.ShapeDtypeStruct((B, KP, C), jnp.float32),
        scratch_shapes=[
            pltpu.VMEM((N, C), jnp.float32),
            pltpu.VMEM((8, C), jnp.float32),
        ],
    )(xs3, w4, kstk, apv, pt, m128, sct)

    xr3 = xr.reshape(B, KP, DIM)
    yf = pl.pallas_call(
        _k6b_proj,
        grid=(B, KP // T),
        in_specs=[
            pl.BlockSpec((1, T, C), lambda b, n: (b, n, 0)),
            pl.BlockSpec((DIM, C), lambda b, n: (0, 0)),
            pl.BlockSpec((1, DIM), lambda b, n: (0, 0)),
            pl.BlockSpec((1, T, DIM), lambda b, n: (b, n, 0)),
        ],
        out_specs=pl.BlockSpec((1, T, DIM), lambda b, n: (b, n, 0)),
        out_shape=jax.ShapeDtypeStruct((B, KP, DIM), jnp.float32),
    )(ys, W_out, bo, xr3)
    yf = yf.reshape(NR, DIM)

    out = pl.kernel(
        _sc_scatter, mesh=mesh,
        out_type=jax.ShapeDtypeStruct((DUMMY + 8, DIM), jnp.float32),
        scratch_types=[
            pltpu.VMEM((64, DIM), jnp.float32),
            pltpu.VMEM((80,), jnp.int32),
            pltpu.VMEM((80, DIM), jnp.float32),
            pltpu.SemaphoreType.DMA,
        ],
    )(x.reshape(B * L, DIM), ridx, yf)
    return out[:B * L].reshape(B, L, DIM)

# --- scband reference (transcript-rebuilt; emitter-appended) ---
"""Pipeline reference for scband-sparse-deformable-mamba-block-39633958208136 (READ-ONLY COPY).

The authoritative reference and input builder live on the scoring server;
editing this copy changes nothing except your own understanding.
"""

import jax, jax.numpy as jnp
import numpy as np

DIM = 768
D_STATE = 16
D_CONV = 4
EXPAND = 2
EXP_DIM = DIM * EXPAND
SPARSITY = 0.3
B_SZ = 2
L = 4096


def setup_inputs(seed: int = 0) -> dict:
    key = jax.random.key(seed)
    ks = jax.random.split(key, 12)
    x = jax.random.normal(ks[0], (B_SZ, L, DIM), dtype=jnp.float32)
    alpha = jnp.ones((1,), jnp.float32) * 0.5
    dyt_w = jnp.ones((DIM,), jnp.float32) + 0.02 * jax.random.normal(ks[1], (DIM,), dtype=jnp.float32)
    dyt_b = 0.02 * jax.random.normal(ks[2], (DIM,), dtype=jnp.float32)
    W_in = jax.random.normal(ks[3], (EXP_DIM, DIM), dtype=jnp.float32) / float(np.sqrt(DIM))
    b_in = jnp.zeros((EXP_DIM,), jnp.float32)
    W_out = jax.random.normal(ks[4], (DIM, EXP_DIM), dtype=jnp.float32) / float(np.sqrt(EXP_DIM))
    b_out = jnp.zeros((DIM,), jnp.float32)
    A = 0.1 * jax.random.normal(ks[5], (D_STATE, D_STATE), dtype=jnp.float32)
    Bp = 0.1 * jax.random.normal(ks[6], (1, 1, D_STATE), dtype=jnp.float32)
    Cp = 0.1 * jax.random.normal(ks[7], (EXP_DIM, D_STATE), dtype=jnp.float32)
    conv_w = 0.1 * jax.random.normal(ks[8], (EXP_DIM, 1, D_CONV), dtype=jnp.float32)
    return {"x": x, "alpha": alpha, "dyt_w": dyt_w, "dyt_b": dyt_b, "W_in": W_in, "b_in": b_in, "W_out": W_out, "b_out": b_out, "A": A, "Bp": Bp, "Cp": Cp, "conv_w": conv_w}


def reference(x, alpha, dyt_w, dyt_b, W_in, b_in, W_out, b_out, A, Bp, Cp, conv_w):
    Bsz, Lq, C = x.shape
    residual = x
    # DyT norm
    x_norm = jnp.tanh(alpha * x) * dyt_w + dyt_b
    # proj_in
    x_proj = x_norm @ W_in.T + b_in  # [B, L, EXP_DIM]
    center_idx = Lq // 2
    center = x_proj[:, center_idx:center_idx + 1, :]
    # F.normalize (p=2, eps=1e-12)
    xn = x_proj / jnp.clip(jnp.linalg.norm(x_proj, axis=-1, keepdims=True), 1e-12, None)
    cn = center / jnp.clip(jnp.linalg.norm(center, axis=-1, keepdims=True), 1e-12, None)
    sim = jnp.squeeze(jnp.matmul(xn, jnp.swapaxes(cn, -1, -2)), -1)  # [B, L]
    k = max(1, int(Lq * SPARSITY))
    _, topk_idx = jax.lax.top_k(sim, k)  # [B, k]
    # batched_index_select along dim 1 == take_along_axis
    x_sparse = jnp.take_along_axis(x_proj, topk_idx[..., None], axis=1)  # [B, k, EXP_DIM]
    # depthwise conv1d, padding d_conv-1, then [..., :L]
    xc = jnp.swapaxes(x_sparse, 1, 2)  # [B, EXP_DIM, k]
    xc = jax.lax.conv_general_dilated(xc, conv_w, window_strides=(1,), padding=((D_CONV - 1, D_CONV - 1),), dimension_numbers=("NCH", "OIH", "NCH"), feature_group_count=EXP_DIM)
    xc = xc[..., :Lq]
    x_conv = jnp.swapaxes(xc, 1, 2)  # [B, k+3, EXP_DIM]
    sigB = jax.nn.sigmoid(Bp)  # [1,1,N]
    sigC = jax.nn.sigmoid(Cp)[None]  # [1, EXP_DIM, N]
    h0 = jnp.zeros((Bsz, EXP_DIM, D_STATE), jnp.float32)
    xs = jnp.swapaxes(x_conv[:, :k, :], 0, 1)  # [k, B, EXP_DIM]

    def step(h, xt):
        Bx = sigB * xt[..., None]
        h = jnp.matmul(h, A.T) + Bx
        out_t = (h * sigC).sum(-1)
        return h, out_t

    _, outs = jax.lax.scan(step, h0, xs)  # outs: [k, B, EXP_DIM]
    x_processed = jnp.swapaxes(outs, 0, 1)  # [B, k, EXP_DIM]
    x_processed = x_processed @ W_out.T + b_out  # [B, k, C]
    out = jnp.zeros((Bsz, Lq, C), x.dtype)
    out = out.at[jnp.arange(Bsz)[:, None], topk_idx].set(x_processed)
    return out + residual

if __name__ == "__main__":
    import jax
    _d = setup_inputs()
    print(jax.jit(kernel)(*tuple(_d.values())))

</pallas_src>

<mosaic_0001>
#map = affine_map<(d0, d1) -> (0, 0)>
#map1 = affine_map<(d0, d1) -> (0)>
module attributes {stable_mosaic.version = 14 : i64} {
  func.func @_sc_gather(%arg0: i32, %arg1: i32, %arg2: memref<8192x768xf32, #tpu.memory_space<hbm>>, %arg3: memref<2576xi32, #tpu.memory_space<hbm>>, %arg4: memref<2560x768xf32, #tpu.memory_space<hbm>>, %arg5: memref<80xi32, #tpu.memory_space<vmem>>, %arg6: memref<80x768xf32, #tpu.memory_space<vmem>>, %arg7: memref<!tpu.dma_semaphore, #tpu.memory_space<semaphore_mem>>) attributes {dimension_semantics = [#tpu.dimension_semantics<core_parallel>, #tpu.dimension_semantics<subcore_parallel>], iteration_bounds = array<i64: 2, 16>, scalar_prefetch = 0 : i64, scratch_operands = 3 : i64, tpu.core_type = #tpu.core_type<sc_vector_subcore>, window_params = [{transform_indices = #map}, {transform_indices = #map1}, {transform_indices = #map}]} {
    %mul3A = arith.constant 16 : i32
    %mul3A_0 = arith.muli %arg0, %mul3A : i32
    %add3A = arith.addi %mul3A_0, %arg1 : i32
    %mul3A_1 = arith.constant 80 : i32
    %mul3A_2 = arith.muli %add3A, %mul3A_1 : i32
    "tpu.region"() ({
      %run_scoped3A = tpu.sem_alloc : memref<!tpu.dma_semaphore, #tpu.memory_space<semaphore_mem>>
      %dma_start3A_56 = tpu.memref_slice %arg3[%mul3A_2] : memref<2576xi32, #tpu.memory_space<hbm>> -> memref<80xi32, #tpu.memory_space<hbm>>
      %dma_start3A_57 = tpu.memref_slice %arg3[%mul3A_2] : memref<2576xi32, #tpu.memory_space<hbm>> -> memref<80xi32, #tpu.memory_space<hbm>>
      tpu.enqueue_dma source(%dma_start3A_57 : memref<80xi32, #tpu.memory_space<hbm>>) target(%arg5 : memref<80xi32, #tpu.memory_space<vmem>>) target_semaphore(%run_scoped3A : memref<!tpu.dma_semaphore, #tpu.memory_space<semaphore_mem>>)
      %dma_wait3A_58 = tpu.memref_slice %arg3[%mul3A_2] : memref<2576xi32, #tpu.memory_space<hbm>> -> memref<80xi32, #tpu.memory_space<hbm>>
      %dma_wait3A_59 = tpu.memref_slice %arg3[%mul3A_2] : memref<2576xi32, #tpu.memory_space<hbm>> -> memref<80xi32, #tpu.memory_space<hbm>>
      tpu.wait_dma2 semaphore(%run_scoped3A : memref<!tpu.dma_semaphore, #tpu.memory_space<semaphore_mem>>) src(%dma_wait3A_59 : memref<80xi32, #tpu.memory_space<hbm>>) dst(%arg5 : memref<80xi32, #tpu.memory_space<vmem>>)
      tpu.yield
    }) : () -> ()
    %get3A = arith.constant 0 : index
    %get3A_3 = tpu.vector_load %arg5[%get3A] {strides = array<i32>} : memref<80xi32, #tpu.memory_space<vmem>>, vector<16xi32>,
    %get3A_4 = vector.shape_cast %get3A_3 : vector<16xi32> to vector<16xi32>
    %min3A = arith.constant 8191 : i32
    %min3A_5 = vector.broadcast %min3A : i32 to vector<16xi32>
    %min3A_6 = arith.minsi %get3A_4, %min3A_5 : vector<16xi32>
    %swap3A = arith.constant 0 : index
    %swap3A_7 = tpu.vector_load %arg5[%swap3A] {strides = array<i32>} : memref<80xi32, #tpu.memory_space<vmem>>, vector<16xi32>,
    %swap3A_8 = vector.shape_cast %swap3A_7 : vector<16xi32> to vector<16xi32>
    %swap3A_9 = vector.shape_cast %min3A_6 : vector<16xi32> to vector<16xi32>
    tpu.vector_store %arg5[%swap3A], %swap3A_9 {strides = array<i32>} : memref<80xi32, #tpu.memory_space<vmem>>, vector<16xi32>,
    %get3A_10 = arith.constant 16 : index
    %get3A_11 = tpu.vector_load %arg5[%get3A_10] {strides = array<i32>} : memref<80xi32, #tpu.memory_space<vmem>>, vector<16xi32>,
    %get3A_12 = vector.shape_cast %get3A_11 : vector<16xi32> to vector<16xi32>
    %min3A_13 = arith.constant 8191 : i32
    %min3A_14 = vector.broadcast %min3A_13 : i32 to vector<16xi32>
    %min3A_15 = arith.minsi %get3A_12, %min3A_14 : vector<16xi32>
    %swap3A_16 = arith.constant 16 : index
    %swap3A_17 = tpu.vector_load %arg5[%swap3A_16] {strides = array<i32>} : memref<80xi32, #tpu.memory_space<vmem>>, vector<16xi32>,
    %swap3A_18 = vector.shape_cast %swap3A_17 : vector<16xi32> to vector<16xi32>
    %swap3A_19 = vector.shape_cast %min3A_15 : vector<16xi32> to vector<16xi32>
    tpu.vector_store %arg5[%swap3A_16], %swap3A_19 {strides = array<i32>} : memref<80xi32, #tpu.memory_space<vmem>>, vector<16xi32>,
    %get3A_20 = arith.constant 32 : index
    %get3A_21 = tpu.vector_load %arg5[%get3A_20] {strides = array<i32>} : memref<80xi32, #tpu.memory_space<vmem>>, vector<16xi32>,
    %get3A_22 = vector.shape_cast %get3A_21 : vector<16xi32> to vector<16xi32>
    %min3A_23 = arith.constant 8191 : i32
    %min3A_24 = vector.broadcast %min3A_23 : i32 to vector<16xi32>
    %min3A_25 = arith.minsi %get3A_22, %min3A_24 : vector<16xi32>
    %swap3A_26 = arith.constant 32 : index
    %swap3A_27 = tpu.vector_load %arg5[%swap3A_26] {strides = array<i32>} : memref<80xi32, #tpu.memory_space<vmem>>, vector<16xi32>,
    %swap3A_28 = vector.shape_cast %swap3A_27 : vector<16xi32> to vector<16xi32>
    %swap3A_29 = vector.shape_cast %min3A_25 : vector<16xi32> to vector<16xi32>
    tpu.vector_store %arg5[%swap3A_26], %swap3A_29 {strides = array<i32>} : memref<80xi32, #tpu.memory_space<vmem>>, vector<16xi32>,
    %get3A_30 = arith.constant 48 : index
    %get3A_31 = tpu.vector_load %arg5[%get3A_30] {strides = array<i32>} : memref<80xi32, #tpu.memory_space<vmem>>, vector<16xi32>,
    %get3A_32 = vector.shape_cast %get3A_31 : vector<16xi32> to vector<16xi32>
    %min3A_33 = arith.constant 8191 : i32
    %min3A_34 = vector.broadcast %min3A_33 : i32 to vector<16xi32>
    %min3A_35 = arith.minsi %get3A_32, %min3A_34 : vector<16xi32>
    %swap3A_36 = arith.constant 48 : index
    %swap3A_37 = tpu.vector_load %arg5[%swap3A_36] {strides = array<i32>} : memref<80xi32, #tpu.memory_space<vmem>>, vector<16xi32>,
    %swap3A_38 = vector.shape_cast %swap3A_37 : vector<16xi32> to vector<16xi32>
    %swap3A_39 = vector.shape_cast %min3A_35 : vector<16xi32> to vector<16xi32>
    tpu.vector_store %arg5[%swap3A_36], %swap3A_39 {strides = array<i32>} : memref<80xi32, #tpu.memory_space<vmem>>, vector<16xi32>,
    %get3A_40 = arith.constant 64 : index
    %get3A_41 = tpu.vector_load %arg5[%get3A_40] {strides = array<i32>} : memref<80xi32, #tpu.memory_space<vmem>>, vector<16xi32>,
    %get3A_42 = vector.shape_cast %get3A_41 : vector<16xi32> to vector<16xi32>
    %min3A_43 = arith.constant 8191 : i32
    %min3A_44 = vector.broadcast %min3A_43 : i32 to vector<16xi32>
    %min3A_45 = arith.minsi %get3A_42, %min3A_44 : vector<16xi32>
    %swap3A_46 = arith.constant 64 : index
    %swap3A_47 = tpu.vector_load %arg5[%swap3A_46] {strides = array<i32>} : memref<80xi32, #tpu.memory_space<vmem>>, vector<16xi32>,
    %swap3A_48 = vector.shape_cast %swap3A_47 : vector<16xi32> to vector<16xi32>
    %swap3A_49 = vector.shape_cast %min3A_45 : vector<16xi32> to vector<16xi32>
    tpu.vector_store %arg5[%swap3A_46], %swap3A_49 {strides = array<i32>} : memref<80xi32, #tpu.memory_space<vmem>>, vector<16xi32>,
    %dma_start3A = arith.constant 0 : i32
    %dma_start3A_50 = arith.constant 0 : i32
    %dma_start3A_51 = tpu.memref_slice %arg2[%dma_start3A, %dma_start3A_50] : memref<8192x768xf32, #tpu.memory_space<hbm>> -> memref<8192x768xf32, #tpu.memory_space<hbm>>
    tpu.enqueue_indirect_dma source(%dma_start3A_51 : memref<8192x768xf32, #tpu.memory_space<hbm>>) target(%arg6 : memref<80x768xf32, #tpu.memory_space<vmem>>) offsets(%arg5 : memref<80xi32, #tpu.memory_space<vmem>>) semaphore(%arg7 : memref<!tpu.dma_semaphore, #tpu.memory_space<semaphore_mem>>)
    %dma_wait3A = arith.constant 0 : i32
    %dma_wait3A_52 = arith.constant 0 : i32
    %dma_wait3A_53 = tpu.memref_slice %arg2[%dma_wait3A, %dma_wait3A_52] : memref<8192x768xf32, #tpu.memory_space<hbm>> -> memref<8192x768xf32, #tpu.memory_space<hbm>>
    tpu.wait_indirect_dma semaphore(%arg7 : memref<!tpu.dma_semaphore, #tpu.memory_space<semaphore_mem>>) src(%dma_wait3A_53 : memref<8192x768xf32, #tpu.memory_space<hbm>>) dst(%arg6 : memref<80x768xf32, #tpu.memory_space<vmem>>)
    %mul3A_54 = arith.constant 80 : i32
    %mul3A_55 = arith.muli %add3A, %mul3A_54 : i32
    "tpu.region"() ({
      %run_scoped3A = tpu.sem_alloc : memref<!tpu.dma_semaphore, #tpu.memory_space<semaphore_mem>>
      %dma_start3A_56 = arith.constant 0 : i32
      %dma_start3A_57 = tpu.memref_slice %arg4[%mul3A_55, %dma_start3A_56] : memref<2560x768xf32, #tpu.memory_space<hbm>> -> memref<80x768xf32, #tpu.memory_space<hbm>>
      %dma_start3A_58 = arith.constant 0 : i32
      %dma_start3A_59 = tpu.memref_slice %arg4[%mul3A_55, %dma_start3A_58] : memref<2560x768xf32, #tpu.memory_space<hbm>> -> memref<80x768xf32, #tpu.memory_space<hbm>>
      tpu.enqueue_dma source(%arg6 : memref<80x768xf32, #tpu.memory_space<vmem>>) target(%dma_start3A_59 : memref<80x768xf32, #tpu.memory_space<hbm>>) target_semaphore(%run_scoped3A : memref<!tpu.dma_semaphore, #tpu.memory_space<semaphore_mem>>)
      %dma_wait3A_60 = arith.constant 0 : i32
      %dma_wait3A_61 = tpu.memref_slice %arg4[%mul3A_55, %dma_wait3A_60] : memref<2560x768xf32, #tpu.memory_space<hbm>> -> memref<80x768xf32, #tpu.memory_space<hbm>>
      %dma_wait3A_62 = arith.constant 0 : i32
      %dma_wait3A_63 = tpu.memref_slice %arg4[%mul3A_55, %dma_wait3A_62] : memref<2560x768xf32, #tpu.memory_space<hbm>> -> memref<80x768xf32, #tpu.memory_space<hbm>>
      tpu.wait_dma2 semaphore(%run_scoped3A : memref<!tpu.dma_semaphore, #tpu.memory_space<semaphore_mem>>) src(%arg6 : memref<80x768xf32, #tpu.memory_space<vmem>>) dst(%dma_wait3A_63 : memref<80x768xf32, #tpu.memory_space<hbm>>)
      tpu.yield
    }) : () -> ()
    return
  }
}

#map = affine_map<(d0, d1) -> (0)>
module attributes {stable_mosaic.version = 14 : i64} {
  func.func @_sc_invert(%arg0: i32, %arg1: i32, %arg2: memref<8192xi32, #tpu.memory_space<hbm>>, %arg3: memref<2576xi32, #tpu.memory_space<hbm>>, %arg4: memref<80xi32, #tpu.memory_space<vmem>>, %arg5: memref<64xi32, #tpu.memory_space<vmem>>, %arg6: memref<64xi32, #tpu.memory_space<vmem>>, %arg7: memref<64xi32, #tpu.memory_space<vmem>>, %arg8: memref<!tpu.dma_semaphore, #tpu.memory_space<semaphore_mem>>) attributes {dimension_semantics = [#tpu.dimension_semantics<core_parallel>, #tpu.dimension_semantics<subcore_parallel>], iteration_bounds = array<i64: 2, 16>, scalar_prefetch = 0 : i64, scratch_operands = 5 : i64, tpu.core_type = #tpu.core_type<sc_vector_subcore>, window_params = [{transform_indices = #map}, {transform_indices = #map}]} {
    %broadcast_in_dim3A = arith.constant 8192 : i32
    %broadcast_in_dim3A_0 = vector.broadcast %broadcast_in_dim3A : i32 to vector<16xi32>
    %swap3A = arith.constant 0 : index
    %swap3A_1 = tpu.vector_load %arg4[%swap3A] {strides = array<i32>} : memref<80xi32, #tpu.memory_space<vmem>>, vector<16xi32>,
    %swap3A_2 = vector.shape_cast %swap3A_1 : vector<16xi32> to vector<16xi32>
    %swap3A_3 = vector.shape_cast %broadcast_in_dim3A_0 : vector<16xi32> to vector<16xi32>
    tpu.vector_store %arg4[%swap3A], %swap3A_3 {strides = array<i32>} : memref<80xi32, #tpu.memory_space<vmem>>, vector<16xi32>,
    %broadcast_in_dim3A_4 = arith.constant 8192 : i32
    %broadcast_in_dim3A_5 = vector.broadcast %broadcast_in_dim3A_4 : i32 to vector<16xi32>
    %swap3A_6 = arith.constant 16 : index
    %swap3A_7 = tpu.vector_load %arg4[%swap3A_6] {strides = array<i32>} : memref<80xi32, #tpu.memory_space<vmem>>, vector<16xi32>,
    %swap3A_8 = vector.shape_cast %swap3A_7 : vector<16xi32> to vector<16xi32>
    %swap3A_9 = vector.shape_cast %broadcast_in_dim3A_5 : vector<16xi32> to vector<16xi32>
    tpu.vector_store %arg4[%swap3A_6], %swap3A_9 {strides = array<i32>} : memref<80xi32, #tpu.memory_space<vmem>>, vector<16xi32>,
    %broadcast_in_dim3A_10 = arith.constant 8192 : i32
    %broadcast_in_dim3A_11 = vector.broadcast %broadcast_in_dim3A_10 : i32 to vector<16xi32>
    %swap3A_12 = arith.constant 32 : index
    %swap3A_13 = tpu.vector_load %arg4[%swap3A_12] {strides = array<i32>} : memref<80xi32, #tpu.memory_space<vmem>>, vector<16xi32>,
    %swap3A_14 = vector.shape_cast %swap3A_13 : vector<16xi32> to vector<16xi32>
    %swap3A_15 = vector.shape_cast %broadcast_in_dim3A_11 : vector<16xi32> to vector<16xi32>
    tpu.vector_store %arg4[%swap3A_12], %swap3A_15 {strides = array<i32>} : memref<80xi32, #tpu.memory_space<vmem>>, vector<16xi32>,
    %broadcast_in_dim3A_16 = arith.constant 8192 : i32
    %broadcast_in_dim3A_17 = vector.broadcast %broadcast_in_dim3A_16 : i32 to vector<16xi32>
    %swap3A_18 = arith.constant 48 : index
    %swap3A_19 = tpu.vector_load %arg4[%swap3A_18] {strides = array<i32>} : memref<80xi32, #tpu.memory_space<vmem>>, vector<16xi32>,
    %swap3A_20 = vector.shape_cast %swap3A_19 : vector<16xi32> to vector<16xi32>
    %swap3A_21 = vector.shape_cast %broadcast_in_dim3A_17 : vector<16xi32> to vector<16xi32>
    tpu.vector_store %arg4[%swap3A_18], %swap3A_21 {strides = array<i32>} : memref<80xi32, #tpu.memory_space<vmem>>, vector<16xi32>,
    %broadcast_in_dim3A_22 = arith.constant 8192 : i32
    %broadcast_in_dim3A_23 = vector.broadcast %broadcast_in_dim3A_22 : i32 to vector<16xi32>
    %swap3A_24 = arith.constant 64 : index
    %swap3A_25 = tpu.vector_load %arg4[%swap3A_24] {strides = array<i32>} : memref<80xi32, #tpu.memory_space<vmem>>, vector<16xi32>,
    %swap3A_26 = vector.shape_cast %swap3A_25 : vector<16xi32> to vector<16xi32>
    %swap3A_27 = vector.shape_cast %broadcast_in_dim3A_23 : vector<16xi32> to vector<16xi32>
    tpu.vector_store %arg4[%swap3A_24], %swap3A_27 {strides = array<i32>} : memref<80xi32, #tpu.memory_space<vmem>>, vector<16xi32>,
    %mul3A = arith.constant 1280 : i32
    %mul3A_28 = arith.muli %arg0, %mul3A : i32
    %mul3A_29 = arith.constant 80 : i32
    %mul3A_30 = arith.muli %arg1, %mul3A_29 : i32
    %add3A = arith.addi %mul3A_28, %mul3A_30 : i32
    "tpu.region"() ({
      %run_scoped3A = tpu.sem_alloc : memref<!tpu.dma_semaphore, #tpu.memory_space<semaphore_mem>>
      %dma_start3A_484 = tpu.memref_slice %arg3[%add3A] : memref<2576xi32, #tpu.memory_space<hbm>> -> memref<80xi32, #tpu.memory_space<hbm>>
      %dma_start3A_485 = tpu.memref_slice %arg3[%add3A] : memref<2576xi32, #tpu.memory_space<hbm>> -> memref<80xi32, #tpu.memory_space<hbm>>
      tpu.enqueue_dma source(%arg4 : memref<80xi32, #tpu.memory_space<vmem>>) target(%dma_start3A_485 : memref<80xi32, #tpu.memory_space<hbm>>) target_semaphore(%run_scoped3A : memref<!tpu.dma_semaphore, #tpu.memory_space<semaphore_mem>>)
      %dma_wait3A_486 = tpu.memref_slice %arg3[%add3A] : memref<2576xi32, #tpu.memory_space<hbm>> -> memref<80xi32, #tpu.memory_space<hbm>>
      %dma_wait3A_487 = tpu.memref_slice %arg3[%add3A] : memref<2576xi32, #tpu.memory_space<hbm>> -> memref<80xi32, #tpu.memory_space<hbm>>
      tpu.wait_dma2 semaphore(%run_scoped3A : memref<!tpu.dma_semaphore, #tpu.memory_space<semaphore_mem>>) src(%arg4 : memref<80xi32, #tpu.memory_space<vmem>>) dst(%dma_wait3A_487 : memref<80xi32, #tpu.memory_space<hbm>>)
      tpu.yield
    }) : () -> ()
    %barrier3A = arith.constant 0 : index
    tpu.barrier barrier_id(%barrier3A)
    %mul3A_31 = arith.constant 4096 : i32
    %mul3A_32 = arith.muli %arg0, %mul3A_31 : i32
    %mul3A_33 = arith.constant 256 : i32
    %mul3A_34 = arith.muli %arg1, %mul3A_33 : i32
    %add3A_35 = arith.addi %mul3A_32, %mul3A_34 : i32
    %add3A_36 = arith.constant 0 : i32
    %add3A_37 = arith.addi %add3A_35, %add3A_36 : i32
    "tpu.region"() ({
      %run_scoped3A = tpu.sem_alloc : memref<!tpu.dma_semaphore, #tpu.memory_space<semaphore_mem>>
      %dma_start3A_484 = tpu.memref_slice %arg2[%add3A_37] : memref<8192xi32, #tpu.memory_space<hbm>> -> memref<64xi32, #tpu.memory_space<hbm>>
      %dma_start3A_485 = tpu.memref_slice %arg2[%add3A_37] : memref<8192xi32, #tpu.memory_space<hbm>> -> memref<64xi32, #tpu.memory_space<hbm>>
      tpu.enqueue_dma source(%dma_start3A_485 : memref<64xi32, #tpu.memory_space<hbm>>) target(%arg5 : memref<64xi32, #tpu.memory_space<vmem>>) target_semaphore(%run_scoped3A : memref<!tpu.dma_semaphore, #tpu.memory_space<semaphore_mem>>)
      %dma_wait3A_486 = tpu.memref_slice %arg2[%add3A_37] : memref<8192xi32, #tpu.memory_space<hbm>> -> memref<64xi32, #tpu.memory_space<hbm>>
      %dma_wait3A_487 = tpu.memref_slice %arg2[%add3A_37] : memref<8192xi32, #tpu.memory_space<hbm>> -> memref<64xi32, #tpu.memory_space<hbm>>
      tpu.wait_dma2 semaphore(%run_scoped3A : memref<!tpu.dma_semaphore, #tpu.memory_space<semaphore_mem>>) src(%dma_wait3A_487 : memref<64xi32, #tpu.memory_space<hbm>>) dst(%arg5 : memref<64xi32, #tpu.memory_space<vmem>>)
      tpu.yield
    }) : () -> ()
    %get3A = arith.constant 0 : index
    %get3A_38 = tpu.vector_load %arg5[%get3A] {strides = array<i32>} : memref<64xi32, #tpu.memory_space<vmem>>, vector<16xi32>,
    %get3A_39 = vector.shape_cast %get3A_38 : vector<16xi32> to vector<16xi32>
    %add3A_40 = arith.constant 0 : i32
    %add3A_41 = arith.addi %add3A_37, %add3A_40 : i32
    %iota3A = tpu.iota {dimensions = array<i32: 0>} : vector<16xi32>
    %add3A_42 = vector.broadcast %add3A_41 : i32 to vector<16xi32>
    %add3A_43 = arith.addi %add3A_42, %iota3A : vector<16xi32>
    %lt3A = arith.constant 1228 : i32
    %lt3A_44 = vector.broadcast %lt3A : i32 to vector<16xi32>
    %lt3A_45 = arith.cmpi slt, %get3A_39, %lt3A_44 : vector<16xi32>
    %mul3A_46 = arith.constant 1280 : i32
    %mul3A_47 = arith.muli %arg0, %mul3A_46 : i32
    %add3A_48 = vector.broadcast %mul3A_47 : i32 to vector<16xi32>
    %add3A_49 = arith.addi %add3A_48, %get3A_39 : vector<16xi32>
    %jit3A = arith.constant 2560 : i32
    %broadcast_in_dim3A_50 = vector.broadcast %jit3A : i32 to vector<16xi32>
    %select_n3A = arith.select %lt3A_45, %add3A_49, %broadcast_in_dim3A_50 : vector<16xi1>, vector<16xi32>
    %swap3A_51 = arith.constant 0 : index
    %swap3A_52 = tpu.vector_load %arg6[%swap3A_51] {strides = array<i32>} : memref<64xi32, #tpu.memory_space<vmem>>, vector<16xi32>,
    %swap3A_53 = vector.shape_cast %swap3A_52 : vector<16xi32> to vector<16xi32>
    %swap3A_54 = vector.shape_cast %select_n3A : vector<16xi32> to vector<16xi32>
    tpu.vector_store %arg6[%swap3A_51], %swap3A_54 {strides = array<i32>} : memref<64xi32, #tpu.memory_space<vmem>>, vector<16xi32>,
    %swap3A_55 = arith.constant 0 : index
    %swap3A_56 = tpu.vector_load %arg7[%swap3A_55] {strides = array<i32>} : memref<64xi32, #tpu.memory_space<vmem>>, vector<16xi32>,
    %swap3A_57 = vector.shape_cast %swap3A_56 : vector<16xi32> to vector<16xi32>
    %swap3A_58 = vector.shape_cast %add3A_43 : vector<16xi32> to vector<16xi32>
    tpu.vector_store %arg7[%swap3A_55], %swap3A_58 {strides = array<i32>} : memref<64xi32, #tpu.memory_space<vmem>>, vector<16xi32>,
    %get3A_59 = arith.constant 16 : index
    %get3A_60 = tpu.vector_load %arg5[%get3A_59] {strides = array<i32>} : memref<64xi32, #tpu.memory_space<vmem>>, vector<16xi32>,
    %get3A_61 = vector.shape_cast %get3A_60 : vector<16xi32> to vector<16xi32>
    %add3A_62 = arith.constant 16 : i32
    %add3A_63 = arith.addi %add3A_37, %add3A_62 : i32
    %iota3A_64 = tpu.iota {dimensions = array<i32: 0>} : vector<16xi32>
    %add3A_65 = vector.broadcast %add3A_63 : i32 to vector<16xi32>
    %add3A_66 = arith.addi %add3A_65, %iota3A_64 : vector<16xi32>
    %lt3A_67 = arith.constant 1228 : i32
    %lt3A_68 = vector.broadcast %lt3A_67 : i32 to vector<16xi32>
    %lt3A_69 = arith.cmpi slt, %get3A_61, %lt3A_68 : vector<16xi32>
    %mul3A_70 = arith.constant 1280 : i32
    %mul3A_71 = arith.muli %arg0, %mul3A_70 : i32
    %add3A_72 = vector.broadcast %mul3A_71 : i32 to vector<16xi32>
    %add3A_73 = arith.addi %add3A_72, %get3A_61 : vector<16xi32>
    %jit3A_74 = arith.constant 2560 : i32
    %broadcast_in_dim3A_75 = vector.broadcast %jit3A_74 : i32 to vector<16xi32>
    %select_n3A_76 = arith.select %lt3A_69, %add3A_73, %broadcast_in_dim3A_75 : vector<16xi1>, vector<16xi32>
    %swap3A_77 = arith.constant 16 : index
    %swap3A_78 = tpu.vector_load %arg6[%swap3A_77] {strides = array<i32>} : memref<64xi32, #tpu.memory_space<vmem>>, vector<16xi32>,
    %swap3A_79 = vector.shape_cast %swap3A_78 : vector<16xi32> to vector<16xi32>
    %swap3A_80 = vector.shape_cast %select_n3A_76 : vector<16xi32> to vector<16xi32>
    tpu.vector_store %arg6[%swap3A_77], %swap3A_80 {strides = array<i32>} : memref<64xi32, #tpu.memory_space<vmem>>, vector<16xi32>,
    %swap3A_81 = arith.constant 16 : index
    %swap3A_82 = tpu.vector_load %arg7[%swap3A_81] {strides = array<i32>} : memref<64xi32, #tpu.memory_space<vmem>>, vector<16xi32>,
    %swap3A_83 = vector.shape_cast %swap3A_82 : vector<16xi32> to vector<16xi32>
    %swap3A_84 = vector.shape_cast %add3A_66 : vector<16xi32> to vector<16xi32>
    tpu.vector_store %arg7[%swap3A_81], %swap3A_84 {strides = array<i32>} : memref<64xi32, #tpu.memory_space<vmem>>, vector<16xi32>,
    %get3A_85 = arith.constant 32 : index
    %get3A_86 = tpu.vector_load %arg5[%get3A_85] {strides = array<i32>} : memref<64xi32, #tpu.memory_space<vmem>>, vector<16xi32>,
    %get3A_87 = vector.shape_cast %get3A_86 : vector<16xi32> to vector<16xi32>
    %add3A_88 = arith.constant 32 : i32
    %add3A_89 = arith.addi %add3A_37, %add3A_88 : i32
    %iota3A_90 = tpu.iota {dimensions = array<i32: 0>} : vector<16xi32>
    %add3A_91 = vector.broadcast %add3A_89 : i32 to vector<16xi32>
    %add3A_92 = arith.addi %add3A_91, %iota3A_90 : vector<16xi32>
    %lt3A_93 = arith.constant 1228 : i32
    %lt3A_94 = vector.broadcast %lt3A_93 : i32 to vector<16xi32>
    %lt3A_95 = arith.cmpi slt, %get3A_87, %lt3A_94 : vector<16xi32>
    %mul3A_96 = arith.constant 1280 : i32
    %mul3A_97 = arith.muli %arg0, %mul3A_96 : i32
    %add3A_98 = vector.broadcast %mul3A_97 : i32 to vector<16xi32>
    %add3A_99 = arith.addi %add3A_98, %get3A_87 : vector<16xi32>
    %jit3A_100 = arith.constant 2560 : i32
    %broadcast_in_dim3A_101 = vector.broadcast %jit3A_100 : i32 to vector<16xi32>
    %select_n3A_102 = arith.select %lt3A_95, %add3A_99, %broadcast_in_dim3A_101 : vector<16xi1>, vector<16xi32>
    %swap3A_103 = arith.constant 32 : index
    %swap3A_104 = tpu.vector_load %arg6[%swap3A_103] {strides = array<i32>} : memref<64xi32, #tpu.memory_space<vmem>>, vector<16xi32>,
    %swap3A_105 = vector.shape_cast %swap3A_104 : vector<16xi32> to vector<16xi32>
    %swap3A_106 = vector.shape_cast %select_n3A_102 : vector<16xi32> to vector<16xi32>
    tpu.vector_store %arg6[%swap3A_103], %swap3A_106 {strides = array<i32>} : memref<64xi32, #tpu.memory_space<vmem>>, vector<16xi32>,
    %swap3A_107 = arith.constant 32 : index
    %swap3A_108 = tpu.vector_load %arg7[%swap3A_107] {strides = array<i32>} : memref<64xi32, #tpu.memory_space<vmem>>, vector<16xi32>,
    %swap3A_109 = vector.shape_cast %swap3A_108 : vector<16xi32> to vector<16xi32>
    %swap3A_110 = vector.shape_cast %add3A_92 : vector<16xi32> to vector<16xi32>
    tpu.vector_store %arg7[%swap3A_107], %swap3A_110 {strides = array<i32>} : memref<64xi32, #tpu.memory_space<vmem>>, vector<16xi32>,
    %get3A_111 = arith.constant 48 : index
    %get3A_112 = tpu.vector_load %arg5[%get3A_111] {strides = array<i32>} : memref<64xi32, #tpu.memory_space<vmem>>, vector<16xi32>,
    %get3A_113 = vector.shape_cast %get3A_112 : vector<16xi32> to vector<16xi32>
    %add3A_114 = arith.constant 48 : i32
    %add3A_115 = arith.addi %add3A_37, %add3A_114 : i32
    %iota3A_116 = tpu.iota {dimensions = array<i32: 0>} : vector<16xi32>
    %add3A_117 = vector.broadcast %add3A_115 : i32 to vector<16xi32>
    %add3A_118 = arith.addi %add3A_117, %iota3A_116 : vector<16xi32>
    %lt3A_119 = arith.constant 1228 : i32
    %lt3A_120 = vector.broadcast %lt3A_119 : i32 to vector<16xi32>
    %lt3A_121 = arith.cmpi slt, %get3A_113, %lt3A_120 : vector<16xi32>
    %mul3A_122 = arith.constant 1280 : i32
    %mul3A_123 = arith.muli %arg0, %mul3A_122 : i32
    %add3A_124 = vector.broadcast %mul3A_123 : i32 to vector<16xi32>
    %add3A_125 = arith.addi %add3A_124, %get3A_113 : vector<16xi32>
    %jit3A_126 = arith.constant 2560 : i32
    %broadcast_in_dim3A_127 = vector.broadcast %jit3A_126 : i32 to vector<16xi32>
    %select_n3A_128 = arith.select %lt3A_121, %add3A_125, %broadcast_in_dim3A_127 : vector<16xi1>, vector<16xi32>
    %swap3A_129 = arith.constant 48 : index
    %swap3A_130 = tpu.vector_load %arg6[%swap3A_129] {strides = array<i32>} : memref<64xi32, #tpu.memory_space<vmem>>, vector<16xi32>,
    %swap3A_131 = vector.shape_cast %swap3A_130 : vector<16xi32> to vector<16xi32>
    %swap3A_132 = vector.shape_cast %select_n3A_128 : vector<16xi32> to vector<16xi32>
    tpu.vector_store %arg6[%swap3A_129], %swap3A_132 {strides = array<i32>} : memref<64xi32, #tpu.memory_space<vmem>>, vector<16xi32>,
    %swap3A_133 = arith.constant 48 : index
    %swap3A_134 = tpu.vector_load %arg7[%swap3A_133] {strides = array<i32>} : memref<64xi32, #tpu.memory_space<vmem>>, vector<16xi32>,
    %swap3A_135 = vector.shape_cast %swap3A_134 : vector<16xi32> to vector<16xi32>
    %swap3A_136 = vector.shape_cast %add3A_118 : vector<16xi32> to vector<16xi32>
    tpu.vector_store %arg7[%swap3A_133], %swap3A_136 {strides = array<i32>} : memref<64xi32, #tpu.memory_space<vmem>>, vector<16xi32>,
    %dma_start3A = arith.constant 0 : i32
    %dma_start3A_137 = tpu.memref_slice %arg3[%dma_start3A] : memref<2576xi32, #tpu.memory_space<hbm>> -> memref<2576xi32, #tpu.memory_space<hbm>>
    tpu.enqueue_indirect_dma source(%arg7 : memref<64xi32, #tpu.memory_space<vmem>>) target(%dma_start3A_137 : memref<2576xi32, #tpu.memory_space<hbm>>) offsets(%arg6 : memref<64xi32, #tpu.memory_space<vmem>>) semaphore(%arg8 : memref<!tpu.dma_semaphore, #tpu.memory_space<semaphore_mem>>)
    %dma_wait3A = arith.constant 0 : i32
    %dma_wait3A_138 = tpu.memref_slice %arg3[%dma_wait3A] : memref<2576xi32, #tpu.memory_space<hbm>> -> memref<2576xi32, #tpu.memory_space<hbm>>
    tpu.wait_indirect_dma semaphore(%arg8 : memref<!tpu.dma_semaphore, #tpu.memory_space<semaphore_mem>>) src(%arg7 : memref<64xi32, #tpu.memory_space<vmem>>) dst(%dma_wait3A_138 : memref<2576xi32, #tpu.memory_space<hbm>>)
    %mul3A_139 = arith.constant 4096 : i32
    %mul3A_140 = arith.muli %arg0, %mul3A_139 : i32
    %mul3A_141 = arith.constant 256 : i32
    %mul3A_142 = arith.muli %arg1, %mul3A_141 : i32
    %add3A_143 = arith.addi %mul3A_140, %mul3A_142 : i32
    %add3A_144 = arith.constant 64 : i32
    %add3A_145 = arith.addi %add3A_143, %add3A_144 : i32
    "tpu.region"() ({
      %run_scoped3A = tpu.sem_alloc : memref<!tpu.dma_semaphore, #tpu.memory_space<semaphore_mem>>
      %dma_start3A_484 = tpu.memref_slice %arg2[%add3A_145] : memref<8192xi32, #tpu.memory_space<hbm>> -> memref<64xi32, #tpu.memory_space<hbm>>
      %dma_start3A_485 = tpu.memref_slice %arg2[%add3A_145] : memref<8192xi32, #tpu.memory_space<hbm>> -> memref<64xi32, #tpu.memory_space<hbm>>
      tpu.enqueue_dma source(%dma_start3A_485 : memref<64xi32, #tpu.memory_space<hbm>>) target(%arg5 : memref<64xi32, #tpu.memory_space<vmem>>) target_semaphore(%run_scoped3A : memref<!tpu.dma_semaphore, #tpu.memory_space<semaphore_mem>>)
      %dma_wait3A_486 = tpu.memref_slice %arg2[%add3A_145] : memref<8192xi32, #tpu.memory_space<hbm>> -> memref<64xi32, #tpu.memory_space<hbm>>
      %dma_wait3A_487 = tpu.memref_slice %arg2[%add3A_145] : memref<8192xi32, #tpu.memory_space<hbm>> -> memref<64xi32, #tpu.memory_space<hbm>>
      tpu.wait_dma2 semaphore(%run_scoped3A : memref<!tpu.dma_semaphore, #tpu.memory_space<semaphore_mem>>) src(%dma_wait3A_487 : memref<64xi32, #tpu.memory_space<hbm>>) dst(%arg5 : memref<64xi32, #tpu.memory_space<vmem>>)
      tpu.yield
    }) : () -> ()
    %get3A_146 = arith.constant 0 : index
    %get3A_147 = tpu.vector_load %arg5[%get3A_146] {strides = array<i32>} : memref<64xi32, #tpu.memory_space<vmem>>, vector<16xi32>,
    %get3A_148 = vector.shape_cast %get3A_147 : vector<16xi32> to vector<16xi32>
    %add3A_149 = arith.constant 0 : i32
    %add3A_150 = arith.addi %add3A_145, %add3A_149 : i32
    %iota3A_151 = tpu.iota {dimensions = array<i32: 0>} : vector<16xi32>
    %add3A_152 = vector.broadcast %add3A_150 : i32 to vector<16xi32>
    %add3A_153 = arith.addi %add3A_152, %iota3A_151 : vector<16xi32>
    %lt3A_154 = arith.constant 1228 : i32
    %lt3A_155 = vector.broadcast %lt3A_154 : i32 to vector<16xi32>
    %lt3A_156 = arith.cmpi slt, %get3A_148, %lt3A_155 : vector<16xi32>
    %mul3A_157 = arith.constant 1280 : i32
    %mul3A_158 = arith.muli %arg0, %mul3A_157 : i32
    %add3A_159 = vector.broadcast %mul3A_158 : i32 to vector<16xi32>
    %add3A_160 = arith.addi %add3A_159, %get3A_148 : vector<16xi32>
    %jit3A_161 = arith.constant 2560 : i32
    %broadcast_in_dim3A_162 = vector.broadcast %jit3A_161 : i32 to vector<16xi32>
    %select_n3A_163 = arith.select %lt3A_156, %add3A_160, %broadcast_in_dim3A_162 : vector<16xi1>, vector<16xi32>
    %swap3A_164 = arith.constant 0 : index
    %swap3A_165 = tpu.vector_load %arg6[%swap3A_164] {strides = array<i32>} : memref<64xi32, #tpu.memory_space<vmem>>, vector<16xi32>,
    %swap3A_166 = vector.shape_cast %swap3A_165 : vector<16xi32> to vector<16xi32>
    %swap3A_167 = vector.shape_cast %select_n3A_163 : vector<16xi32> to vector<16xi32>
    tpu.vector_store %arg6[%swap3A_164], %swap3A_167 {strides = array<i32>} : memref<64xi32, #tpu.memory_space<vmem>>, vector<16xi32>,
    %swap3A_168 = arith.constant 0 : index
    %swap3A_169 = tpu.vector_load %arg7[%swap3A_168] {strides = array<i32>} : memref<64xi32, #tpu.memory_space<vmem>>, vector<16xi32>,
    %swap3A_170 = vector.shape_cast %swap3A_169 : vector<16xi32> to vector<16xi32>
    %swap3A_171 = vector.shape_cast %add3A_153 : vector<16xi32> to vector<16xi32>
    tpu.vector_store %arg7[%swap3A_168], %swap3A_171 {strides = array<i32>} : memref<64xi32, #tpu.memory_space<vmem>>, vector<16xi32>,
    %get3A_172 = arith.constant 16 : index
    %get3A_173 = tpu.vector_load %arg5[%get3A_172] {strides = array<i32>} : memref<64xi32, #tpu.memory_space<vmem>>, vector<16xi32>,
    %get3A_174 = vector.shape_cast %get3A_173 : vector<16xi32> to vector<16xi32>
    %add3A_175 = arith.constant 16 : i32
    %add3A_176 = arith.addi %add3A_145, %add3A_175 : i32
    %iota3A_177 = tpu.iota {dimensions = array<i32: 0>} : vector<16xi32>
    %add3A_178 = vector.broadcast %add3A_176 : i32 to vector<16xi32>
    %add3A_179 = arith.addi %add3A_178, %iota3A_177 : vector<16xi32>
    %lt3A_180 = arith.constant 1228 : i32
    %lt3A_181 = vector.broadcast %lt3A_180 : i32 to vector<16xi32>
    %lt3A_182 = arith.cmpi slt, %get3A_174, %lt3A_181 : vector<16xi32>
    %mul3A_183 = arith.constant 1280 : i32
    %mul3A_184 = arith.muli %arg0, %mul3A_183 : i32
    %add3A_185 = vector.broadcast %mul3A_184 : i32 to vector<16xi32>
    %add3A_186 = arith.addi %add3A_185, %get3A_174 : vector<16xi32>
    %jit3A_187 = arith.constant 2560 : i32
    %broadcast_in_dim3A_188 = vector.broadcast %jit3A_187 : i32 to vector<16xi32>
    %select_n3A_189 = arith.select %lt3A_182, %add3A_186, %broadcast_in_dim3A_188 : vector<16xi1>, vector<16xi32>
    %swap3A_190 = arith.constant 16 : index
    %swap3A_191 = tpu.vector_load %arg6[%swap3A_190] {strides = array<i32>} : memref<64xi32, #tpu.memory_space<vmem>>, vector<16xi32>,
    %swap3A_192 = vector.shape_cast %swap3A_191 : vector<16xi32> to vector<16xi32>
    %swap3A_193 = vector.shape_cast %select_n3A_189 : vector<16xi32> to vector<16xi32>
    tpu.vector_store %arg6[%swap3A_190], %swap3A_193 {strides = array<i32>} : memref<64xi32, #tpu.memory_space<vmem>>, vector<16xi32>,
    %swap3A_194 = arith.constant 16 : index
    %swap3A_195 = tpu.vector_load %arg7[%swap3A_194] {strides = array<i32>} : memref<64xi32, #tpu.memory_space<vmem>>, vector<16xi32>,
    %swap3A_196 = vector.shape_cast %swap3A_195 : vector<16xi32> to vector<16xi32>
    %swap3A_197 = vector.shape_cast %add3A_179 : vector<16xi32> to vector<16xi32>
    tpu.vector_store %arg7[%swap3A_194], %swap3A_197 {strides = array<i32>} : memref<64xi32, #tpu.memory_space<vmem>>, vector<16xi32>,
    %get3A_198 = arith.constant 32 : index
    %get3A_199 = tpu.vector_load %arg5[%get3A_198] {strides = array<i32>} : memref<64xi32, #tpu.memory_space<vmem>>, vector<16xi32>,
    %get3A_200 = vector.shape_cast %get3A_199 : vector<16xi32> to vector<16xi32>
    %add3A_201 = arith.constant 32 : i32
    %add3A_202 = arith.addi %add3A_145, %add3A_201 : i32
    %iota3A_203 = tpu.iota {dimensions = array<i32: 0>} : vector<16xi32>
    %add3A_204 = vector.broadcast %add3A_202 : i32 to vector<16xi32>
    %add3A_205 = arith.addi %add3A_204, %iota3A_203 : vector<16xi32>
    %lt3A_206 = arith.constant 1228 : i32
    %lt3A_207 = vector.broadcast %lt3A_206 : i32 to vector<16xi32>
    %lt3A_208 = arith.cmpi slt, %get3A_200, %lt3A_207 : vector<16xi32>
    %mul3A_209 = arith.constant 1280 : i32
    %mul3A_210 = arith.muli %arg0, %mul3A_209 : i32
    %add3A_211 = vector.broadcast %mul3A_210 : i32 to vector<16xi32>
    %add3A_212 = arith.addi %add3A_211, %get3A_200 : vector<16xi32>
    %jit3A_213 = arith.constant 2560 : i32
    %broadcast_in_dim3A_214 = vector.broadcast %jit3A_213 : i32 to vector<16xi32>
    %select_n3A_215 = arith.select %lt3A_208, %add3A_212, %broadcast_in_dim3A_214 : vector<16xi1>, vector<16xi32>
    %swap3A_216 = arith.constant 32 : index
    %swap3A_217 = tpu.vector_load %arg6[%swap3A_216] {strides = array<i32>} : memref<64xi32, #tpu.memory_space<vmem>>, vector<16xi32>,
    %swap3A_218 = vector.shape_cast %swap3A_217 : vector<16xi32> to vector<16xi32>
    %swap3A_219 = vector.shape_cast %select_n3A_215 : vector<16xi32> to vector<16xi32>
    tpu.vector_store %arg6[%swap3A_216], %swap3A_219 {strides = array<i32>} : memref<64xi32, #tpu.memory_space<vmem>>, vector<16xi32>,
    %swap3A_220 = arith.constant 32 : index
    %swap3A_221 = tpu.vector_load %arg7[%swap3A_220] {strides = array<i32>} : memref<64xi32, #tpu.memory_space<vmem>>, vector<16xi32>,
    %swap3A_222 = vector.shape_cast %swap3A_221 : vector<16xi32> to vector<16xi32>
    %swap3A_223 = vector.shape_cast %add3A_205 : vector<16xi32> to vector<16xi32>
    tpu.vector_store %arg7[%swap3A_220], %swap3A_223 {strides = array<i32>} : memref<64xi32, #tpu.memory_space<vmem>>, vector<16xi32>,
    %get3A_224 = arith.constant 48 : index
    %get3A_225 = tpu.vector_load %arg5[%get3A_224] {strides = array<i32>} : memref<64xi32, #tpu.memory_space<vmem>>, vector<16xi32>,
    %get3A_226 = vector.shape_cast %get3A_225 : vector<16xi32> to vector<16xi32>
    %add3A_227 = arith.constant 48 : i32
    %add3A_228 = arith.addi %add3A_145, %add3A_227 : i32
    %iota3A_229 = tpu.iota {dimensions = array<i32: 0>} : vector<16xi32>
    %add3A_230 = vector.broadcast %add3A_228 : i32 to vector<16xi32>
    %add3A_231 = arith.addi %add3A_230, %iota3A_229 : vector<16xi32>
    %lt3A_232 = arith.constant 1228 : i32
    %lt3A_233 = vector.broadcast %lt3A_232 : i32 to vector<16xi32>
    %lt3A_234 = arith.cmpi slt, %get3A_226, %lt3A_233 : vector<16xi32>
    %mul3A_235 = arith.constant 1280 : i32
    %mul3A_236 = arith.muli %arg0, %mul3A_235 : i32
    %add3A_237 = vector.broadcast %mul3A_236 : i32 to vector<16xi32>
    %add3A_238 = arith.addi %add3A_237, %get3A_226 : vector<16xi32>
    %jit3A_239 = arith.constant 2560 : i32
    %broadcast_in_dim3A_240 = vector.broadcast %jit3A_239 : i32 to vector<16xi32>
    %select_n3A_241 = arith.select %lt3A_234, %add3A_238, %broadcast_in_dim3A_240 : vector<16xi1>, vector<16xi32>
    %swap3A_242 = arith.constant 48 : index
    %swap3A_243 = tpu.vector_load %arg6[%swap3A_242] {strides = array<i32>} : memref<64xi32, #tpu.memory_space<vmem>>, vector<16xi32>,
    %swap3A_244 = vector.shape_cast %swap3A_243 : vector<16xi32> to vector<16xi32>
    %swap3A_245 = vector.shape_cast %select_n3A_241 : vector<16xi32> to vector<16xi32>
    tpu.vector_store %arg6[%swap3A_242], %swap3A_245 {strides = array<i32>} : memref<64xi32, #tpu.memory_space<vmem>>, vector<16xi32>,
    %swap3A_246 = arith.constant 48 : index
    %swap3A_247 = tpu.vector_load %arg7[%swap3A_246] {strides = array<i32>} : memref<64xi32, #tpu.memory_space<vmem>>, vector<16xi32>,
    %swap3A_248 = vector.shape_cast %swap3A_247 : vector<16xi32> to vector<16xi32>
    %swap3A_249 = vector.shape_cast %add3A_231 : vector<16xi32> to vector<16xi32>
    tpu.vector_store %arg7[%swap3A_246], %swap3A_249 {strides = array<i32>} : memref<64xi32, #tpu.memory_space<vmem>>, vector<16xi32>,
    %dma_start3A_250 = arith.constant 0 : i32
    %dma_start3A_251 = tpu.memref_slice %arg3[%dma_start3A_250] : memref<2576xi32, #tpu.memory_space<hbm>> -> memref<2576xi32, #tpu.memory_space<hbm>>
    tpu.enqueue_indirect_dma source(%arg7 : memref<64xi32, #tpu.memory_space<vmem>>) target(%dma_start3A_251 : memref<2576xi32, #tpu.memory_space<hbm>>) offsets(%arg6 : memref<64xi32, #tpu.memory_space<vmem>>) semaphore(%arg8 : memref<!tpu.dma_semaphore, #tpu.memory_space<semaphore_mem>>)
    %dma_wait3A_252 = arith.constant 0 : i32
    %dma_wait3A_253 = tpu.memref_slice %arg3[%dma_wait3A_252] : memref<2576xi32, #tpu.memory_space<hbm>> -> memref<2576xi32, #tpu.memory_space<hbm>>
    tpu.wait_indirect_dma semaphore(%arg8 : memref<!tpu.dma_semaphore, #tpu.memory_space<semaphore_mem>>) src(%arg7 : memref<64xi32, #tpu.memory_space<vmem>>) dst(%dma_wait3A_253 : memref<2576xi32, #tpu.memory_space<hbm>>)
    %mul3A_254 = arith.constant 4096 : i32
    %mul3A_255 = arith.muli %arg0, %mul3A_254 : i32
    %mul3A_256 = arith.constant 256 : i32
    %mul3A_257 = arith.muli %arg1, %mul3A_256 : i32
    %add3A_258 = arith.addi %mul3A_255, %mul3A_257 : i32
    %add3A_259 = arith.constant 128 : i32
    %add3A_260 = arith.addi %add3A_258, %add3A_259 : i32
    "tpu.region"() ({
      %run_scoped3A = tpu.sem_alloc : memref<!tpu.dma_semaphore, #tpu.memory_space<semaphore_mem>>
      %dma_start3A_484 = tpu.memref_slice %arg2[%add3A_260] : memref<8192xi32, #tpu.memory_space<hbm>> -> memref<64xi32, #tpu.memory_space<hbm>>
      %dma_start3A_485 = tpu.memref_slice %arg2[%add3A_260] : memref<8192xi32, #tpu.memory_space<hbm>> -> memref<64xi32, #tpu.memory_space<hbm>>
      tpu.enqueue_dma source(%dma_start3A_485 : memref<64xi32, #tpu.memory_space<hbm>>) target(%arg5 : memref<64xi32, #tpu.memory_space<vmem>>) target_semaphore(%run_scoped3A : memref<!tpu.dma_semaphore, #tpu.memory_space<semaphore_mem>>)
      %dma_wait3A_486 = tpu.memref_slice %arg2[%add3A_260] : memref<8192xi32, #tpu.memory_space<hbm>> -> memref<64xi32, #tpu.memory_space<hbm>>
      %dma_wait3A_487 = tpu.memref_slice %arg2[%add3A_260] : memref<8192xi32, #tpu.memory_space<hbm>> -> memref<64xi32, #tpu.memory_space<hbm>>
      tpu.wait_dma2 semaphore(%run_scoped3A : memref<!tpu.dma_semaphore, #tpu.memory_space<semaphore_mem>>) src(%dma_wait3A_487 : memref<64xi32, #tpu.memory_space<hbm>>) dst(%arg5 : memref<64xi32, #tpu.memory_space<vmem>>)
      tpu.yield
    }) : () -> ()
    %get3A_261 = arith.constant 0 : index
    %get3A_262 = tpu.vector_load %arg5[%get3A_261] {strides = array<i32>} : memref<64xi32, #tpu.memory_space<vmem>>, vector<16xi32>,
    %get3A_263 = vector.shape_cast %get3A_262 : vector<16xi32> to vector<16xi32>
    %add3A_264 = arith.constant 0 : i32
    %add3A_265 = arith.addi %add3A_260, %add3A_264 : i32
    %iota3A_266 = tpu.iota {dimensions = array<i32: 0>} : vector<16xi32>
    %add3A_267 = vector.broadcast %add3A_265 : i32 to vector<16xi32>
    %add3A_268 = arith.addi %add3A_267, %iota3A_266 : vector<16xi32>
    %lt3A_269 = arith.constant 1228 : i32
    %lt3A_270 = vector.broadcast %lt3A_269 : i32 to vector<16xi32>
    %lt3A_271 = arith.cmpi slt, %get3A_263, %lt3A_270 : vector<16xi32>
    %mul3A_272 = arith.constant 1280 : i32
    %mul3A_273 = arith.muli %arg0, %mul3A_272 : i32
    %add3A_274 = vector.broadcast %mul3A_273 : i32 to vector<16xi32>
    %add3A_275 = arith.addi %add3A_274, %get3A_263 : vector<16xi32>
    %jit3A_276 = arith.constant 2560 : i32
    %broadcast_in_dim3A_277 = vector.broadcast %jit3A_276 : i32 to vector<16xi32>
    %select_n3A_278 = arith.select %lt3A_271, %add3A_275, %broadcast_in_dim3A_277 : vector<16xi1>, vector<16xi32>
    %swap3A_279 = arith.constant 0 : index
    %swap3A_280 = tpu.vector_load %arg6[%swap3A_279] {strides = array<i32>} : memref<64xi32, #tpu.memory_space<vmem>>, vector<16xi32>,
    %swap3A_281 = vector.shape_cast %swap3A_280 : vector<16xi32> to vector<16xi32>
    %swap3A_282 = vector.shape_cast %select_n3A_278 : vector<16xi32> to vector<16xi32>
    tpu.vector_store %arg6[%swap3A_279], %swap3A_282 {strides = array<i32>} : memref<64xi32, #tpu.memory_space<vmem>>, vector<16xi32>,
    %swap3A_283 = arith.constant 0 : index
    %swap3A_284 = tpu.vector_load %arg7[%swap3A_283] {strides = array<i32>} : memref<64xi32, #tpu.memory_space<vmem>>, vector<16xi32>,
    %swap3A_285 = vector.shape_cast %swap3A_284 : vector<16xi32> to vector<16xi32>
    %swap3A_286 = vector.shape_cast %add3A_268 : vector<16xi32> to vector<16xi32>
    tpu.vector_store %arg7[%swap3A_283], %swap3A_286 {strides = array<i32>} : memref<64xi32, #tpu.memory_space<vmem>>, vector<16xi32>,
    %get3A_287 = arith.constant 16 : index
    %get3A_288 = tpu.vector_load %arg5[%get3A_287] {strides = array<i32>} : memref<64xi32, #tpu.memory_space<vmem>>, vector<16xi32>,
    %get3A_289 = vector.shape_cast %get3A_288 : vector<16xi32> to vector<16xi32>
    %add3A_290 = arith.constant 16 : i32
    %add3A_291 = arith.addi %add3A_260, %add3A_290 : i32
    %iota3A_292 = tpu.iota {dimensions = array<i32: 0>} : vector<16xi32>
    %add3A_293 = vector.broadcast %add3A_291 : i32 to vector<16xi32>
    %add3A_294 = arith.addi %add3A_293, %iota3A_292 : vector<16xi32>
    %lt3A_295 = arith.constant 1228 : i32
    %lt3A_296 = vector.broadcast %lt3A_295 : i32 to vector<16xi32>
    %lt3A_297 = arith.cmpi slt, %get3A_289, %lt3A_296 : vector<16xi32>
    %mul3A_298 = arith.constant 1280 : i32
    %mul3A_299 = arith.muli %arg0, %mul3A_298 : i32
    %add3A_300 = vector.broadcast %mul3A_299 : i32 to vector<16xi32>
    %add3A_301 = arith.addi %add3A_300, %get3A_289 : vector<16xi32>
    %jit3A_302 = arith.constant 2560 : i32
    %broadcast_in_dim3A_303 = vector.broadcast %jit3A_302 : i32 to vector<16xi32>
    %select_n3A_304 = arith.select %lt3A_297, %add3A_301, %broadcast_in_dim3A_303 : vector<16xi1>, vector<16xi32>
    %swap3A_305 = arith.constant 16 : index
    %swap3A_306 = tpu.vector_load %arg6[%swap3A_305] {strides = array<i32>} : memref<64xi32, #tpu.memory_space<vmem>>, vector<16xi32>,
    %swap3A_307 = vector.shape_cast %swap3A_306 : vector<16xi32> to vector<16xi32>
    %swap3A_308 = vector.shape_cast %select_n3A_304 : vector<16xi32> to vector<16xi32>
    tpu.vector_store %arg6[%swap3A_305], %swap3A_308 {strides = array<i32>} : memref<64xi32, #tpu.memory_space<vmem>>, vector<16xi32>,
    %swap3A_309 = arith.constant 16 : index
    %swap3A_310 = tpu.vector_load %arg7[%swap3A_309] {strides = array<i32>} : memref<64xi32, #tpu.memory_space<vmem>>, vector<16xi32>,
    %swap3A_311 = vector.shape_cast %swap3A_310 : vector<16xi32> to vector<16xi32>
    %swap3A_312 = vector.shape_cast %add3A_294 : vector<16xi32> to vector<16xi32>
    tpu.vector_store %arg7[%swap3A_309], %swap3A_312 {strides = array<i32>} : memref<64xi32, #tpu.memory_space<vmem>>, vector<16xi32>,
    %get3A_313 = arith.constant 32 : index
    %get3A_314 = tpu.vector_load %arg5[%get3A_313] {strides = array<i32>} : memref<64xi32, #tpu.memory_space<vmem>>, vector<16xi32>,
    %get3A_315 = vector.shape_cast %get3A_314 : vector<16xi32> to vector<16xi32>
    %add3A_316 = arith.constant 32 : i32
    %add3A_317 = arith.addi %add3A_260, %add3A_316 : i32
    %iota3A_318 = tpu.iota {dimensions = array<i32: 0>} : vector<16xi32>
    %add3A_319 = vector.broadcast %add3A_317 : i32 to vector<16xi32>
    %add3A_320 = arith.addi %add3A_319, %iota3A_318 : vector<16xi32>
    %lt3A_321 = arith.constant 1228 : i32
    %lt3A_322 = vector.broadcast %lt3A_321 : i32 to vector<16xi32>
    %lt3A_323 = arith.cmpi slt, %get3A_315, %lt3A_322 : vector<16xi32>
    %mul3A_324 = arith.constant 1280 : i32
    %mul3A_325 = arith.muli %arg0, %mul3A_324 : i32
    %add3A_326 = vector.broadcast %mul3A_325 : i32 to vector<16xi32>
    %add3A_327 = arith.addi %add3A_326, %get3A_315 : vector<16xi32>
    %jit3A_328 = arith.constant 2560 : i32
    %broadcast_in_dim3A_329 = vector.broadcast %jit3A_328 : i32 to vector<16xi32>
    %select_n3A_330 = arith.select %lt3A_323, %add3A_327, %broadcast_in_dim3A_329 : vector<16xi1>, vector<16xi32>
    %swap3A_331 = arith.constant 32 : index
    %swap3A_332 = tpu.vector_load %arg6[%swap3A_331] {strides = array<i32>} : memref<64xi32, #tpu.memory_space<vmem>>, vector<16xi32>,
    %swap3A_333 = vector.shape_cast %swap3A_332 : vector<16xi32> to vector<16xi32>
    %swap3A_334 = vector.shape_cast %select_n3A_330 : vector<16xi32> to vector<16xi32>
    tpu.vector_store %arg6[%swap3A_331], %swap3A_334 {strides = array<i32>} : memref<64xi32, #tpu.memory_space<vmem>>, vector<16xi32>,
    %swap3A_335 = arith.constant 32 : index
    %swap3A_336 = tpu.vector_load %arg7[%swap3A_335] {strides = array<i32>} : memref<64xi32, #tpu.memory_space<vmem>>, vector<16xi32>,
    %swap3A_337 = vector.shape_cast %swap3A_336 : vector<16xi32> to vector<16xi32>
    %swap3A_338 = vector.shape_cast %add3A_320 : vector<16xi32> to vector<16xi32>
    tpu.vector_store %arg7[%swap3A_335], %swap3A_338 {strides = array<i32>} : memref<64xi32, #tpu.memory_space<vmem>>, vector<16xi32>,
    %get3A_339 = arith.constant 48 : index
    %get3A_340 = tpu.vector_load %arg5[%get3A_339] {strides = array<i32>} : memref<64xi32, #tpu.memory_space<vmem>>, vector<16xi32>,
    %get3A_341 = vector.shape_cast %get3A_340 : vector<16xi32> to vector<16xi32>
    %add3A_342 = arith.constant 48 : i32
    %add3A_343 = arith.addi %add3A_260, %add3A_342 : i32
    %iota3A_344 = tpu.iota {dimensions = array<i32: 0>} : vector<16xi32>
    %add3A_345 = vector.broadcast %add3A_343 : i32 to vector<16xi32>
    %add3A_346 = arith.addi %add3A_345, %iota3A_344 : vector<16xi32>
    %lt3A_347 = arith.constant 1228 : i32
    %lt3A_348 = vector.broadcast %lt3A_347 : i32 to vector<16xi32>
    %lt3A_349 = arith.cmpi slt, %get3A_341, %lt3A_348 : vector<16xi32>
    %mul3A_350 = arith.constant 1280 : i32
    %mul3A_351 = arith.muli %arg0, %mul3A_350 : i32
    %add3A_352 = vector.broadcast %mul3A_351 : i32 to vector<16xi32>
    %add3A_353 = arith.addi %add3A_352, %get3A_341 : vector<16xi32>
    %jit3A_354 = arith.constant 2560 : i32
    %broadcast_in_dim3A_355 = vector.broadcast %jit3A_354 : i32 to vector<16xi32>
    %select_n3A_356 = arith.select %lt3A_349, %add3A_353, %broadcast_in_dim3A_355 : vector<16xi1>, vector<16xi32>
    %swap3A_357 = arith.constant 48 : index
    %swap3A_358 = tpu.vector_load %arg6[%swap3A_357] {strides = array<i32>} : memref<64xi32, #tpu.memory_space<vmem>>, vector<16xi32>,
    %swap3A_359 = vector.shape_cast %swap3A_358 : vector<16xi32> to vector<16xi32>
    %swap3A_360 = vector.shape_cast %select_n3A_356 : vector<16xi32> to vector<16xi32>
    tpu.vector_store %arg6[%swap3A_357], %swap3A_360 {strides = array<i32>} : memref<64xi32, #tpu.memory_space<vmem>>, vector<16xi32>,
    %swap3A_361 = arith.constant 48 : index
    %swap3A_362 = tpu.vector_load %arg7[%swap3A_361] {strides = array<i32>} : memref<64xi32, #tpu.memory_space<vmem>>, vector<16xi32>,
    %swap3A_363 = vector.shape_cast %swap3A_362 : vector<16xi32> to vector<16xi32>
    %swap3A_364 = vector.shape_cast %add3A_346 : vector<16xi32> to vector<16xi32>
    tpu.vector_store %arg7[%swap3A_361], %swap3A_364 {strides = array<i32>} : memref<64xi32, #tpu.memory_space<vmem>>, vector<16xi32>,
    %dma_start3A_365 = arith.constant 0 : i32
    %dma_start3A_366 = tpu.memref_slice %arg3[%dma_start3A_365] : memref<2576xi32, #tpu.memory_space<hbm>> -> memref<2576xi32, #tpu.memory_space<hbm>>
    tpu.enqueue_indirect_dma source(%arg7 : memref<64xi32, #tpu.memory_space<vmem>>) target(%dma_start3A_366 : memref<2576xi32, #tpu.memory_space<hbm>>) offsets(%arg6 : memref<64xi32, #tpu.memory_space<vmem>>) semaphore(%arg8 : memref<!tpu.dma_semaphore, #tpu.memory_space<semaphore_mem>>)
    %dma_wait3A_367 = arith.constant 0 : i32
    %dma_wait3A_368 = tpu.memref_slice %arg3[%dma_wait3A_367] : memref<2576xi32, #tpu.memory_space<hbm>> -> memref<2576xi32, #tpu.memory_space<hbm>>
    tpu.wait_indirect_dma semaphore(%arg8 : memref<!tpu.dma_semaphore, #tpu.memory_space<semaphore_mem>>) src(%arg7 : memref<64xi32, #tpu.memory_space<vmem>>) dst(%dma_wait3A_368 : memref<2576xi32, #tpu.memory_space<hbm>>)
    %mul3A_369 = arith.constant 4096 : i32
    %mul3A_370 = arith.muli %arg0, %mul3A_369 : i32
    %mul3A_371 = arith.constant 256 : i32
    %mul3A_372 = arith.muli %arg1, %mul3A_371 : i32
    %add3A_373 = arith.addi %mul3A_370, %mul3A_372 : i32
    %add3A_374 = arith.constant 192 : i32
    %add3A_375 = arith.addi %add3A_373, %add3A_374 : i32
    "tpu.region"() ({
      %run_scoped3A = tpu.sem_alloc : memref<!tpu.dma_semaphore, #tpu.memory_space<semaphore_mem>>
      %dma_start3A_484 = tpu.memref_slice %arg2[%add3A_375] : memref<8192xi32, #tpu.memory_space<hbm>> -> memref<64xi32, #tpu.memory_space<hbm>>
      %dma_start3A_485 = tpu.memref_slice %arg2[%add3A_375] : memref<8192xi32, #tpu.memory_space<hbm>> -> memref<64xi32, #tpu.memory_space<hbm>>
      tpu.enqueue_dma source(%dma_start3A_485 : memref<64xi32, #tpu.memory_space<hbm>>) target(%arg5 : memref<64xi32, #tpu.memory_space<vmem>>) target_semaphore(%run_scoped3A : memref<!tpu.dma_semaphore, #tpu.memory_space<semaphore_mem>>)
      %dma_wait3A_486 = tpu.memref_slice %arg2[%add3A_375] : memref<8192xi32, #tpu.memory_space<hbm>> -> memref<64xi32, #tpu.memory_space<hbm>>
      %dma_wait3A_487 = tpu.memref_slice %arg2[%add3A_375] : memref<8192xi32, #tpu.memory_space<hbm>> -> memref<64xi32, #tpu.memory_space<hbm>>
      tpu.wait_dma2 semaphore(%run_scoped3A : memref<!tpu.dma_semaphore, #tpu.memory_space<semaphore_mem>>) src(%dma_wait3A_487 : memref<64xi32, #tpu.memory_space<hbm>>) dst(%arg5 : memref<64xi32, #tpu.memory_space<vmem>>)
      tpu.yield
    }) : () -> ()
    %get3A_376 = arith.constant 0 : index
    %get3A_377 = tpu.vector_load %arg5[%get3A_376] {strides = array<i32>} : memref<64xi32, #tpu.memory_space<vmem>>, vector<16xi32>,
    %get3A_378 = vector.shape_cast %get3A_377 : vector<16xi32> to vector<16xi32>
    %add3A_379 = arith.constant 0 : i32
    %add3A_380 = arith.addi %add3A_375, %add3A_379 : i32
    %iota3A_381 = tpu.iota {dimensions = array<i32: 0>} : vector<16xi32>
    %add3A_382 = vector.broadcast %add3A_380 : i32 to vector<16xi32>
    %add3A_383 = arith.addi %add3A_382, %iota3A_381 : vector<16xi32>
    %lt3A_384 = arith.constant 1228 : i32
    %lt3A_385 = vector.broadcast %lt3A_384 : i32 to vector<16xi32>
    %lt3A_386 = arith.cmpi slt, %get3A_378, %lt3A_385 : vector<16xi32>
    %mul3A_387 = arith.constant 1280 : i32
    %mul3A_388 = arith.muli %arg0, %mul3A_387 : i32
    %add3A_389 = vector.broadcast %mul3A_388 : i32 to vector<16xi32>
    %add3A_390 = arith.addi %add3A_389, %get3A_378 : vector<16xi32>
    %jit3A_391 = arith.constant 2560 : i32
    %broadcast_in_dim3A_392 = vector.broadcast %jit3A_391 : i32 to vector<16xi32>
    %select_n3A_393 = arith.select %lt3A_386, %add3A_390, %broadcast_in_dim3A_392 : vector<16xi1>, vector<16xi32>
    %swap3A_394 = arith.constant 0 : index
    %swap3A_395 = tpu.vector_load %arg6[%swap3A_394] {strides = array<i32>} : memref<64xi32, #tpu.memory_space<vmem>>, vector<16xi32>,
    %swap3A_396 = vector.shape_cast %swap3A_395 : vector<16xi32> to vector<16xi32>
    %swap3A_397 = vector.shape_cast %select_n3A_393 : vector<16xi32> to vector<16xi32>
    tpu.vector_store %arg6[%swap3A_394], %swap3A_397 {strides = array<i32>} : memref<64xi32, #tpu.memory_space<vmem>>, vector<16xi32>,
    %swap3A_398 = arith.constant 0 : index
    %swap3A_399 = tpu.vector_load %arg7[%swap3A_398] {strides = array<i32>} : memref<64xi32, #tpu.memory_space<vmem>>, vector<16xi32>,
    %swap3A_400 = vector.shape_cast %swap3A_399 : vector<16xi32> to vector<16xi32>
    %swap3A_401 = vector.shape_cast %add3A_383 : vector<16xi32> to vector<16xi32>
    tpu.vector_store %arg7[%swap3A_398], %swap3A_401 {strides = array<i32>} : memref<64xi32, #tpu.memory_space<vmem>>, vector<16xi32>,
    %get3A_402 = arith.constant 16 : index
    %get3A_403 = tpu.vector_load %arg5[%get3A_402] {strides = array<i32>} : memref<64xi32, #tpu.memory_space<vmem>>, vector<16xi32>,
    %get3A_404 = vector.shape_cast %get3A_403 : vector<16xi32> to vector<16xi32>
    %add3A_405 = arith.constant 16 : i32
    %add3A_406 = arith.addi %add3A_375, %add3A_405 : i32
    %iota3A_407 = tpu.iota {dimensions = array<i32: 0>} : vector<16xi32>
    %add3A_408 = vector.broadcast %add3A_406 : i32 to vector<16xi32>
    %add3A_409 = arith.addi %add3A_408, %iota3A_407 : vector<16xi32>
    %lt3A_410 = arith.constant 1228 : i32
    %lt3A_411 = vector.broadcast %lt3A_410 : i32 to vector<16xi32>
    %lt3A_412 = arith.cmpi slt, %get3A_404, %lt3A_411 : vector<16xi32>
    %mul3A_413 = arith.constant 1280 : i32
    %mul3A_414 = arith.muli %arg0, %mul3A_413 : i32
    %add3A_415 = vector.broadcast %mul3A_414 : i32 to vector<16xi32>
    %add3A_416 = arith.addi %add3A_415, %get3A_404 : vector<16xi32>
    %jit3A_417 = arith.constant 2560 : i32
    %broadcast_in_dim3A_418 = vector.broadcast %jit3A_417 : i32 to vector<16xi32>
    %select_n3A_419 = arith.select %lt3A_412, %add3A_416, %broadcast_in_dim3A_418 : vector<16xi1>, vector<16xi32>
    %swap3A_420 = arith.constant 16 : index
    %swap3A_421 = tpu.vector_load %arg6[%swap3A_420] {strides = array<i32>} : memref<64xi32, #tpu.memory_space<vmem>>, vector<16xi32>,
    %swap3A_422 = vector.shape_cast %swap3A_421 : vector<16xi32> to vector<16xi32>
    %swap3A_423 = vector.shape_cast %select_n3A_419 : vector<16xi32> to vector<16xi32>
    tpu.vector_store %arg6[%swap3A_420], %swap3A_423 {strides = array<i32>} : memref<64xi32, #tpu.memory_space<vmem>>, vector<16xi32>,
    %swap3A_424 = arith.constant 16 : index
    %swap3A_425 = tpu.vector_load %arg7[%swap3A_424] {strides = array<i32>} : memref<64xi32, #tpu.memory_space<vmem>>, vector<16xi32>,
    %swap3A_426 = vector.shape_cast %swap3A_425 : vector<16xi32> to vector<16xi32>
    %swap3A_427 = vector.shape_cast %add3A_409 : vector<16xi32> to vector<16xi32>
    tpu.vector_store %arg7[%swap3A_424], %swap3A_427 {strides = array<i32>} : memref<64xi32, #tpu.memory_space<vmem>>, vector<16xi32>,
    %get3A_428 = arith.constant 32 : index
    %get3A_429 = tpu.vector_load %arg5[%get3A_428] {strides = array<i32>} : memref<64xi32, #tpu.memory_space<vmem>>, vector<16xi32>,
    %get3A_430 = vector.shape_cast %get3A_429 : vector<16xi32> to vector<16xi32>
    %add3A_431 = arith.constant 32 : i32
    %add3A_432 = arith.addi %add3A_375, %add3A_431 : i32
    %iota3A_433 = tpu.iota {dimensions = array<i32: 0>} : vector<16xi32>
    %add3A_434 = vector.broadcast %add3A_432 : i32 to vector<16xi32>
    %add3A_435 = arith.addi %add3A_434, %iota3A_433 : vector<16xi32>
    %lt3A_436 = arith.constant 1228 : i32
    %lt3A_437 = vector.broadcast %lt3A_436 : i32 to vector<16xi32>
    %lt3A_438 = arith.cmpi slt, %get3A_430, %lt3A_437 : vector<16xi32>
    %mul3A_439 = arith.constant 1280 : i32
    %mul3A_440 = arith.muli %arg0, %mul3A_439 : i32
    %add3A_441 = vector.broadcast %mul3A_440 : i32 to vector<16xi32>
    %add3A_442 = arith.addi %add3A_441, %get3A_430 : vector<16xi32>
    %jit3A_443 = arith.constant 2560 : i32
    %broadcast_in_dim3A_444 = vector.broadcast %jit3A_443 : i32 to vector<16xi32>
    %select_n3A_445 = arith.select %lt3A_438, %add3A_442, %broadcast_in_dim3A_444 : vector<16xi1>, vector<16xi32>
    %swap3A_446 = arith.constant 32 : index
    %swap3A_447 = tpu.vector_load %arg6[%swap3A_446] {strides = array<i32>} : memref<64xi32, #tpu.memory_space<vmem>>, vector<16xi32>,
    %swap3A_448 = vector.shape_cast %swap3A_447 : vector<16xi32> to vector<16xi32>
    %swap3A_449 = vector.shape_cast %select_n3A_445 : vector<16xi32> to vector<16xi32>
    tpu.vector_store %arg6[%swap3A_446], %swap3A_449 {strides = array<i32>} : memref<64xi32, #tpu.memory_space<vmem>>, vector<16xi32>,
    %swap3A_450 = arith.constant 32 : index
    %swap3A_451 = tpu.vector_load %arg7[%swap3A_450] {strides = array<i32>} : memref<64xi32, #tpu.memory_space<vmem>>, vector<16xi32>,
    %swap3A_452 = vector.shape_cast %swap3A_451 : vector<16xi32> to vector<16xi32>
    %swap3A_453 = vector.shape_cast %add3A_435 : vector<16xi32> to vector<16xi32>
    tpu.vector_store %arg7[%swap3A_450], %swap3A_453 {strides = array<i32>} : memref<64xi32, #tpu.memory_space<vmem>>, vector<16xi32>,
    %get3A_454 = arith.constant 48 : index
    %get3A_455 = tpu.vector_load %arg5[%get3A_454] {strides = array<i32>} : memref<64xi32, #tpu.memory_space<vmem>>, vector<16xi32>,
    %get3A_456 = vector.shape_cast %get3A_455 : vector<16xi32> to vector<16xi32>
    %add3A_457 = arith.constant 48 : i32
    %add3A_458 = arith.addi %add3A_375, %add3A_457 : i32
    %iota3A_459 = tpu.iota {dimensions = array<i32: 0>} : vector<16xi32>
    %add3A_460 = vector.broadcast %add3A_458 : i32 to vector<16xi32>
    %add3A_461 = arith.addi %add3A_460, %iota3A_459 : vector<16xi32>
    %lt3A_462 = arith.constant 1228 : i32
    %lt3A_463 = vector.broadcast %lt3A_462 : i32 to vector<16xi32>
    %lt3A_464 = arith.cmpi slt, %get3A_456, %lt3A_463 : vector<16xi32>
    %mul3A_465 = arith.constant 1280 : i32
    %mul3A_466 = arith.muli %arg0, %mul3A_465 : i32
    %add3A_467 = vector.broadcast %mul3A_466 : i32 to vector<16xi32>
    %add3A_468 = arith.addi %add3A_467, %get3A_456 : vector<16xi32>
    %jit3A_469 = arith.constant 2560 : i32
    %broadcast_in_dim3A_470 = vector.broadcast %jit3A_469 : i32 to vector<16xi32>
    %select_n3A_471 = arith.select %lt3A_464, %add3A_468, %broadcast_in_dim3A_470 : vector<16xi1>, vector<16xi32>
    %swap3A_472 = arith.constant 48 : index
    %swap3A_473 = tpu.vector_load %arg6[%swap3A_472] {strides = array<i32>} : memref<64xi32, #tpu.memory_space<vmem>>, vector<16xi32>,
    %swap3A_474 = vector.shape_cast %swap3A_473 : vector<16xi32> to vector<16xi32>
    %swap3A_475 = vector.shape_cast %select_n3A_471 : vector<16xi32> to vector<16xi32>
    tpu.vector_store %arg6[%swap3A_472], %swap3A_475 {strides = array<i32>} : memref<64xi32, #tpu.memory_space<vmem>>, vector<16xi32>,
    %swap3A_476 = arith.constant 48 : index
    %swap3A_477 = tpu.vector_load %arg7[%swap3A_476] {strides = array<i32>} : memref<64xi32, #tpu.memory_space<vmem>>, vector<16xi32>,
    %swap3A_478 = vector.shape_cast %swap3A_477 : vector<16xi32> to vector<16xi32>
    %swap3A_479 = vector.shape_cast %add3A_461 : vector<16xi32> to vector<16xi32>
    tpu.vector_store %arg7[%swap3A_476], %swap3A_479 {strides = array<i32>} : memref<64xi32, #tpu.memory_space<vmem>>, vector<16xi32>,
    %dma_start3A_480 = arith.constant 0 : i32
    %dma_start3A_481 = tpu.memref_slice %arg3[%dma_start3A_480] : memref<2576xi32, #tpu.memory_space<hbm>> -> memref<2576xi32, #tpu.memory_space<hbm>>
    tpu.enqueue_indirect_dma source(%arg7 : memref<64xi32, #tpu.memory_space<vmem>>) target(%dma_start3A_481 : memref<2576xi32, #tpu.memory_space<hbm>>) offsets(%arg6 : memref<64xi32, #tpu.memory_space<vmem>>) semaphore(%arg8 : memref<!tpu.dma_semaphore, #tpu.memory_space<semaphore_mem>>)
    %dma_wait3A_482 = arith.constant 0 : i32
    %dma_wait3A_483 = tpu.memref_slice %arg3[%dma_wait3A_482] : memref<2576xi32, #tpu.memory_space<hbm>> -> memref<2576xi32, #tpu.memory_space<hbm>>
    tpu.wait_indirect_dma semaphore(%arg8 : memref<!tpu.dma_semaphore, #tpu.memory_space<semaphore_mem>>) src(%arg7 : memref<64xi32, #tpu.memory_space<vmem>>) dst(%dma_wait3A_483 : memref<2576xi32, #tpu.memory_space<hbm>>)
    return
  }
}

#map = affine_map<(d0, d1) -> (0, 0)>
#map1 = affine_map<(d0, d1) -> (0)>
module attributes {stable_mosaic.version = 14 : i64} {
  func.func @_sc_gather(%arg0: i32, %arg1: i32, %arg2: memref<8192x1536xf32, #tpu.memory_space<hbm>>, %arg3: memref<2576xi32, #tpu.memory_space<hbm>>, %arg4: memref<2560x1536xf32, #tpu.memory_space<hbm>>, %arg5: memref<80xi32, #tpu.memory_space<vmem>>, %arg6: memref<80x1536xf32, #tpu.memory_space<vmem>>, %arg7: memref<!tpu.dma_semaphore, #tpu.memory_space<semaphore_mem>>) attributes {dimension_semantics = [#tpu.dimension_semantics<core_parallel>, #tpu.dimension_semantics<subcore_parallel>], iteration_bounds = array<i64: 2, 16>, scalar_prefetch = 0 : i64, scratch_operands = 3 : i64, tpu.core_type = #tpu.core_type<sc_vector_subcore>, window_params = [{transform_indices = #map}, {transform_indices = #map1}, {transform_indices = #map}]} {
    %mul3A = arith.constant 16 : i32
    %mul3A_0 = arith.muli %arg0, %mul3A : i32
    %add3A = arith.addi %mul3A_0, %arg1 : i32
    %mul3A_1 = arith.constant 80 : i32
    %mul3A_2 = arith.muli %add3A, %mul3A_1 : i32
    "tpu.region"() ({
      %run_scoped3A = tpu.sem_alloc : memref<!tpu.dma_semaphore, #tpu.memory_space<semaphore_mem>>
      %dma_start3A_56 = tpu.memref_slice %arg3[%mul3A_2] : memref<2576xi32, #tpu.memory_space<hbm>> -> memref<80xi32, #tpu.memory_space<hbm>>
      %dma_start3A_57 = tpu.memref_slice %arg3[%mul3A_2] : memref<2576xi32, #tpu.memory_space<hbm>> -> memref<80xi32, #tpu.memory_space<hbm>>
      tpu.enqueue_dma source(%dma_start3A_57 : memref<80xi32, #tpu.memory_space<hbm>>) target(%arg5 : memref<80xi32, #tpu.memory_space<vmem>>) target_semaphore(%run_scoped3A : memref<!tpu.dma_semaphore, #tpu.memory_space<semaphore_mem>>)
      %dma_wait3A_58 = tpu.memref_slice %arg3[%mul3A_2] : memref<2576xi32, #tpu.memory_space<hbm>> -> memref<80xi32, #tpu.memory_space<hbm>>
      %dma_wait3A_59 = tpu.memref_slice %arg3[%mul3A_2] : memref<2576xi32, #tpu.memory_space<hbm>> -> memref<80xi32, #tpu.memory_space<hbm>>
      tpu.wait_dma2 semaphore(%run_scoped3A : memref<!tpu.dma_semaphore, #tpu.memory_space<semaphore_mem>>) src(%dma_wait3A_59 : memref<80xi32, #tpu.memory_space<hbm>>) dst(%arg5 : memref<80xi32, #tpu.memory_space<vmem>>)
      tpu.yield
    }) : () -> ()
    %get3A = arith.constant 0 : index
    %get3A_3 = tpu.vector_load %arg5[%get3A] {strides = array<i32>} : memref<80xi32, #tpu.memory_space<vmem>>, vector<16xi32>,
    %get3A_4 = vector.shape_cast %get3A_3 : vector<16xi32> to vector<16xi32>
    %min3A = arith.constant 8191 : i32
    %min3A_5 = vector.broadcast %min3A : i32 to vector<16xi32>
    %min3A_6 = arith.minsi %get3A_4, %min3A_5 : vector<16xi32>
    %swap3A = arith.constant 0 : index
    %swap3A_7 = tpu.vector_load %arg5[%swap3A] {strides = array<i32>} : memref<80xi32, #tpu.memory_space<vmem>>, vector<16xi32>,
    %swap3A_8 = vector.shape_cast %swap3A_7 : vector<16xi32> to vector<16xi32>
    %swap3A_9 = vector.shape_cast %min3A_6 : vector<16xi32> to vector<16xi32>
    tpu.vector_store %arg5[%swap3A], %swap3A_9 {strides = array<i32>} : memref<80xi32, #tpu.memory_space<vmem>>, vector<16xi32>,
    %get3A_10 = arith.constant 16 : index
    %get3A_11 = tpu.vector_load %arg5[%get3A_10] {strides = array<i32>} : memref<80xi32, #tpu.memory_space<vmem>>, vector<16xi32>,
    %get3A_12 = vector.shape_cast %get3A_11 : vector<16xi32> to vector<16xi32>
    %min3A_13 = arith.constant 8191 : i32
    %min3A_14 = vector.broadcast %min3A_13 : i32 to vector<16xi32>
    %min3A_15 = arith.minsi %get3A_12, %min3A_14 : vector<16xi32>
    %swap3A_16 = arith.constant 16 : index
    %swap3A_17 = tpu.vector_load %arg5[%swap3A_16] {strides = array<i32>} : memref<80xi32, #tpu.memory_space<vmem>>, vector<16xi32>,
    %swap3A_18 = vector.shape_cast %swap3A_17 : vector<16xi32> to vector<16xi32>
    %swap3A_19 = vector.shape_cast %min3A_15 : vector<16xi32> to vector<16xi32>
    tpu.vector_store %arg5[%swap3A_16], %swap3A_19 {strides = array<i32>} : memref<80xi32, #tpu.memory_space<vmem>>, vector<16xi32>,
    %get3A_20 = arith.constant 32 : index
    %get3A_21 = tpu.vector_load %arg5[%get3A_20] {strides = array<i32>} : memref<80xi32, #tpu.memory_space<vmem>>, vector<16xi32>,
    %get3A_22 = vector.shape_cast %get3A_21 : vector<16xi32> to vector<16xi32>
    %min3A_23 = arith.constant 8191 : i32
    %min3A_24 = vector.broadcast %min3A_23 : i32 to vector<16xi32>
    %min3A_25 = arith.minsi %get3A_22, %min3A_24 : vector<16xi32>
    %swap3A_26 = arith.constant 32 : index
    %swap3A_27 = tpu.vector_load %arg5[%swap3A_26] {strides = array<i32>} : memref<80xi32, #tpu.memory_space<vmem>>, vector<16xi32>,
    %swap3A_28 = vector.shape_cast %swap3A_27 : vector<16xi32> to vector<16xi32>
    %swap3A_29 = vector.shape_cast %min3A_25 : vector<16xi32> to vector<16xi32>
    tpu.vector_store %arg5[%swap3A_26], %swap3A_29 {strides = array<i32>} : memref<80xi32, #tpu.memory_space<vmem>>, vector<16xi32>,
    %get3A_30 = arith.constant 48 : index
    %get3A_31 = tpu.vector_load %arg5[%get3A_30] {strides = array<i32>} : memref<80xi32, #tpu.memory_space<vmem>>, vector<16xi32>,
    %get3A_32 = vector.shape_cast %get3A_31 : vector<16xi32> to vector<16xi32>
    %min3A_33 = arith.constant 8191 : i32
    %min3A_34 = vector.broadcast %min3A_33 : i32 to vector<16xi32>
    %min3A_35 = arith.minsi %get3A_32, %min3A_34 : vector<16xi32>
    %swap3A_36 = arith.constant 48 : index
    %swap3A_37 = tpu.vector_load %arg5[%swap3A_36] {strides = array<i32>} : memref<80xi32, #tpu.memory_space<vmem>>, vector<16xi32>,
    %swap3A_38 = vector.shape_cast %swap3A_37 : vector<16xi32> to vector<16xi32>
    %swap3A_39 = vector.shape_cast %min3A_35 : vector<16xi32> to vector<16xi32>
    tpu.vector_store %arg5[%swap3A_36], %swap3A_39 {strides = array<i32>} : memref<80xi32, #tpu.memory_space<vmem>>, vector<16xi32>,
    %get3A_40 = arith.constant 64 : index
    %get3A_41 = tpu.vector_load %arg5[%get3A_40] {strides = array<i32>} : memref<80xi32, #tpu.memory_space<vmem>>, vector<16xi32>,
    %get3A_42 = vector.shape_cast %get3A_41 : vector<16xi32> to vector<16xi32>
    %min3A_43 = arith.constant 8191 : i32
    %min3A_44 = vector.broadcast %min3A_43 : i32 to vector<16xi32>
    %min3A_45 = arith.minsi %get3A_42, %min3A_44 : vector<16xi32>
    %swap3A_46 = arith.constant 64 : index
    %swap3A_47 = tpu.vector_load %arg5[%swap3A_46] {strides = array<i32>} : memref<80xi32, #tpu.memory_space<vmem>>, vector<16xi32>,
    %swap3A_48 = vector.shape_cast %swap3A_47 : vector<16xi32> to vector<16xi32>
    %swap3A_49 = vector.shape_cast %min3A_45 : vector<16xi32> to vector<16xi32>
    tpu.vector_store %arg5[%swap3A_46], %swap3A_49 {strides = array<i32>} : memref<80xi32, #tpu.memory_space<vmem>>, vector<16xi32>,
    %dma_start3A = arith.constant 0 : i32
    %dma_start3A_50 = arith.constant 0 : i32
    %dma_start3A_51 = tpu.memref_slice %arg2[%dma_start3A, %dma_start3A_50] : memref<8192x1536xf32, #tpu.memory_space<hbm>> -> memref<8192x1536xf32, #tpu.memory_space<hbm>>
    tpu.enqueue_indirect_dma source(%dma_start3A_51 : memref<8192x1536xf32, #tpu.memory_space<hbm>>) target(%arg6 : memref<80x1536xf32, #tpu.memory_space<vmem>>) offsets(%arg5 : memref<80xi32, #tpu.memory_space<vmem>>) semaphore(%arg7 : memref<!tpu.dma_semaphore, #tpu.memory_space<semaphore_mem>>)
    %dma_wait3A = arith.constant 0 : i32
    %dma_wait3A_52 = arith.constant 0 : i32
    %dma_wait3A_53 = tpu.memref_slice %arg2[%dma_wait3A, %dma_wait3A_52] : memref<8192x1536xf32, #tpu.memory_space<hbm>> -> memref<8192x1536xf32, #tpu.memory_space<hbm>>
    tpu.wait_indirect_dma semaphore(%arg7 : memref<!tpu.dma_semaphore, #tpu.memory_space<semaphore_mem>>) src(%dma_wait3A_53 : memref<8192x1536xf32, #tpu.memory_space<hbm>>) dst(%arg6 : memref<80x1536xf32, #tpu.memory_space<vmem>>)
    %mul3A_54 = arith.constant 80 : i32
    %mul3A_55 = arith.muli %add3A, %mul3A_54 : i32
    "tpu.region"() ({
      %run_scoped3A = tpu.sem_alloc : memref<!tpu.dma_semaphore, #tpu.memory_space<semaphore_mem>>
      %dma_start3A_56 = arith.constant 0 : i32
      %dma_start3A_57 = tpu.memref_slice %arg4[%mul3A_55, %dma_start3A_56] : memref<2560x1536xf32, #tpu.memory_space<hbm>> -> memref<80x1536xf32, #tpu.memory_space<hbm>>
      %dma_start3A_58 = arith.constant 0 : i32
      %dma_start3A_59 = tpu.memref_slice %arg4[%mul3A_55, %dma_start3A_58] : memref<2560x1536xf32, #tpu.memory_space<hbm>> -> memref<80x1536xf32, #tpu.memory_space<hbm>>
      tpu.enqueue_dma source(%arg6 : memref<80x1536xf32, #tpu.memory_space<vmem>>) target(%dma_start3A_59 : memref<80x1536xf32, #tpu.memory_space<hbm>>) target_semaphore(%run_scoped3A : memref<!tpu.dma_semaphore, #tpu.memory_space<semaphore_mem>>)
      %dma_wait3A_60 = arith.constant 0 : i32
      %dma_wait3A_61 = tpu.memref_slice %arg4[%mul3A_55, %dma_wait3A_60] : memref<2560x1536xf32, #tpu.memory_space<hbm>> -> memref<80x1536xf32, #tpu.memory_space<hbm>>
      %dma_wait3A_62 = arith.constant 0 : i32
      %dma_wait3A_63 = tpu.memref_slice %arg4[%mul3A_55, %dma_wait3A_62] : memref<2560x1536xf32, #tpu.memory_space<hbm>> -> memref<80x1536xf32, #tpu.memory_space<hbm>>
      tpu.wait_dma2 semaphore(%run_scoped3A : memref<!tpu.dma_semaphore, #tpu.memory_space<semaphore_mem>>) src(%arg6 : memref<80x1536xf32, #tpu.memory_space<vmem>>) dst(%dma_wait3A_63 : memref<80x1536xf32, #tpu.memory_space<hbm>>)
      tpu.yield
    }) : () -> ()
    return
  }
}

#map = affine_map<(d0, d1) -> (0, 0)>
#map1 = affine_map<(d0, d1) -> (0)>
module attributes {stable_mosaic.version = 14 : i64} {
  func.func @_sc_scatter(%arg0: i32, %arg1: i32, %arg2: memref<8192x768xf32, #tpu.memory_space<hbm>>, %arg3: memref<2576xi32, #tpu.memory_space<hbm>>, %arg4: memref<2560x768xf32, #tpu.memory_space<hbm>>, %arg5: memref<8200x768xf32, #tpu.memory_space<hbm>>, %arg6: memref<64x768xf32, #tpu.memory_space<vmem>>, %arg7: memref<80xi32, #tpu.memory_space<vmem>>, %arg8: memref<80x768xf32, #tpu.memory_space<vmem>>, %arg9: memref<!tpu.dma_semaphore, #tpu.memory_space<semaphore_mem>>) attributes {dimension_semantics = [#tpu.dimension_semantics<core_parallel>, #tpu.dimension_semantics<subcore_parallel>], iteration_bounds = array<i64: 2, 16>, scalar_prefetch = 0 : i64, scratch_operands = 4 : i64, tpu.core_type = #tpu.core_type<sc_vector_subcore>, window_params = [{transform_indices = #map}, {transform_indices = #map1}, {transform_indices = #map}, {transform_indices = #map}]} {
    %mul3A = arith.constant 4096 : i32
    %mul3A_0 = arith.muli %arg0, %mul3A : i32
    %mul3A_1 = arith.constant 256 : i32
    %mul3A_2 = arith.muli %arg1, %mul3A_1 : i32
    %add3A = arith.addi %mul3A_0, %mul3A_2 : i32
    %add3A_3 = arith.constant 0 : i32
    %add3A_4 = arith.addi %add3A, %add3A_3 : i32
    "tpu.region"() ({
      %run_scoped3A = tpu.sem_alloc : memref<!tpu.dma_semaphore, #tpu.memory_space<semaphore_mem>>
      %dma_start3A_35 = arith.constant 0 : i32
      %dma_start3A_36 = tpu.memref_slice %arg2[%add3A_4, %dma_start3A_35] : memref<8192x768xf32, #tpu.memory_space<hbm>> -> memref<64x768xf32, #tpu.memory_space<hbm>>
      %dma_start3A_37 = arith.constant 0 : i32
      %dma_start3A_38 = tpu.memref_slice %arg2[%add3A_4, %dma_start3A_37] : memref<8192x768xf32, #tpu.memory_space<hbm>> -> memref<64x768xf32, #tpu.memory_space<hbm>>
      tpu.enqueue_dma source(%dma_start3A_38 : memref<64x768xf32, #tpu.memory_space<hbm>>) target(%arg6 : memref<64x768xf32, #tpu.memory_space<vmem>>) target_semaphore(%run_scoped3A : memref<!tpu.dma_semaphore, #tpu.memory_space<semaphore_mem>>)
      %dma_wait3A_39 = arith.constant 0 : i32
      %dma_wait3A_40 = tpu.memref_slice %arg2[%add3A_4, %dma_wait3A_39] : memref<8192x768xf32, #tpu.memory_space<hbm>> -> memref<64x768xf32, #tpu.memory_space<hbm>>
      %dma_wait3A_41 = arith.constant 0 : i32
      %dma_wait3A_42 = tpu.memref_slice %arg2[%add3A_4, %dma_wait3A_41] : memref<8192x768xf32, #tpu.memory_space<hbm>> -> memref<64x768xf32, #tpu.memory_space<hbm>>
      tpu.wait_dma2 semaphore(%run_scoped3A : memref<!tpu.dma_semaphore, #tpu.memory_space<semaphore_mem>>) src(%dma_wait3A_42 : memref<64x768xf32, #tpu.memory_space<hbm>>) dst(%arg6 : memref<64x768xf32, #tpu.memory_space<vmem>>)
      tpu.yield
    }) : () -> ()
    "tpu.region"() ({
      %run_scoped3A = tpu.sem_alloc : memref<!tpu.dma_semaphore, #tpu.memory_space<semaphore_mem>>
      %dma_start3A_35 = arith.constant 0 : i32
      %dma_start3A_36 = tpu.memref_slice %arg5[%add3A_4, %dma_start3A_35] : memref<8200x768xf32, #tpu.memory_space<hbm>> -> memref<64x768xf32, #tpu.memory_space<hbm>>
      %dma_start3A_37 = arith.constant 0 : i32
      %dma_start3A_38 = tpu.memref_slice %arg5[%add3A_4, %dma_start3A_37] : memref<8200x768xf32, #tpu.memory_space<hbm>> -> memref<64x768xf32, #tpu.memory_space<hbm>>
      tpu.enqueue_dma source(%arg6 : memref<64x768xf32, #tpu.memory_space<vmem>>) target(%dma_start3A_38 : memref<64x768xf32, #tpu.memory_space<hbm>>) target_semaphore(%run_scoped3A : memref<!tpu.dma_semaphore, #tpu.memory_space<semaphore_mem>>)
      %dma_wait3A_39 = arith.constant 0 : i32
      %dma_wait3A_40 = tpu.memref_slice %arg5[%add3A_4, %dma_wait3A_39] : memref<8200x768xf32, #tpu.memory_space<hbm>> -> memref<64x768xf32, #tpu.memory_space<hbm>>
      %dma_wait3A_41 = arith.constant 0 : i32
      %dma_wait3A_42 = tpu.memref_slice %arg5[%add3A_4, %dma_wait3A_41] : memref<8200x768xf32, #tpu.memory_space<hbm>> -> memref<64x768xf32, #tpu.memory_space<hbm>>
      tpu.wait_dma2 semaphore(%run_scoped3A : memref<!tpu.dma_semaphore, #tpu.memory_space<semaphore_mem>>) src(%arg6 : memref<64x768xf32, #tpu.memory_space<vmem>>) dst(%dma_wait3A_42 : memref<64x768xf32, #tpu.memory_space<hbm>>)
      tpu.yield
    }) : () -> ()
    %mul3A_5 = arith.constant 4096 : i32
    %mul3A_6 = arith.muli %arg0, %mul3A_5 : i32
    %mul3A_7 = arith.constant 256 : i32
    %mul3A_8 = arith.muli %arg1, %mul3A_7 : i32
    %add3A_9 = arith.addi %mul3A_6, %mul3A_8 : i32
    %add3A_10 = arith.constant 64 : i32
    %add3A_11 = arith.addi %add3A_9, %add3A_10 : i32
    "tpu.region"() ({
      %run_scoped3A = tpu.sem_alloc : memref<!tpu.dma_semaphore, #tpu.memory_space<semaphore_mem>>
      %dma_start3A_35 = arith.constant 0 : i32
      %dma_start3A_36 = tpu.memref_slice %arg2[%add3A_11, %dma_start3A_35] : memref<8192x768xf32, #tpu.memory_space<hbm>> -> memref<64x768xf32, #tpu.memory_space<hbm>>
      %dma_start3A_37 = arith.constant 0 : i32
      %dma_start3A_38 = tpu.memref_slice %arg2[%add3A_11, %dma_start3A_37] : memref<8192x768xf32, #tpu.memory_space<hbm>> -> memref<64x768xf32, #tpu.memory_space<hbm>>
      tpu.enqueue_dma source(%dma_start3A_38 : memref<64x768xf32, #tpu.memory_space<hbm>>) target(%arg6 : memref<64x768xf32, #tpu.memory_space<vmem>>) target_semaphore(%run_scoped3A : memref<!tpu.dma_semaphore, #tpu.memory_space<semaphore_mem>>)
      %dma_wait3A_39 = arith.constant 0 : i32
      %dma_wait3A_40 = tpu.memref_slice %arg2[%add3A_11, %dma_wait3A_39] : memref<8192x768xf32, #tpu.memory_space<hbm>> -> memref<64x768xf32, #tpu.memory_space<hbm>>
      %dma_wait3A_41 = arith.constant 0 : i32
      %dma_wait3A_42 = tpu.memref_slice %arg2[%add3A_11, %dma_wait3A_41] : memref<8192x768xf32, #tpu.memory_space<hbm>> -> memref<64x768xf32, #tpu.memory_space<hbm>>
      tpu.wait_dma2 semaphore(%run_scoped3A : memref<!tpu.dma_semaphore, #tpu.memory_space<semaphore_mem>>) src(%dma_wait3A_42 : memref<64x768xf32, #tpu.memory_space<hbm>>) dst(%arg6 : memref<64x768xf32, #tpu.memory_space<vmem>>)
      tpu.yield
    }) : () -> ()
    "tpu.region"() ({
      %run_scoped3A = tpu.sem_alloc : memref<!tpu.dma_semaphore, #tpu.memory_space<semaphore_mem>>
      %dma_start3A_35 = arith.constant 0 : i32
      %dma_start3A_36 = tpu.memref_slice %arg5[%add3A_11, %dma_start3A_35] : memref<8200x768xf32, #tpu.memory_space<hbm>> -> memref<64x768xf32, #tpu.memory_space<hbm>>
      %dma_start3A_37 = arith.constant 0 : i32
      %dma_start3A_38 = tpu.memref_slice %arg5[%add3A_11, %dma_start3A_37] : memref<8200x768xf32, #tpu.memory_space<hbm>> -> memref<64x768xf32, #tpu.memory_space<hbm>>
      tpu.enqueue_dma source(%arg6 : memref<64x768xf32, #tpu.memory_space<vmem>>) target(%dma_start3A_38 : memref<64x768xf32, #tpu.memory_space<hbm>>) target_semaphore(%run_scoped3A : memref<!tpu.dma_semaphore, #tpu.memory_space<semaphore_mem>>)
      %dma_wait3A_39 = arith.constant 0 : i32
      %dma_wait3A_40 = tpu.memref_slice %arg5[%add3A_11, %dma_wait3A_39] : memref<8200x768xf32, #tpu.memory_space<hbm>> -> memref<64x768xf32, #tpu.memory_space<hbm>>
      %dma_wait3A_41 = arith.constant 0 : i32
      %dma_wait3A_42 = tpu.memref_slice %arg5[%add3A_11, %dma_wait3A_41] : memref<8200x768xf32, #tpu.memory_space<hbm>> -> memref<64x768xf32, #tpu.memory_space<hbm>>
      tpu.wait_dma2 semaphore(%run_scoped3A : memref<!tpu.dma_semaphore, #tpu.memory_space<semaphore_mem>>) src(%arg6 : memref<64x768xf32, #tpu.memory_space<vmem>>) dst(%dma_wait3A_42 : memref<64x768xf32, #tpu.memory_space<hbm>>)
      tpu.yield
    }) : () -> ()
    %mul3A_12 = arith.constant 4096 : i32
    %mul3A_13 = arith.muli %arg0, %mul3A_12 : i32
    %mul3A_14 = arith.constant 256 : i32
    %mul3A_15 = arith.muli %arg1, %mul3A_14 : i32
    %add3A_16 = arith.addi %mul3A_13, %mul3A_15 : i32
    %add3A_17 = arith.constant 128 : i32
    %add3A_18 = arith.addi %add3A_16, %add3A_17 : i32
    "tpu.region"() ({
      %run_scoped3A = tpu.sem_alloc : memref<!tpu.dma_semaphore, #tpu.memory_space<semaphore_mem>>
      %dma_start3A_35 = arith.constant 0 : i32
      %dma_start3A_36 = tpu.memref_slice %arg2[%add3A_18, %dma_start3A_35] : memref<8192x768xf32, #tpu.memory_space<hbm>> -> memref<64x768xf32, #tpu.memory_space<hbm>>
      %dma_start3A_37 = arith.constant 0 : i32
      %dma_start3A_38 = tpu.memref_slice %arg2[%add3A_18, %dma_start3A_37] : memref<8192x768xf32, #tpu.memory_space<hbm>> -> memref<64x768xf32, #tpu.memory_space<hbm>>
      tpu.enqueue_dma source(%dma_start3A_38 : memref<64x768xf32, #tpu.memory_space<hbm>>) target(%arg6 : memref<64x768xf32, #tpu.memory_space<vmem>>) target_semaphore(%run_scoped3A : memref<!tpu.dma_semaphore, #tpu.memory_space<semaphore_mem>>)
      %dma_wait3A_39 = arith.constant 0 : i32
      %dma_wait3A_40 = tpu.memref_slice %arg2[%add3A_18, %dma_wait3A_39] : memref<8192x768xf32, #tpu.memory_space<hbm>> -> memref<64x768xf32, #tpu.memory_space<hbm>>
      %dma_wait3A_41 = arith.constant 0 : i32
      %dma_wait3A_42 = tpu.memref_slice %arg2[%add3A_18, %dma_wait3A_41] : memref<8192x768xf32, #tpu.memory_space<hbm>> -> memref<64x768xf32, #tpu.memory_space<hbm>>
      tpu.wait_dma2 semaphore(%run_scoped3A : memref<!tpu.dma_semaphore, #tpu.memory_space<semaphore_mem>>) src(%dma_wait3A_42 : memref<64x768xf32, #tpu.memory_space<hbm>>) dst(%arg6 : memref<64x768xf32, #tpu.memory_space<vmem>>)
      tpu.yield
    }) : () -> ()
    "tpu.region"() ({
      %run_scoped3A = tpu.sem_alloc : memref<!tpu.dma_semaphore, #tpu.memory_space<semaphore_mem>>
      %dma_start3A_35 = arith.constant 0 : i32
      %dma_start3A_36 = tpu.memref_slice %arg5[%add3A_18, %dma_start3A_35] : memref<8200x768xf32, #tpu.memory_space<hbm>> -> memref<64x768xf32, #tpu.memory_space<hbm>>
      %dma_start3A_37 = arith.constant 0 : i32
      %dma_start3A_38 = tpu.memref_slice %arg5[%add3A_18, %dma_start3A_37] : memref<8200x768xf32, #tpu.memory_space<hbm>> -> memref<64x768xf32, #tpu.memory_space<hbm>>
      tpu.enqueue_dma source(%arg6 : memref<64x768xf32, #tpu.memory_space<vmem>>) target(%dma_start3A_38 : memref<64x768xf32, #tpu.memory_space<hbm>>) target_semaphore(%run_scoped3A : memref<!tpu.dma_semaphore, #tpu.memory_space<semaphore_mem>>)
      %dma_wait3A_39 = arith.constant 0 : i32
      %dma_wait3A_40 = tpu.memref_slice %arg5[%add3A_18, %dma_wait3A_39] : memref<8200x768xf32, #tpu.memory_space<hbm>> -> memref<64x768xf32, #tpu.memory_space<hbm>>
      %dma_wait3A_41 = arith.constant 0 : i32
      %dma_wait3A_42 = tpu.memref_slice %arg5[%add3A_18, %dma_wait3A_41] : memref<8200x768xf32, #tpu.memory_space<hbm>> -> memref<64x768xf32, #tpu.memory_space<hbm>>
      tpu.wait_dma2 semaphore(%run_scoped3A : memref<!tpu.dma_semaphore, #tpu.memory_space<semaphore_mem>>) src(%arg6 : memref<64x768xf32, #tpu.memory_space<vmem>>) dst(%dma_wait3A_42 : memref<64x768xf32, #tpu.memory_space<hbm>>)
      tpu.yield
    }) : () -> ()
    %mul3A_19 = arith.constant 4096 : i32
    %mul3A_20 = arith.muli %arg0, %mul3A_19 : i32
    %mul3A_21 = arith.constant 256 : i32
    %mul3A_22 = arith.muli %arg1, %mul3A_21 : i32
    %add3A_23 = arith.addi %mul3A_20, %mul3A_22 : i32
    %add3A_24 = arith.constant 192 : i32
    %add3A_25 = arith.addi %add3A_23, %add3A_24 : i32
    "tpu.region"() ({
      %run_scoped3A = tpu.sem_alloc : memref<!tpu.dma_semaphore, #tpu.memory_space<semaphore_mem>>
      %dma_start3A_35 = arith.constant 0 : i32
      %dma_start3A_36 = tpu.memref_slice %arg2[%add3A_25, %dma_start3A_35] : memref<8192x768xf32, #tpu.memory_space<hbm>> -> memref<64x768xf32, #tpu.memory_space<hbm>>
      %dma_start3A_37 = arith.constant 0 : i32
      %dma_start3A_38 = tpu.memref_slice %arg2[%add3A_25, %dma_start3A_37] : memref<8192x768xf32, #tpu.memory_space<hbm>> -> memref<64x768xf32, #tpu.memory_space<hbm>>
      tpu.enqueue_dma source(%dma_start3A_38 : memref<64x768xf32, #tpu.memory_space<hbm>>) target(%arg6 : memref<64x768xf32, #tpu.memory_space<vmem>>) target_semaphore(%run_scoped3A : memref<!tpu.dma_semaphore, #tpu.memory_space<semaphore_mem>>)
      %dma_wait3A_39 = arith.constant 0 : i32
      %dma_wait3A_40 = tpu.memref_slice %arg2[%add3A_25, %dma_wait3A_39] : memref<8192x768xf32, #tpu.memory_space<hbm>> -> memref<64x768xf32, #tpu.memory_space<hbm>>
      %dma_wait3A_41 = arith.constant 0 : i32
      %dma_wait3A_42 = tpu.memref_slice %arg2[%add3A_25, %dma_wait3A_41] : memref<8192x768xf32, #tpu.memory_space<hbm>> -> memref<64x768xf32, #tpu.memory_space<hbm>>
      tpu.wait_dma2 semaphore(%run_scoped3A : memref<!tpu.dma_semaphore, #tpu.memory_space<semaphore_mem>>) src(%dma_wait3A_42 : memref<64x768xf32, #tpu.memory_space<hbm>>) dst(%arg6 : memref<64x768xf32, #tpu.memory_space<vmem>>)
      tpu.yield
    }) : () -> ()
    "tpu.region"() ({
      %run_scoped3A = tpu.sem_alloc : memref<!tpu.dma_semaphore, #tpu.memory_space<semaphore_mem>>
      %dma_start3A_35 = arith.constant 0 : i32
      %dma_start3A_36 = tpu.memref_slice %arg5[%add3A_25, %dma_start3A_35] : memref<8200x768xf32, #tpu.memory_space<hbm>> -> memref<64x768xf32, #tpu.memory_space<hbm>>
      %dma_start3A_37 = arith.constant 0 : i32
      %dma_start3A_38 = tpu.memref_slice %arg5[%add3A_25, %dma_start3A_37] : memref<8200x768xf32, #tpu.memory_space<hbm>> -> memref<64x768xf32, #tpu.memory_space<hbm>>
      tpu.enqueue_dma source(%arg6 : memref<64x768xf32, #tpu.memory_space<vmem>>) target(%dma_start3A_38 : memref<64x768xf32, #tpu.memory_space<hbm>>) target_semaphore(%run_scoped3A : memref<!tpu.dma_semaphore, #tpu.memory_space<semaphore_mem>>)
      %dma_wait3A_39 = arith.constant 0 : i32
      %dma_wait3A_40 = tpu.memref_slice %arg5[%add3A_25, %dma_wait3A_39] : memref<8200x768xf32, #tpu.memory_space<hbm>> -> memref<64x768xf32, #tpu.memory_space<hbm>>
      %dma_wait3A_41 = arith.constant 0 : i32
      %dma_wait3A_42 = tpu.memref_slice %arg5[%add3A_25, %dma_wait3A_41] : memref<8200x768xf32, #tpu.memory_space<hbm>> -> memref<64x768xf32, #tpu.memory_space<hbm>>
      tpu.wait_dma2 semaphore(%run_scoped3A : memref<!tpu.dma_semaphore, #tpu.memory_space<semaphore_mem>>) src(%arg6 : memref<64x768xf32, #tpu.memory_space<vmem>>) dst(%dma_wait3A_42 : memref<64x768xf32, #tpu.memory_space<hbm>>)
      tpu.yield
    }) : () -> ()
    %barrier3A = arith.constant 0 : index
    tpu.barrier barrier_id(%barrier3A)
    %mul3A_26 = arith.constant 1280 : i32
    %mul3A_27 = arith.muli %arg0, %mul3A_26 : i32
    %mul3A_28 = arith.constant 80 : i32
    %mul3A_29 = arith.muli %arg1, %mul3A_28 : i32
    %add3A_30 = arith.addi %mul3A_27, %mul3A_29 : i32
    "tpu.region"() ({
      %run_scoped3A = tpu.sem_alloc : memref<!tpu.dma_semaphore, #tpu.memory_space<semaphore_mem>>
      %dma_start3A_35 = tpu.memref_slice %arg3[%add3A_30] : memref<2576xi32, #tpu.memory_space<hbm>> -> memref<80xi32, #tpu.memory_space<hbm>>
      %dma_start3A_36 = tpu.memref_slice %arg3[%add3A_30] : memref<2576xi32, #tpu.memory_space<hbm>> -> memref<80xi32, #tpu.memory_space<hbm>>
      tpu.enqueue_dma source(%dma_start3A_36 : memref<80xi32, #tpu.memory_space<hbm>>) target(%arg7 : memref<80xi32, #tpu.memory_space<vmem>>) target_semaphore(%run_scoped3A : memref<!tpu.dma_semaphore, #tpu.memory_space<semaphore_mem>>)
      %dma_wait3A_37 = tpu.memref_slice %arg3[%add3A_30] : memref<2576xi32, #tpu.memory_space<hbm>> -> memref<80xi32, #tpu.memory_space<hbm>>
      %dma_wait3A_38 = tpu.memref_slice %arg3[%add3A_30] : memref<2576xi32, #tpu.memory_space<hbm>> -> memref<80xi32, #tpu.memory_space<hbm>>
      tpu.wait_dma2 semaphore(%run_scoped3A : memref<!tpu.dma_semaphore, #tpu.memory_space<semaphore_mem>>) src(%dma_wait3A_38 : memref<80xi32, #tpu.memory_space<hbm>>) dst(%arg7 : memref<80xi32, #tpu.memory_space<vmem>>)
      tpu.yield
    }) : () -> ()
    "tpu.region"() ({
      %run_scoped3A = tpu.sem_alloc : memref<!tpu.dma_semaphore, #tpu.memory_space<semaphore_mem>>
      %dma_start3A_35 = arith.constant 0 : i32
      %dma_start3A_36 = tpu.memref_slice %arg4[%add3A_30, %dma_start3A_35] : memref<2560x768xf32, #tpu.memory_space<hbm>> -> memref<80x768xf32, #tpu.memory_space<hbm>>
      %dma_start3A_37 = arith.constant 0 : i32
      %dma_start3A_38 = tpu.memref_slice %arg4[%add3A_30, %dma_start3A_37] : memref<2560x768xf32, #tpu.memory_space<hbm>> -> memref<80x768xf32, #tpu.memory_space<hbm>>
      tpu.enqueue_dma source(%dma_start3A_38 : memref<80x768xf32, #tpu.memory_space<hbm>>) target(%arg8 : memref<80x768xf32, #tpu.memory_space<vmem>>) target_semaphore(%run_scoped3A : memref<!tpu.dma_semaphore, #tpu.memory_space<semaphore_mem>>)
      %dma_wait3A_39 = arith.constant 0 : i32
      %dma_wait3A_40 = tpu.memref_slice %arg4[%add3A_30, %dma_wait3A_39] : memref<2560x768xf32, #tpu.memory_space<hbm>> -> memref<80x768xf32, #tpu.memory_space<hbm>>
      %dma_wait3A_41 = arith.constant 0 : i32
      %dma_wait3A_42 = tpu.memref_slice %arg4[%add3A_30, %dma_wait3A_41] : memref<2560x768xf32, #tpu.memory_space<hbm>> -> memref<80x768xf32, #tpu.memory_space<hbm>>
      tpu.wait_dma2 semaphore(%run_scoped3A : memref<!tpu.dma_semaphore, #tpu.memory_space<semaphore_mem>>) src(%dma_wait3A_42 : memref<80x768xf32, #tpu.memory_space<hbm>>) dst(%arg8 : memref<80x768xf32, #tpu.memory_space<vmem>>)
      tpu.yield
    }) : () -> ()
    %dma_start3A = arith.constant 0 : i32
    %dma_start3A_31 = arith.constant 0 : i32
    %dma_start3A_32 = tpu.memref_slice %arg5[%dma_start3A, %dma_start3A_31] : memref<8200x768xf32, #tpu.memory_space<hbm>> -> memref<8200x768xf32, #tpu.memory_space<hbm>>
    tpu.enqueue_indirect_dma source(%arg8 : memref<80x768xf32, #tpu.memory_space<vmem>>) target(%dma_start3A_32 : memref<8200x768xf32, #tpu.memory_space<hbm>>) offsets(%arg7 : memref<80xi32, #tpu.memory_space<vmem>>) semaphore(%arg9 : memref<!tpu.dma_semaphore, #tpu.memory_space<semaphore_mem>>)
    %dma_wait3A = arith.constant 0 : i32
    %dma_wait3A_33 = arith.constant 0 : i32
    %dma_wait3A_34 = tpu.memref_slice %arg5[%dma_wait3A, %dma_wait3A_33] : memref<8200x768xf32, #tpu.memory_space<hbm>> -> memref<8200x768xf32, #tpu.memory_space<hbm>>
    tpu.wait_indirect_dma semaphore(%arg9 : memref<!tpu.dma_semaphore, #tpu.memory_space<semaphore_mem>>) src(%arg8 : memref<80x768xf32, #tpu.memory_space<vmem>>) dst(%dma_wait3A_34 : memref<8200x768xf32, #tpu.memory_space<hbm>>)
    return
  }
}

module attributes {stable_mosaic.version = 14 : i64} {
  func.func @_k1_center(%arg0: memref<1x1xf32, #tpu.memory_space<vmem>>, %arg1: memref<1x768xf32, #tpu.memory_space<vmem>>, %arg2: memref<1x768xf32, #tpu.memory_space<vmem>>, %arg3: memref<2x768xf32, #tpu.memory_space<vmem>>, %arg4: memref<1536x768xf32, #tpu.memory_space<vmem>>, %arg5: memref<1x1536xf32, #tpu.memory_space<vmem>>, %arg6: memref<2x1536xf32, #tpu.memory_space<vmem>>) attributes {dimension_semantics = [], scalar_prefetch = 0 : i64, scratch_operands = 0 : i64, tpu.core_type = #tpu.core_type<tc>} {
    %get3A = arith.constant 0 : index
    %get3A_0 = arith.constant 0 : index
    %get3A_1 = vector.load %arg0[%get3A, %get3A_0] : memref<1x1xf32, #tpu.memory_space<vmem>>, vector<1x1xf32>
    %get3A_2 = vector.extract %get3A_1[0, 0] : f32 from vector<1x1xf32>
    %get3A_3 = arith.constant 0 : index
    %get3A_4 = arith.constant 0 : index
    %get3A_5 = vector.load %arg3[%get3A_3, %get3A_4] : memref<2x768xf32, #tpu.memory_space<vmem>>, vector<2x768xf32>
    %mul3A = vector.broadcast %get3A_2 : f32 to vector<2x768xf32>
    %mul3A_6 = arith.mulf %mul3A, %get3A_5 : vector<2x768xf32>
    %tanh3A = math.tanh %mul3A_6 : vector<2x768xf32>
    %get3A_7 = arith.constant 0 : index
    %get3A_8 = arith.constant 0 : index
    %get3A_9 = vector.load %arg1[%get3A_7, %get3A_8] : memref<1x768xf32, #tpu.memory_space<vmem>>, vector<1x768xf32>
    %mul3A_10 = vector.broadcast %get3A_9 : vector<1x768xf32> to vector<2x768xf32>
    %mul3A_11 = arith.mulf %tanh3A, %mul3A_10 : vector<2x768xf32>
    %get3A_12 = arith.constant 0 : index
    %get3A_13 = arith.constant 0 : index
    %get3A_14 = vector.load %arg2[%get3A_12, %get3A_13] : memref<1x768xf32, #tpu.memory_space<vmem>>, vector<1x768xf32>
    %add3A = vector.broadcast %get3A_14 : vector<1x768xf32> to vector<2x768xf32>
    %add3A_15 = arith.addf %mul3A_11, %add3A : vector<2x768xf32>
    %get3A_16 = arith.constant 0 : index
    %get3A_17 = arith.constant 0 : index
    %get3A_18 = vector.load %arg4[%get3A_16, %get3A_17] : memref<1536x768xf32, #tpu.memory_space<vmem>>, vector<1536x768xf32>
    %dot_general3A = arith.constant dense<0.000000e+00> : vector<2x1536xf32>
    %dot_general3A_19 = tpu.matmul %add3A_15, %get3A_18, %dot_general3A {dimension_numbers = #tpu.dot_dimension_numbers<[1], [1], [0], [0], [0, 0, 1, 0], [], []>, transpose_lhs_hint = false} : vector<2x768xf32>, vector<1536x768xf32>, vector<2x1536xf32> -> vector<2x1536xf32>
    %get3A_20 = arith.constant 0 : index
    %get3A_21 = arith.constant 0 : index
    %get3A_22 = vector.load %arg5[%get3A_20, %get3A_21] : memref<1x1536xf32, #tpu.memory_space<vmem>>, vector<1x1536xf32>
    %add3A_23 = vector.broadcast %get3A_22 : vector<1x1536xf32> to vector<2x1536xf32>
    %add3A_24 = arith.addf %dot_general3A_19, %add3A_23 : vector<2x1536xf32>
    %mul3A_25 = arith.mulf %add3A_24, %add3A_24 : vector<2x1536xf32>
    %reduce_sum3A = arith.constant dense<0.000000e+00> : vector<2xf32>
    %reduce_sum3A_26 = vector.multi_reduction <add>, %mul3A_25, %reduce_sum3A [1] : vector<2x1536xf32> to vector<2xf32>
    %broadcast_in_dim3A = vector.shape_cast %reduce_sum3A_26 : vector<2xf32> to vector<2x1xf32>
    %sqrt3A = math.sqrt %broadcast_in_dim3A : vector<2x1xf32>
    %jit3A = arith.constant 9.99999996E-13 : f32
    %max3A = vector.broadcast %jit3A : f32 to vector<2x1xf32>
    %max3A_27 = arith.maximumf %max3A, %sqrt3A : vector<2x1xf32>
    %div3A = vector.broadcast %max3A_27 : vector<2x1xf32> to vector<2x1536xf32>
    %div3A_28 = arith.divf %add3A_24, %div3A : vector<2x1536xf32>
    %swap3A = arith.constant 0 : index
    %swap3A_29 = arith.constant 0 : index
    %swap3A_30 = vector.load %arg6[%swap3A, %swap3A_29] : memref<2x1536xf32, #tpu.memory_space<vmem>>, vector<2x1536xf32>
    tpu.vector_store %arg6[%swap3A, %swap3A_29], %div3A_28 {strides = array<i32>} : memref<2x1536xf32, #tpu.memory_space<vmem>>, vector<2x1536xf32>,
    return
  }
}

module attributes {stable_mosaic.version = 14 : i64} {
  func.func @_k2_proj(%arg0: i32, %arg1: i32, %arg2: memref<1x1xf32, #tpu.memory_space<vmem>>, %arg3: memref<1x768xf32, #tpu.memory_space<vmem>>, %arg4: memref<1x768xf32, #tpu.memory_space<vmem>>, %arg5: memref<1x256x768xf32, #tpu.memory_space<vmem>>, %arg6: memref<1536x768xf32, #tpu.memory_space<vmem>>, %arg7: memref<1x1536xf32, #tpu.memory_space<vmem>>, %arg8: memref<1x1x1536xf32, #tpu.memory_space<vmem>>, %arg9: memref<1x256x1536xf32, #tpu.memory_space<vmem>>, %arg10: memref<1x1x256xf32, #tpu.memory_space<vmem>>) attributes {dimension_semantics = [#tpu.dimension_semantics<arbitrary>, #tpu.dimension_semantics<arbitrary>], iteration_bounds = array<i64: 2, 16>, scalar_prefetch = 0 : i64, scratch_operands = 0 : i64, tpu.core_type = #tpu.core_type<tc>, window_params = [{pipeline_mode = #tpu.pipeline_mode<synchronous>, transform_indices = @transform_0, window_bounds = array<i64: 1, 1>}, {pipeline_mode = #tpu.pipeline_mode<synchronous>, transform_indices = @transform_1, window_bounds = array<i64: 1, 768>}, {pipeline_mode = #tpu.pipeline_mode<synchronous>, transform_indices = @transform_2, window_bounds = array<i64: 1, 768>}, {transform_indices = @transform_3, window_bounds = array<i64: 1, 256, 768>}, {pipeline_mode = #tpu.pipeline_mode<synchronous>, transform_indices = @transform_4, window_bounds = array<i64: 1536, 768>}, {pipeline_mode = #tpu.pipeline_mode<synchronous>, transform_indices = @transform_5, window_bounds = array<i64: 1, 1536>}, {transform_indices = @transform_6, window_bounds = array<i64: 1, 1, 1536>}, {transform_indices = @transform_7, window_bounds = array<i64: 1, 256, 1536>}, {transform_indices = @transform_8, window_bounds = array<i64: 1, 1, 256>}]} {
    %get3A = arith.constant 0 : index
    %get3A_0 = arith.constant 0 : index
    %get3A_1 = arith.constant 0 : index
    %get3A_2 = vector.load %arg5[%get3A, %get3A_0, %get3A_1] : memref<1x256x768xf32, #tpu.memory_space<vmem>>, vector<1x256x768xf32>
    %reshape3A = vector.shape_cast %get3A_2 : vector<1x256x768xf32> to vector<256x768xf32>
    %get3A_3 = arith.constant 0 : index
    %get3A_4 = arith.constant 0 : index
    %get3A_5 = vector.load %arg2[%get3A_3, %get3A_4] : memref<1x1xf32, #tpu.memory_space<vmem>>, vector<1x1xf32>
    %get3A_6 = vector.extract %get3A_5[0, 0] : f32 from vector<1x1xf32>
    %mul3A = vector.broadcast %get3A_6 : f32 to vector<256x768xf32>
    %mul3A_7 = arith.mulf %mul3A, %reshape3A : vector<256x768xf32>
    %tanh3A = math.tanh %mul3A_7 : vector<256x768xf32>
    %get3A_8 = arith.constant 0 : index
    %get3A_9 = arith.constant 0 : index
    %get3A_10 = vector.load %arg3[%get3A_8, %get3A_9] : memref<1x768xf32, #tpu.memory_space<vmem>>, vector<1x768xf32>
    %mul3A_11 = vector.broadcast %get3A_10 : vector<1x768xf32> to vector<256x768xf32>
    %mul3A_12 = arith.mulf %tanh3A, %mul3A_11 : vector<256x768xf32>
    %get3A_13 = arith.constant 0 : index
    %get3A_14 = arith.constant 0 : index
    %get3A_15 = vector.load %arg4[%get3A_13, %get3A_14] : memref<1x768xf32, #tpu.memory_space<vmem>>, vector<1x768xf32>
    %add3A = vector.broadcast %get3A_15 : vector<1x768xf32> to vector<256x768xf32>
    %add3A_16 = arith.addf %mul3A_12, %add3A : vector<256x768xf32>
    %get3A_17 = arith.constant 0 : index
    %get3A_18 = arith.constant 0 : index
    %get3A_19 = vector.load %arg6[%get3A_17, %get3A_18] : memref<1536x768xf32, #tpu.memory_space<vmem>>, vector<1536x768xf32>
    %dot_general3A = arith.constant dense<0.000000e+00> : vector<256x1536xf32>
    %dot_general3A_20 = tpu.matmul %add3A_16, %get3A_19, %dot_general3A {dimension_numbers = #tpu.dot_dimension_numbers<[1], [1], [0], [0], [0, 0, 1, 0], [], []>, transpose_lhs_hint = false} : vector<256x768xf32>, vector<1536x768xf32>, vector<256x1536xf32> -> vector<256x1536xf32>
    %get3A_21 = arith.constant 0 : index
    %get3A_22 = arith.constant 0 : index
    %get3A_23 = vector.load %arg7[%get3A_21, %get3A_22] : memref<1x1536xf32, #tpu.memory_space<vmem>>, vector<1x1536xf32>
    %add3A_24 = vector.broadcast %get3A_23 : vector<1x1536xf32> to vector<256x1536xf32>
    %add3A_25 = arith.addf %dot_general3A_20, %add3A_24 : vector<256x1536xf32>
    %reshape3A_26 = vector.shape_cast %add3A_25 : vector<256x1536xf32> to vector<1x256x1536xf32>
    %swap3A = arith.constant 0 : index
    %swap3A_27 = arith.constant 0 : index
    %swap3A_28 = arith.constant 0 : index
    %swap3A_29 = vector.load %arg9[%swap3A, %swap3A_27, %swap3A_28] : memref<1x256x1536xf32, #tpu.memory_space<vmem>>, vector<1x256x1536xf32>
    tpu.vector_store %arg9[%swap3A, %swap3A_27, %swap3A_28], %reshape3A_26 {strides = array<i32>} : memref<1x256x1536xf32, #tpu.memory_space<vmem>>, vector<1x256x1536xf32>,
    %mul3A_30 = arith.mulf %add3A_25, %add3A_25 : vector<256x1536xf32>
    %reshape3A_31 = vector.shape_cast %mul3A_30 : vector<256x1536xf32> to vector<256x12x128xf32>
    %reduce_sum3A = arith.constant dense<0.000000e+00> : vector<256x12xf32>
    %reduce_sum3A_32 = vector.multi_reduction <add>, %reshape3A_31, %reduce_sum3A [2] : vector<256x12x128xf32> to vector<256x12xf32>
    %slice3A = vector.extract_strided_slice %reduce_sum3A_32 {offsets = [0, 0], sizes = [256, 1], strides = [1, 1]} : vector<256x12xf32> to vector<256x1xf32>
    %squeeze3A = vector.shape_cast %slice3A : vector<256x1xf32> to vector<256xf32>
    %slice3A_33 = vector.extract_strided_slice %reduce_sum3A_32 {offsets = [0, 1], sizes = [256, 1], strides = [1, 1]} : vector<256x12xf32> to vector<256x1xf32>
    %squeeze3A_34 = vector.shape_cast %slice3A_33 : vector<256x1xf32> to vector<256xf32>
    %add3A_35 = arith.addf %squeeze3A, %squeeze3A_34 : vector<256xf32>
    %slice3A_36 = vector.extract_strided_slice %reduce_sum3A_32 {offsets = [0, 2], sizes = [256, 1], strides = [1, 1]} : vector<256x12xf32> to vector<256x1xf32>
    %squeeze3A_37 = vector.shape_cast %slice3A_36 : vector<256x1xf32> to vector<256xf32>
    %add3A_38 = arith.addf %add3A_35, %squeeze3A_37 : vector<256xf32>
    %slice3A_39 = vector.extract_strided_slice %reduce_sum3A_32 {offsets = [0, 3], sizes = [256, 1], strides = [1, 1]} : vector<256x12xf32> to vector<256x1xf32>
    %squeeze3A_40 = vector.shape_cast %slice3A_39 : vector<256x1xf32> to vector<256xf32>
    %add3A_41 = arith.addf %add3A_38, %squeeze3A_40 : vector<256xf32>
    %slice3A_42 = vector.extract_strided_slice %reduce_sum3A_32 {offsets = [0, 4], sizes = [256, 1], strides = [1, 1]} : vector<256x12xf32> to vector<256x1xf32>
    %squeeze3A_43 = vector.shape_cast %slice3A_42 : vector<256x1xf32> to vector<256xf32>
    %add3A_44 = arith.addf %add3A_41, %squeeze3A_43 : vector<256xf32>
    %slice3A_45 = vector.extract_strided_slice %reduce_sum3A_32 {offsets = [0, 5], sizes = [256, 1], strides = [1, 1]} : vector<256x12xf32> to vector<256x1xf32>
    %squeeze3A_46 = vector.shape_cast %slice3A_45 : vector<256x1xf32> to vector<256xf32>
    %add3A_47 = arith.addf %add3A_44, %squeeze3A_46 : vector<256xf32>
    %slice3A_48 = vector.extract_strided_slice %reduce_sum3A_32 {offsets = [0, 6], sizes = [256, 1], strides = [1, 1]} : vector<256x12xf32> to vector<256x1xf32>
    %squeeze3A_49 = vector.shape_cast %slice3A_48 : vector<256x1xf32> to vector<256xf32>
    %add3A_50 = arith.addf %add3A_47, %squeeze3A_49 : vector<256xf32>
    %slice3A_51 = vector.extract_strided_slice %reduce_sum3A_32 {offsets = [0, 7], sizes = [256, 1], strides = [1, 1]} : vector<256x12xf32> to vector<256x1xf32>
    %squeeze3A_52 = vector.shape_cast %slice3A_51 : vector<256x1xf32> to vector<256xf32>
    %add3A_53 = arith.addf %add3A_50, %squeeze3A_52 : vector<256xf32>
    %slice3A_54 = vector.extract_strided_slice %reduce_sum3A_32 {offsets = [0, 8], sizes = [256, 1], strides = [1, 1]} : vector<256x12xf32> to vector<256x1xf32>
    %squeeze3A_55 = vector.shape_cast %slice3A_54 : vector<256x1xf32> to vector<256xf32>
    %add3A_56 = arith.addf %add3A_53, %squeeze3A_55 : vector<256xf32>
    %slice3A_57 = vector.extract_strided_slice %reduce_sum3A_32 {offsets = [0, 9], sizes = [256, 1], strides = [1, 1]} : vector<256x12xf32> to vector<256x1xf32>
    %squeeze3A_58 = vector.shape_cast %slice3A_57 : vector<256x1xf32> to vector<256xf32>
    %add3A_59 = arith.addf %add3A_56, %squeeze3A_58 : vector<256xf32>
    %slice3A_60 = vector.extract_strided_slice %reduce_sum3A_32 {offsets = [0, 10], sizes = [256, 1], strides = [1, 1]} : vector<256x12xf32> to vector<256x1xf32>
    %squeeze3A_61 = vector.shape_cast %slice3A_60 : vector<256x1xf32> to vector<256xf32>
    %add3A_62 = arith.addf %add3A_59, %squeeze3A_61 : vector<256xf32>
    %slice3A_63 = vector.extract_strided_slice %reduce_sum3A_32 {offsets = [0, 11], sizes = [256, 1], strides = [1, 1]} : vector<256x12xf32> to vector<256x1xf32>
    %squeeze3A_64 = vector.shape_cast %slice3A_63 : vector<256x1xf32> to vector<256xf32>
    %add3A_65 = arith.addf %add3A_62, %squeeze3A_64 : vector<256xf32>
    %sqrt3A = math.sqrt %add3A_65 : vector<256xf32>
    %reshape3A_66 = vector.shape_cast %sqrt3A : vector<256xf32> to vector<256x1xf32>
    %jit3A = arith.constant 9.99999996E-13 : f32
    %max3A = vector.broadcast %jit3A : f32 to vector<256x1xf32>
    %max3A_67 = arith.maximumf %max3A, %reshape3A_66 : vector<256x1xf32>
    %div3A = vector.broadcast %max3A_67 : vector<256x1xf32> to vector<256x1536xf32>
    %div3A_68 = arith.divf %add3A_25, %div3A : vector<256x1536xf32>
    %convert_element_type3A = arith.truncf %div3A_68 : vector<256x1536xf32> to vector<256x1536xbf16>
    %convert_element_type3A_69 = arith.extf %convert_element_type3A : vector<256x1536xbf16> to vector<256x1536xf32>
    %get3A_70 = arith.constant 0 : index
    %get3A_71 = arith.constant 0 : index
    %get3A_72 = arith.constant 0 : index
    %get3A_73 = vector.load %arg8[%get3A_70, %get3A_71, %get3A_72] : memref<1x1x1536xf32, #tpu.memory_space<vmem>>, vector<1x1x1536xf32>
    %reshape3A_74 = vector.shape_cast %get3A_73 : vector<1x1x1536xf32> to vector<1x1536xf32>
    %convert_element_type3A_75 = arith.truncf %reshape3A_74 : vector<1x1536xf32> to vector<1x1536xbf16>
    %convert_element_type3A_76 = arith.extf %convert_element_type3A_75 : vector<1x1536xbf16> to vector<1x1536xf32>
    %mul3A_77 = vector.broadcast %convert_element_type3A_76 : vector<1x1536xf32> to vector<256x1536xf32>
    %mul3A_78 = arith.mulf %convert_element_type3A_69, %mul3A_77 : vector<256x1536xf32>
    %reshape3A_79 = vector.shape_cast %mul3A_78 : vector<256x1536xf32> to vector<256x12x128xf32>
    %reduce_sum3A_80 = arith.constant dense<0.000000e+00> : vector<256x12xf32>
    %reduce_sum3A_81 = vector.multi_reduction <add>, %reshape3A_79, %reduce_sum3A_80 [2] : vector<256x12x128xf32> to vector<256x12xf32>
    %slice3A_82 = vector.extract_strided_slice %reduce_sum3A_81 {offsets = [0, 0], sizes = [256, 1], strides = [1, 1]} : vector<256x12xf32> to vector<256x1xf32>
    %squeeze3A_83 = vector.shape_cast %slice3A_82 : vector<256x1xf32> to vector<256xf32>
    %slice3A_84 = vector.extract_strided_slice %reduce_sum3A_81 {offsets = [0, 1], sizes = [256, 1], strides = [1, 1]} : vector<256x12xf32> to vector<256x1xf32>
    %squeeze3A_85 = vector.shape_cast %slice3A_84 : vector<256x1xf32> to vector<256xf32>
    %add3A_86 = arith.addf %squeeze3A_83, %squeeze3A_85 : vector<256xf32>
    %slice3A_87 = vector.extract_strided_slice %reduce_sum3A_81 {offsets = [0, 2], sizes = [256, 1], strides = [1, 1]} : vector<256x12xf32> to vector<256x1xf32>
    %squeeze3A_88 = vector.shape_cast %slice3A_87 : vector<256x1xf32> to vector<256xf32>
    %add3A_89 = arith.addf %add3A_86, %squeeze3A_88 : vector<256xf32>
    %slice3A_90 = vector.extract_strided_slice %reduce_sum3A_81 {offsets = [0, 3], sizes = [256, 1], strides = [1, 1]} : vector<256x12xf32> to vector<256x1xf32>
    %squeeze3A_91 = vector.shape_cast %slice3A_90 : vector<256x1xf32> to vector<256xf32>
    %add3A_92 = arith.addf %add3A_89, %squeeze3A_91 : vector<256xf32>
    %slice3A_93 = vector.extract_strided_slice %reduce_sum3A_81 {offsets = [0, 4], sizes = [256, 1], strides = [1, 1]} : vector<256x12xf32> to vector<256x1xf32>
    %squeeze3A_94 = vector.shape_cast %slice3A_93 : vector<256x1xf32> to vector<256xf32>
    %add3A_95 = arith.addf %add3A_92, %squeeze3A_94 : vector<256xf32>
    %slice3A_96 = vector.extract_strided_slice %reduce_sum3A_81 {offsets = [0, 5], sizes = [256, 1], strides = [1, 1]} : vector<256x12xf32> to vector<256x1xf32>
    %squeeze3A_97 = vector.shape_cast %slice3A_96 : vector<256x1xf32> to vector<256xf32>
    %add3A_98 = arith.addf %add3A_95, %squeeze3A_97 : vector<256xf32>
    %slice3A_99 = vector.extract_strided_slice %reduce_sum3A_81 {offsets = [0, 6], sizes = [256, 1], strides = [1, 1]} : vector<256x12xf32> to vector<256x1xf32>
    %squeeze3A_100 = vector.shape_cast %slice3A_99 : vector<256x1xf32> to vector<256xf32>
    %add3A_101 = arith.addf %add3A_98, %squeeze3A_100 : vector<256xf32>
    %slice3A_102 = vector.extract_strided_slice %reduce_sum3A_81 {offsets = [0, 7], sizes = [256, 1], strides = [1, 1]} : vector<256x12xf32> to vector<256x1xf32>
    %squeeze3A_103 = vector.shape_cast %slice3A_102 : vector<256x1xf32> to vector<256xf32>
    %add3A_104 = arith.addf %add3A_101, %squeeze3A_103 : vector<256xf32>
    %slice3A_105 = vector.extract_strided_slice %reduce_sum3A_81 {offsets = [0, 8], sizes = [256, 1], strides = [1, 1]} : vector<256x12xf32> to vector<256x1xf32>
    %squeeze3A_106 = vector.shape_cast %slice3A_105 : vector<256x1xf32> to vector<256xf32>
    %add3A_107 = arith.addf %add3A_104, %squeeze3A_106 : vector<256xf32>
    %slice3A_108 = vector.extract_strided_slice %reduce_sum3A_81 {offsets = [0, 9], sizes = [256, 1], strides = [1, 1]} : vector<256x12xf32> to vector<256x1xf32>
    %squeeze3A_109 = vector.shape_cast %slice3A_108 : vector<256x1xf32> to vector<256xf32>
    %add3A_110 = arith.addf %add3A_107, %squeeze3A_109 : vector<256xf32>
    %slice3A_111 = vector.extract_strided_slice %reduce_sum3A_81 {offsets = [0, 10], sizes = [256, 1], strides = [1, 1]} : vector<256x12xf32> to vector<256x1xf32>
    %squeeze3A_112 = vector.shape_cast %slice3A_111 : vector<256x1xf32> to vector<256xf32>
    %add3A_113 = arith.addf %add3A_110, %squeeze3A_112 : vector<256xf32>
    %slice3A_114 = vector.extract_strided_slice %reduce_sum3A_81 {offsets = [0, 11], sizes = [256, 1], strides = [1, 1]} : vector<256x12xf32> to vector<256x1xf32>
    %squeeze3A_115 = vector.shape_cast %slice3A_114 : vector<256x1xf32> to vector<256xf32>
    %add3A_116 = arith.addf %add3A_113, %squeeze3A_115 : vector<256xf32>
    %reshape3A_117 = vector.shape_cast %add3A_116 : vector<256xf32> to vector<1x1x256xf32>
    %swap3A_118 = arith.constant 0 : index
    %swap3A_119 = arith.constant 0 : index
    %swap3A_120 = arith.constant 0 : index
    %swap3A_121 = vector.load %arg10[%swap3A_118, %swap3A_119, %swap3A_120] : memref<1x1x256xf32, #tpu.memory_space<vmem>>, vector<1x1x256xf32>
    tpu.vector_store %arg10[%swap3A_118, %swap3A_119, %swap3A_120], %reshape3A_117 {strides = array<i32>} : memref<1x1x256xf32, #tpu.memory_space<vmem>>, vector<1x1x256xf32>,
    return
  }
  func.func @transform_0(%arg0: i32, %arg1: i32) -> (i32, i32) {
    %c0_i32 = arith.constant 0 : i32
    %c0_i32_0 = arith.constant 0 : i32
    %c0_i32_1 = arith.constant 0 : i32
    return %c0_i32, %c0_i32_0 : i32, i32
  }
  func.func @transform_1(%arg0: i32, %arg1: i32) -> (i32, i32) {
    %c0_i32 = arith.constant 0 : i32
    %c0_i32_0 = arith.constant 0 : i32
    %c0_i32_1 = arith.constant 0 : i32
    return %c0_i32, %c0_i32_0 : i32, i32
  }
  func.func @transform_2(%arg0: i32, %arg1: i32) -> (i32, i32) {
    %c0_i32 = arith.constant 0 : i32
    %c0_i32_0 = arith.constant 0 : i32
    %c0_i32_1 = arith.constant 0 : i32
    return %c0_i32, %c0_i32_0 : i32, i32
  }
  func.func @transform_3(%arg0: i32, %arg1: i32) -> (i32, i32, i32) {
    %c0_i32 = arith.constant 0 : i32
    %c0_i32_0 = arith.constant 0 : i32
    return %arg0, %arg1, %c0_i32 : i32, i32, i32
  }
  func.func @transform_4(%arg0: i32, %arg1: i32) -> (i32, i32) {
    %c0_i32 = arith.constant 0 : i32
    %c0_i32_0 = arith.constant 0 : i32
    %c0_i32_1 = arith.constant 0 : i32
    return %c0_i32, %c0_i32_0 : i32, i32
  }
  func.func @transform_5(%arg0: i32, %arg1: i32) -> (i32, i32) {
    %c0_i32 = arith.constant 0 : i32
    %c0_i32_0 = arith.constant 0 : i32
    %c0_i32_1 = arith.constant 0 : i32
    return %c0_i32, %c0_i32_0 : i32, i32
  }
  func.func @transform_6(%arg0: i32, %arg1: i32) -> (i32, i32, i32) {
    %c0_i32 = arith.constant 0 : i32
    %c0_i32_0 = arith.constant 0 : i32
    %c0_i32_1 = arith.constant 0 : i32
    return %arg0, %c0_i32, %c0_i32_0 : i32, i32, i32
  }
  func.func @transform_7(%arg0: i32, %arg1: i32) -> (i32, i32, i32) {
    %c0_i32 = arith.constant 0 : i32
    %c0_i32_0 = arith.constant 0 : i32
    return %arg0, %arg1, %c0_i32 : i32, i32, i32
  }
  func.func @transform_8(%arg0: i32, %arg1: i32) -> (i32, i32, i32) {
    %c0_i32 = arith.constant 0 : i32
    %c0_i32_0 = arith.constant 0 : i32
    return %arg0, %c0_i32, %arg1 : i32, i32, i32
  }
}

module attributes {stable_mosaic.version = 14 : i64} {
  func.func @_k3_rank(%arg0: i32, %arg1: i32, %arg2: i32, %arg3: memref<1x1x256xf32, #tpu.memory_space<vmem>>, %arg4: memref<1x1x1024xf32, #tpu.memory_space<vmem>>, %arg5: memref<1x1x256xi32, #tpu.memory_space<vmem>>) attributes {dimension_semantics = [#tpu.dimension_semantics<arbitrary>, #tpu.dimension_semantics<arbitrary>, #tpu.dimension_semantics<arbitrary>], iteration_bounds = array<i64: 2, 16, 4>, scalar_prefetch = 0 : i64, scratch_operands = 0 : i64, tpu.core_type = #tpu.core_type<tc>, window_params = [{transform_indices = @transform_0, window_bounds = array<i64: 1, 1, 256>}, {transform_indices = @transform_1, window_bounds = array<i64: 1, 1, 1024>}, {transform_indices = @transform_2, window_bounds = array<i64: 1, 1, 256>}]} {
    %eq3A = arith.constant 0 : i32
    %eq3A_0 = arith.cmpi eq, %arg2, %eq3A : i32
    %convert_element_type3A = arith.extui %eq3A_0 : i1 to i32
    %cond3A = arith.constant 0 : i32
    %cond3A_1 = arith.cmpi ne, %convert_element_type3A, %cond3A : i32
    scf.if %cond3A_1 {
      %broadcast_in_dim3A = arith.constant 0 : i32
      %broadcast_in_dim3A_35 = vector.broadcast %broadcast_in_dim3A : i32 to vector<1x1x256xi32>
      %swap3A_36 = arith.constant 0 : index
      %swap3A_37 = arith.constant 0 : index
      %swap3A_38 = arith.constant 0 : index
      %swap3A_39 = vector.load %arg5[%swap3A_36, %swap3A_37, %swap3A_38] : memref<1x1x256xi32, #tpu.memory_space<vmem>>, vector<1x1x256xi32>
      tpu.vector_store %arg5[%swap3A_36, %swap3A_37, %swap3A_38], %broadcast_in_dim3A_35 {strides = array<i32>} : memref<1x1x256xi32, #tpu.memory_space<vmem>>, vector<1x1x256xi32>,
    } else {
    }
    %get3A = arith.constant 0 : index
    %get3A_2 = arith.constant 0 : index
    %get3A_3 = arith.constant 0 : index
    %get3A_4 = vector.load %arg3[%get3A, %get3A_2, %get3A_3] : memref<1x1x256xf32, #tpu.memory_space<vmem>>, vector<1x1x256xf32>
    %reshape3A = vector.shape_cast %get3A_4 : vector<1x1x256xf32> to vector<256x1xf32>
    %get3A_5 = arith.constant 0 : index
    %get3A_6 = arith.constant 0 : index
    %get3A_7 = arith.constant 0 : index
    %get3A_8 = vector.load %arg4[%get3A_5, %get3A_6, %get3A_7] : memref<1x1x1024xf32, #tpu.memory_space<vmem>>, vector<1x1x1024xf32>
    %reshape3A_9 = vector.shape_cast %get3A_8 : vector<1x1x1024xf32> to vector<1x1024xf32>
    %mul3A = arith.constant 256 : i32
    %mul3A_10 = arith.muli %arg1, %mul3A : i32
    %iota3A = tpu.iota {dimensions = array<i32: 0>} : vector<256x1xi32>
    %add3A = vector.broadcast %mul3A_10 : i32 to vector<256x1xi32>
    %add3A_11 = arith.addi %add3A, %iota3A : vector<256x1xi32>
    %mul3A_12 = arith.constant 1024 : i32
    %mul3A_13 = arith.muli %arg2, %mul3A_12 : i32
    %iota3A_14 = tpu.iota {dimensions = array<i32: 1>} : vector<1x1024xi32>
    %add3A_15 = vector.broadcast %mul3A_13 : i32 to vector<1x1024xi32>
    %add3A_16 = arith.addi %add3A_15, %iota3A_14 : vector<1x1024xi32>
    %gt3A = vector.broadcast %reshape3A_9 : vector<1x1024xf32> to vector<256x1024xf32>
    %gt3A_17 = vector.broadcast %reshape3A : vector<256x1xf32> to vector<256x1024xf32>
    %gt3A_18 = arith.cmpf ogt, %gt3A, %gt3A_17 : vector<256x1024xf32>
    %eq3A_19 = vector.broadcast %reshape3A_9 : vector<1x1024xf32> to vector<256x1024xf32>
    %eq3A_20 = vector.broadcast %reshape3A : vector<256x1xf32> to vector<256x1024xf32>
    %eq3A_21 = arith.cmpf oeq, %eq3A_19, %eq3A_20 : vector<256x1024xf32>
    %lt3A = vector.broadcast %add3A_16 : vector<1x1024xi32> to vector<256x1024xi32>
    %lt3A_22 = vector.broadcast %add3A_11 : vector<256x1xi32> to vector<256x1024xi32>
    %lt3A_23 = arith.cmpi slt, %lt3A, %lt3A_22 : vector<256x1024xi32>
    %and3A = arith.andi %eq3A_21, %lt3A_23 : vector<256x1024xi1>
    %or3A = arith.ori %gt3A_18, %and3A : vector<256x1024xi1>
    %convert_element_type3A_24 = arith.extui %or3A : vector<256x1024xi1> to vector<256x1024xi32>
    %reduce_sum3A = arith.constant dense<0> : vector<256xi32>
    %reduce_sum3A_25 = vector.multi_reduction <add>, %convert_element_type3A_24, %reduce_sum3A [1] : vector<256x1024xi32> to vector<256xi32>
    %get3A_26 = arith.constant 0 : index
    %get3A_27 = arith.constant 0 : index
    %get3A_28 = arith.constant 0 : index
    %get3A_29 = vector.load %arg5[%get3A_26, %get3A_27, %get3A_28] : memref<1x1x256xi32, #tpu.memory_space<vmem>>, vector<1x1x256xi32>
    %reshape3A_30 = vector.shape_cast %reduce_sum3A_25 : vector<256xi32> to vector<1x1x256xi32>
    %add3A_31 = arith.addi %get3A_29, %reshape3A_30 : vector<1x1x256xi32>
    %swap3A = arith.constant 0 : index
    %swap3A_32 = arith.constant 0 : index
    %swap3A_33 = arith.constant 0 : index
    %swap3A_34 = vector.load %arg5[%swap3A, %swap3A_32, %swap3A_33] : memref<1x1x256xi32, #tpu.memory_space<vmem>>, vector<1x1x256xi32>
    tpu.vector_store %arg5[%swap3A, %swap3A_32, %swap3A_33], %add3A_31 {strides = array<i32>} : memref<1x1x256xi32, #tpu.memory_space<vmem>>, vector<1x1x256xi32>,
    return
  }
  func.func @transform_0(%arg0: i32, %arg1: i32, %arg2: i32) -> (i32, i32, i32) {
    %c0_i32 = arith.constant 0 : i32
    %c0_i32_0 = arith.constant 0 : i32
    return %arg0, %c0_i32, %arg1 : i32, i32, i32
  }
  func.func @transform_1(%arg0: i32, %arg1: i32, %arg2: i32) -> (i32, i32, i32) {
    %c0_i32 = arith.constant 0 : i32
    %c0_i32_0 = arith.constant 0 : i32
    return %arg0, %c0_i32, %arg2 : i32, i32, i32
  }
  func.func @transform_2(%arg0: i32, %arg1: i32, %arg2: i32) -> (i32, i32, i32) {
    %c0_i32 = arith.constant 0 : i32
    %c0_i32_0 = arith.constant 0 : i32
    return %arg0, %c0_i32, %arg1 : i32, i32, i32
  }
}

module attributes {stable_mosaic.version = 14 : i64} {
  func.func @_k6a_scan(%arg0: i32, %arg1: i32, %arg2: memref<1x128x1536xf32, #tpu.memory_space<vmem>>, %arg3: memref<4x1536xf32, #tpu.memory_space<vmem>>, %arg4: memref<16x128x128xf32, #tpu.memory_space<vmem>>, %arg5: memref<128x256xf32, #tpu.memory_space<vmem>>, %arg6: memref<16x128xf32, #tpu.memory_space<vmem>>, %arg7: memref<16x16xf32, #tpu.memory_space<vmem>>, %arg8: memref<16x1536xf32, #tpu.memory_space<vmem>>, %arg9: memref<1x128x1536xf32, #tpu.memory_space<vmem>>, %arg10: memref<16x1536xf32, #tpu.memory_space<vmem>>, %arg11: memref<8x1536xf32, #tpu.memory_space<vmem>>) attributes {dimension_semantics = [#tpu.dimension_semantics<arbitrary>, #tpu.dimension_semantics<arbitrary>], iteration_bounds = array<i64: 2, 10>, scalar_prefetch = 0 : i64, scratch_operands = 2 : i64, tpu.core_type = #tpu.core_type<tc>, window_params = [{transform_indices = @transform_0, window_bounds = array<i64: 1, 128, 1536>}, {pipeline_mode = #tpu.pipeline_mode<synchronous>, transform_indices = @transform_1, window_bounds = array<i64: 4, 1536>}, {pipeline_mode = #tpu.pipeline_mode<synchronous>, transform_indices = @transform_2, window_bounds = array<i64: 16, 128, 128>}, {pipeline_mode = #tpu.pipeline_mode<synchronous>, transform_indices = @transform_3, window_bounds = array<i64: 128, 256>}, {pipeline_mode = #tpu.pipeline_mode<synchronous>, transform_indices = @transform_4, window_bounds = array<i64: 16, 128>}, {pipeline_mode = #tpu.pipeline_mode<synchronous>, transform_indices = @transform_5, window_bounds = array<i64: 16, 16>}, {pipeline_mode = #tpu.pipeline_mode<synchronous>, transform_indices = @transform_6, window_bounds = array<i64: 16, 1536>}, {transform_indices = @transform_7, window_bounds = array<i64: 1, 128, 1536>}]} {
    %eq3A = arith.constant 0 : i32
    %eq3A_0 = arith.cmpi eq, %arg1, %eq3A : i32
    %convert_element_type3A = arith.extui %eq3A_0 : i1 to i32
    %cond3A = arith.constant 0 : i32
    %cond3A_1 = arith.cmpi ne, %convert_element_type3A, %cond3A : i32
    scf.if %cond3A_1 {
      %broadcast_in_dim3A_240 = arith.constant 0.000000e+00 : f32
      %broadcast_in_dim3A_241 = vector.broadcast %broadcast_in_dim3A_240 : f32 to vector<16x1536xf32>
      %swap3A_242 = arith.constant 0 : index
      %swap3A_243 = arith.constant 0 : index
      %swap3A_244 = vector.load %arg10[%swap3A_242, %swap3A_243] : memref<16x1536xf32, #tpu.memory_space<vmem>>, vector<16x1536xf32>
      tpu.vector_store %arg10[%swap3A_242, %swap3A_243], %broadcast_in_dim3A_241 {strides = array<i32>} : memref<16x1536xf32, #tpu.memory_space<vmem>>, vector<16x1536xf32>,
      %broadcast_in_dim3A_245 = arith.constant 0.000000e+00 : f32
      %broadcast_in_dim3A_246 = vector.broadcast %broadcast_in_dim3A_245 : f32 to vector<8x1536xf32>
      %swap3A_247 = arith.constant 0 : index
      %swap3A_248 = arith.constant 0 : index
      %swap3A_249 = vector.load %arg11[%swap3A_247, %swap3A_248] : memref<8x1536xf32, #tpu.memory_space<vmem>>, vector<8x1536xf32>
      tpu.vector_store %arg11[%swap3A_247, %swap3A_248], %broadcast_in_dim3A_246 {strides = array<i32>} : memref<8x1536xf32, #tpu.memory_space<vmem>>, vector<8x1536xf32>,
    } else {
    }
    %get3A = arith.constant 0 : index
    %get3A_2 = arith.constant 0 : index
    %get3A_3 = arith.constant 0 : index
    %get3A_4 = vector.load %arg2[%get3A, %get3A_2, %get3A_3] : memref<1x128x1536xf32, #tpu.memory_space<vmem>>, vector<1x128x1536xf32>
    %reshape3A = vector.shape_cast %get3A_4 : vector<1x128x1536xf32> to vector<128x1536xf32>
    %get3A_5 = arith.constant 0 : index
    %get3A_6 = arith.constant 0 : index
    %get3A_7 = vector.load %arg11[%get3A_5, %get3A_6] : memref<8x1536xf32, #tpu.memory_space<vmem>>, vector<8x1536xf32>
    %concatenate3A = tpu.concatenate %get3A_7, %reshape3A in 0 : vector<8x1536xf32>, vector<128x1536xf32> -> vector<136x1536xf32>
    %get3A_8 = arith.constant 0 : index
    %get3A_9 = arith.constant 0 : index
    %get3A_10 = vector.load %arg3[%get3A_8, %get3A_9] : memref<4x1536xf32, #tpu.memory_space<vmem>>, vector<4x1536xf32>
    %slice3A = vector.extract_strided_slice %get3A_10 {offsets = [0, 0], sizes = [1, 1536], strides = [1, 1]} : vector<4x1536xf32> to vector<1x1536xf32>
    %slice3A_11 = vector.extract_strided_slice %concatenate3A {offsets = [5, 0], sizes = [128, 1536], strides = [1, 1]} : vector<136x1536xf32> to vector<128x1536xf32>
    %mul3A = vector.broadcast %slice3A : vector<1x1536xf32> to vector<128x1536xf32>
    %mul3A_12 = arith.mulf %mul3A, %slice3A_11 : vector<128x1536xf32>
    %slice3A_13 = vector.extract_strided_slice %get3A_10 {offsets = [1, 0], sizes = [1, 1536], strides = [1, 1]} : vector<4x1536xf32> to vector<1x1536xf32>
    %slice3A_14 = vector.extract_strided_slice %concatenate3A {offsets = [6, 0], sizes = [128, 1536], strides = [1, 1]} : vector<136x1536xf32> to vector<128x1536xf32>
    %mul3A_15 = vector.broadcast %slice3A_13 : vector<1x1536xf32> to vector<128x1536xf32>
    %mul3A_16 = arith.mulf %mul3A_15, %slice3A_14 : vector<128x1536xf32>
    %add3A = arith.addf %mul3A_12, %mul3A_16 : vector<128x1536xf32>
    %slice3A_17 = vector.extract_strided_slice %get3A_10 {offsets = [2, 0], sizes = [1, 1536], strides = [1, 1]} : vector<4x1536xf32> to vector<1x1536xf32>
    %slice3A_18 = vector.extract_strided_slice %concatenate3A {offsets = [7, 0], sizes = [128, 1536], strides = [1, 1]} : vector<136x1536xf32> to vector<128x1536xf32>
    %mul3A_19 = vector.broadcast %slice3A_17 : vector<1x1536xf32> to vector<128x1536xf32>
    %mul3A_20 = arith.mulf %mul3A_19, %slice3A_18 : vector<128x1536xf32>
    %add3A_21 = arith.addf %add3A, %mul3A_20 : vector<128x1536xf32>
    %slice3A_22 = vector.extract_strided_slice %get3A_10 {offsets = [3, 0], sizes = [1, 1536], strides = [1, 1]} : vector<4x1536xf32> to vector<1x1536xf32>
    %slice3A_23 = vector.extract_strided_slice %concatenate3A {offsets = [8, 0], sizes = [128, 1536], strides = [1, 1]} : vector<136x1536xf32> to vector<128x1536xf32>
    %mul3A_24 = vector.broadcast %slice3A_22 : vector<1x1536xf32> to vector<128x1536xf32>
    %mul3A_25 = arith.mulf %mul3A_24, %slice3A_23 : vector<128x1536xf32>
    %add3A_26 = arith.addf %add3A_21, %mul3A_25 : vector<128x1536xf32>
    %get3A_27 = arith.constant 0 : index
    %get3A_28 = arith.constant 0 : index
    %get3A_29 = vector.load %arg10[%get3A_27, %get3A_28] : memref<16x1536xf32, #tpu.memory_space<vmem>>, vector<16x1536xf32>
    %get3A_30 = arith.constant 0 : index
    %get3A_31 = arith.constant 0 : index
    %get3A_32 = vector.load %arg8[%get3A_30, %get3A_31] : memref<16x1536xf32, #tpu.memory_space<vmem>>, vector<16x1536xf32>
    %broadcast_in_dim3A = vector.shape_cast %get3A_32 : vector<16x1536xf32> to vector<16x1x1536xf32>
    %broadcast_in_dim3A_33 = vector.shape_cast %get3A_29 : vector<16x1536xf32> to vector<1x16x1536xf32>
    %mul3A_34 = vector.broadcast %broadcast_in_dim3A : vector<16x1x1536xf32> to vector<16x16x1536xf32>
    %mul3A_35 = vector.broadcast %broadcast_in_dim3A_33 : vector<1x16x1536xf32> to vector<16x16x1536xf32>
    %mul3A_36 = arith.mulf %mul3A_34, %mul3A_35 : vector<16x16x1536xf32>
    %reshape3A_37 = vector.shape_cast %mul3A_36 : vector<16x16x1536xf32> to vector<256x1536xf32>
    %get3A_38 = arith.constant 0 : index
    %get3A_39 = arith.constant 0 : index
    %get3A_40 = vector.load %arg5[%get3A_38, %get3A_39] : memref<128x256xf32, #tpu.memory_space<vmem>>, vector<128x256xf32>
    %dot_general3A = arith.constant dense<0.000000e+00> : vector<128x1536xf32>
    %dot_general3A_41 = tpu.matmul %get3A_40, %reshape3A_37, %dot_general3A {dimension_numbers = #tpu.dot_dimension_numbers<[1], [0], [0], [1], [0, 0, 1, 1], [], []>, transpose_lhs_hint = false} : vector<128x256xf32>, vector<256x1536xf32>, vector<128x1536xf32> -> vector<128x1536xf32>
    %get3A_42 = arith.constant 0 : index
    %get3A_43 = arith.constant 0 : index
    %get3A_44 = arith.constant 0 : index
    %get3A_45 = vector.load %arg4[%get3A_42, %get3A_43, %get3A_44] : memref<16x128x128xf32, #tpu.memory_space<vmem>>, vector<1x128x128xf32>
    %get3A_46 = vector.shape_cast %get3A_45 : vector<1x128x128xf32> to vector<128x128xf32>
    %dot_general3A_47 = arith.constant dense<0.000000e+00> : vector<128x1536xf32>
    %dot_general3A_48 = tpu.matmul %get3A_46, %add3A_26, %dot_general3A_47 {dimension_numbers = #tpu.dot_dimension_numbers<[1], [0], [0], [1], [0, 0, 1, 1], [], []>, transpose_lhs_hint = false} : vector<128x128xf32>, vector<128x1536xf32>, vector<128x1536xf32> -> vector<128x1536xf32>
    %slice3A_49 = vector.extract_strided_slice %get3A_32 {offsets = [0, 0], sizes = [1, 1536], strides = [1, 1]} : vector<16x1536xf32> to vector<1x1536xf32>
    %mul3A_50 = vector.broadcast %slice3A_49 : vector<1x1536xf32> to vector<128x1536xf32>
    %mul3A_51 = arith.mulf %dot_general3A_48, %mul3A_50 : vector<128x1536xf32>
    %add3A_52 = arith.addf %dot_general3A_41, %mul3A_51 : vector<128x1536xf32>
    %get3A_53 = arith.constant 1 : index
    %get3A_54 = arith.constant 0 : index
    %get3A_55 = arith.constant 0 : index
    %get3A_56 = vector.load %arg4[%get3A_53, %get3A_54, %get3A_55] : memref<16x128x128xf32, #tpu.memory_space<vmem>>, vector<1x128x128xf32>
    %get3A_57 = vector.shape_cast %get3A_56 : vector<1x128x128xf32> to vector<128x128xf32>
    %dot_general3A_58 = arith.constant dense<0.000000e+00> : vector<128x1536xf32>
    %dot_general3A_59 = tpu.matmul %get3A_57, %add3A_26, %dot_general3A_58 {dimension_numbers = #tpu.dot_dimension_numbers<[1], [0], [0], [1], [0, 0, 1, 1], [], []>, transpose_lhs_hint = false} : vector<128x128xf32>, vector<128x1536xf32>, vector<128x1536xf32> -> vector<128x1536xf32>
    %slice3A_60 = vector.extract_strided_slice %get3A_32 {offsets = [1, 0], sizes = [1, 1536], strides = [1, 1]} : vector<16x1536xf32> to vector<1x1536xf32>
    %mul3A_61 = vector.broadcast %slice3A_60 : vector<1x1536xf32> to vector<128x1536xf32>
    %mul3A_62 = arith.mulf %dot_general3A_59, %mul3A_61 : vector<128x1536xf32>
    %add3A_63 = arith.addf %add3A_52, %mul3A_62 : vector<128x1536xf32>
    %get3A_64 = arith.constant 2 : index
    %get3A_65 = arith.constant 0 : index
    %get3A_66 = arith.constant 0 : index
    %get3A_67 = vector.load %arg4[%get3A_64, %get3A_65, %get3A_66] : memref<16x128x128xf32, #tpu.memory_space<vmem>>, vector<1x128x128xf32>
    %get3A_68 = vector.shape_cast %get3A_67 : vector<1x128x128xf32> to vector<128x128xf32>
    %dot_general3A_69 = arith.constant dense<0.000000e+00> : vector<128x1536xf32>
    %dot_general3A_70 = tpu.matmul %get3A_68, %add3A_26, %dot_general3A_69 {dimension_numbers = #tpu.dot_dimension_numbers<[1], [0], [0], [1], [0, 0, 1, 1], [], []>, transpose_lhs_hint = false} : vector<128x128xf32>, vector<128x1536xf32>, vector<128x1536xf32> -> vector<128x1536xf32>
    %slice3A_71 = vector.extract_strided_slice %get3A_32 {offsets = [2, 0], sizes = [1, 1536], strides = [1, 1]} : vector<16x1536xf32> to vector<1x1536xf32>
    %mul3A_72 = vector.broadcast %slice3A_71 : vector<1x1536xf32> to vector<128x1536xf32>
    %mul3A_73 = arith.mulf %dot_general3A_70, %mul3A_72 : vector<128x1536xf32>
    %add3A_74 = arith.addf %add3A_63, %mul3A_73 : vector<128x1536xf32>
    %get3A_75 = arith.constant 3 : index
    %get3A_76 = arith.constant 0 : index
    %get3A_77 = arith.constant 0 : index
    %get3A_78 = vector.load %arg4[%get3A_75, %get3A_76, %get3A_77] : memref<16x128x128xf32, #tpu.memory_space<vmem>>, vector<1x128x128xf32>
    %get3A_79 = vector.shape_cast %get3A_78 : vector<1x128x128xf32> to vector<128x128xf32>
    %dot_general3A_80 = arith.constant dense<0.000000e+00> : vector<128x1536xf32>
    %dot_general3A_81 = tpu.matmul %get3A_79, %add3A_26, %dot_general3A_80 {dimension_numbers = #tpu.dot_dimension_numbers<[1], [0], [0], [1], [0, 0, 1, 1], [], []>, transpose_lhs_hint = false} : vector<128x128xf32>, vector<128x1536xf32>, vector<128x1536xf32> -> vector<128x1536xf32>
    %slice3A_82 = vector.extract_strided_slice %get3A_32 {offsets = [3, 0], sizes = [1, 1536], strides = [1, 1]} : vector<16x1536xf32> to vector<1x1536xf32>
    %mul3A_83 = vector.broadcast %slice3A_82 : vector<1x1536xf32> to vector<128x1536xf32>
    %mul3A_84 = arith.mulf %dot_general3A_81, %mul3A_83 : vector<128x1536xf32>
    %add3A_85 = arith.addf %add3A_74, %mul3A_84 : vector<128x1536xf32>
    %get3A_86 = arith.constant 4 : index
    %get3A_87 = arith.constant 0 : index
    %get3A_88 = arith.constant 0 : index
    %get3A_89 = vector.load %arg4[%get3A_86, %get3A_87, %get3A_88] : memref<16x128x128xf32, #tpu.memory_space<vmem>>, vector<1x128x128xf32>
    %get3A_90 = vector.shape_cast %get3A_89 : vector<1x128x128xf32> to vector<128x128xf32>
    %dot_general3A_91 = arith.constant dense<0.000000e+00> : vector<128x1536xf32>
    %dot_general3A_92 = tpu.matmul %get3A_90, %add3A_26, %dot_general3A_91 {dimension_numbers = #tpu.dot_dimension_numbers<[1], [0], [0], [1], [0, 0, 1, 1], [], []>, transpose_lhs_hint = false} : vector<128x128xf32>, vector<128x1536xf32>, vector<128x1536xf32> -> vector<128x1536xf32>
    %slice3A_93 = vector.extract_strided_slice %get3A_32 {offsets = [4, 0], sizes = [1, 1536], strides = [1, 1]} : vector<16x1536xf32> to vector<1x1536xf32>
    %mul3A_94 = vector.broadcast %slice3A_93 : vector<1x1536xf32> to vector<128x1536xf32>
    %mul3A_95 = arith.mulf %dot_general3A_92, %mul3A_94 : vector<128x1536xf32>
    %add3A_96 = arith.addf %add3A_85, %mul3A_95 : vector<128x1536xf32>
    %get3A_97 = arith.constant 5 : index
    %get3A_98 = arith.constant 0 : index
    %get3A_99 = arith.constant 0 : index
    %get3A_100 = vector.load %arg4[%get3A_97, %get3A_98, %get3A_99] : memref<16x128x128xf32, #tpu.memory_space<vmem>>, vector<1x128x128xf32>
    %get3A_101 = vector.shape_cast %get3A_100 : vector<1x128x128xf32> to vector<128x128xf32>
    %dot_general3A_102 = arith.constant dense<0.000000e+00> : vector<128x1536xf32>
    %dot_general3A_103 = tpu.matmul %get3A_101, %add3A_26, %dot_general3A_102 {dimension_numbers = #tpu.dot_dimension_numbers<[1], [0], [0], [1], [0, 0, 1, 1], [], []>, transpose_lhs_hint = false} : vector<128x128xf32>, vector<128x1536xf32>, vector<128x1536xf32> -> vector<128x1536xf32>
    %slice3A_104 = vector.extract_strided_slice %get3A_32 {offsets = [5, 0], sizes = [1, 1536], strides = [1, 1]} : vector<16x1536xf32> to vector<1x1536xf32>
    %mul3A_105 = vector.broadcast %slice3A_104 : vector<1x1536xf32> to vector<128x1536xf32>
    %mul3A_106 = arith.mulf %dot_general3A_103, %mul3A_105 : vector<128x1536xf32>
    %add3A_107 = arith.addf %add3A_96, %mul3A_106 : vector<128x1536xf32>
    %get3A_108 = arith.constant 6 : index
    %get3A_109 = arith.constant 0 : index
    %get3A_110 = arith.constant 0 : index
    %get3A_111 = vector.load %arg4[%get3A_108, %get3A_109, %get3A_110] : memref<16x128x128xf32, #tpu.memory_space<vmem>>, vector<1x128x128xf32>
    %get3A_112 = vector.shape_cast %get3A_111 : vector<1x128x128xf32> to vector<128x128xf32>
    %dot_general3A_113 = arith.constant dense<0.000000e+00> : vector<128x1536xf32>
    %dot_general3A_114 = tpu.matmul %get3A_112, %add3A_26, %dot_general3A_113 {dimension_numbers = #tpu.dot_dimension_numbers<[1], [0], [0], [1], [0, 0, 1, 1], [], []>, transpose_lhs_hint = false} : vector<128x128xf32>, vector<128x1536xf32>, vector<128x1536xf32> -> vector<128x1536xf32>
    %slice3A_115 = vector.extract_strided_slice %get3A_32 {offsets = [6, 0], sizes = [1, 1536], strides = [1, 1]} : vector<16x1536xf32> to vector<1x1536xf32>
    %mul3A_116 = vector.broadcast %slice3A_115 : vector<1x1536xf32> to vector<128x1536xf32>
    %mul3A_117 = arith.mulf %dot_general3A_114, %mul3A_116 : vector<128x1536xf32>
    %add3A_118 = arith.addf %add3A_107, %mul3A_117 : vector<128x1536xf32>
    %get3A_119 = arith.constant 7 : index
    %get3A_120 = arith.constant 0 : index
    %get3A_121 = arith.constant 0 : index
    %get3A_122 = vector.load %arg4[%get3A_119, %get3A_120, %get3A_121] : memref<16x128x128xf32, #tpu.memory_space<vmem>>, vector<1x128x128xf32>
    %get3A_123 = vector.shape_cast %get3A_122 : vector<1x128x128xf32> to vector<128x128xf32>
    %dot_general3A_124 = arith.constant dense<0.000000e+00> : vector<128x1536xf32>
    %dot_general3A_125 = tpu.matmul %get3A_123, %add3A_26, %dot_general3A_124 {dimension_numbers = #tpu.dot_dimension_numbers<[1], [0], [0], [1], [0, 0, 1, 1], [], []>, transpose_lhs_hint = false} : vector<128x128xf32>, vector<128x1536xf32>, vector<128x1536xf32> -> vector<128x1536xf32>
    %slice3A_126 = vector.extract_strided_slice %get3A_32 {offsets = [7, 0], sizes = [1, 1536], strides = [1, 1]} : vector<16x1536xf32> to vector<1x1536xf32>
    %mul3A_127 = vector.broadcast %slice3A_126 : vector<1x1536xf32> to vector<128x1536xf32>
    %mul3A_128 = arith.mulf %dot_general3A_125, %mul3A_127 : vector<128x1536xf32>
    %add3A_129 = arith.addf %add3A_118, %mul3A_128 : vector<128x1536xf32>
    %get3A_130 = arith.constant 8 : index
    %get3A_131 = arith.constant 0 : index
    %get3A_132 = arith.constant 0 : index
    %get3A_133 = vector.load %arg4[%get3A_130, %get3A_131, %get3A_132] : memref<16x128x128xf32, #tpu.memory_space<vmem>>, vector<1x128x128xf32>
    %get3A_134 = vector.shape_cast %get3A_133 : vector<1x128x128xf32> to vector<128x128xf32>
    %dot_general3A_135 = arith.constant dense<0.000000e+00> : vector<128x1536xf32>
    %dot_general3A_136 = tpu.matmul %get3A_134, %add3A_26, %dot_general3A_135 {dimension_numbers = #tpu.dot_dimension_numbers<[1], [0], [0], [1], [0, 0, 1, 1], [], []>, transpose_lhs_hint = false} : vector<128x128xf32>, vector<128x1536xf32>, vector<128x1536xf32> -> vector<128x1536xf32>
    %slice3A_137 = vector.extract_strided_slice %get3A_32 {offsets = [8, 0], sizes = [1, 1536], strides = [1, 1]} : vector<16x1536xf32> to vector<1x1536xf32>
    %mul3A_138 = vector.broadcast %slice3A_137 : vector<1x1536xf32> to vector<128x1536xf32>
    %mul3A_139 = arith.mulf %dot_general3A_136, %mul3A_138 : vector<128x1536xf32>
    %add3A_140 = arith.addf %add3A_129, %mul3A_139 : vector<128x1536xf32>
    %get3A_141 = arith.constant 9 : index
    %get3A_142 = arith.constant 0 : index
    %get3A_143 = arith.constant 0 : index
    %get3A_144 = vector.load %arg4[%get3A_141, %get3A_142, %get3A_143] : memref<16x128x128xf32, #tpu.memory_space<vmem>>, vector<1x128x128xf32>
    %get3A_145 = vector.shape_cast %get3A_144 : vector<1x128x128xf32> to vector<128x128xf32>
    %dot_general3A_146 = arith.constant dense<0.000000e+00> : vector<128x1536xf32>
    %dot_general3A_147 = tpu.matmul %get3A_145, %add3A_26, %dot_general3A_146 {dimension_numbers = #tpu.dot_dimension_numbers<[1], [0], [0], [1], [0, 0, 1, 1], [], []>, transpose_lhs_hint = false} : vector<128x128xf32>, vector<128x1536xf32>, vector<128x1536xf32> -> vector<128x1536xf32>
    %slice3A_148 = vector.extract_strided_slice %get3A_32 {offsets = [9, 0], sizes = [1, 1536], strides = [1, 1]} : vector<16x1536xf32> to vector<1x1536xf32>
    %mul3A_149 = vector.broadcast %slice3A_148 : vector<1x1536xf32> to vector<128x1536xf32>
    %mul3A_150 = arith.mulf %dot_general3A_147, %mul3A_149 : vector<128x1536xf32>
    %add3A_151 = arith.addf %add3A_140, %mul3A_150 : vector<128x1536xf32>
    %get3A_152 = arith.constant 10 : index
    %get3A_153 = arith.constant 0 : index
    %get3A_154 = arith.constant 0 : index
    %get3A_155 = vector.load %arg4[%get3A_152, %get3A_153, %get3A_154] : memref<16x128x128xf32, #tpu.memory_space<vmem>>, vector<1x128x128xf32>
    %get3A_156 = vector.shape_cast %get3A_155 : vector<1x128x128xf32> to vector<128x128xf32>
    %dot_general3A_157 = arith.constant dense<0.000000e+00> : vector<128x1536xf32>
    %dot_general3A_158 = tpu.matmul %get3A_156, %add3A_26, %dot_general3A_157 {dimension_numbers = #tpu.dot_dimension_numbers<[1], [0], [0], [1], [0, 0, 1, 1], [], []>, transpose_lhs_hint = false} : vector<128x128xf32>, vector<128x1536xf32>, vector<128x1536xf32> -> vector<128x1536xf32>
    %slice3A_159 = vector.extract_strided_slice %get3A_32 {offsets = [10, 0], sizes = [1, 1536], strides = [1, 1]} : vector<16x1536xf32> to vector<1x1536xf32>
    %mul3A_160 = vector.broadcast %slice3A_159 : vector<1x1536xf32> to vector<128x1536xf32>
    %mul3A_161 = arith.mulf %dot_general3A_158, %mul3A_160 : vector<128x1536xf32>
    %add3A_162 = arith.addf %add3A_151, %mul3A_161 : vector<128x1536xf32>
    %get3A_163 = arith.constant 11 : index
    %get3A_164 = arith.constant 0 : index
    %get3A_165 = arith.constant 0 : index
    %get3A_166 = vector.load %arg4[%get3A_163, %get3A_164, %get3A_165] : memref<16x128x128xf32, #tpu.memory_space<vmem>>, vector<1x128x128xf32>
    %get3A_167 = vector.shape_cast %get3A_166 : vector<1x128x128xf32> to vector<128x128xf32>
    %dot_general3A_168 = arith.constant dense<0.000000e+00> : vector<128x1536xf32>
    %dot_general3A_169 = tpu.matmul %get3A_167, %add3A_26, %dot_general3A_168 {dimension_numbers = #tpu.dot_dimension_numbers<[1], [0], [0], [1], [0, 0, 1, 1], [], []>, transpose_lhs_hint = false} : vector<128x128xf32>, vector<128x1536xf32>, vector<128x1536xf32> -> vector<128x1536xf32>
    %slice3A_170 = vector.extract_strided_slice %get3A_32 {offsets = [11, 0], sizes = [1, 1536], strides = [1, 1]} : vector<16x1536xf32> to vector<1x1536xf32>
    %mul3A_171 = vector.broadcast %slice3A_170 : vector<1x1536xf32> to vector<128x1536xf32>
    %mul3A_172 = arith.mulf %dot_general3A_169, %mul3A_171 : vector<128x1536xf32>
    %add3A_173 = arith.addf %add3A_162, %mul3A_172 : vector<128x1536xf32>
    %get3A_174 = arith.constant 12 : index
    %get3A_175 = arith.constant 0 : index
    %get3A_176 = arith.constant 0 : index
    %get3A_177 = vector.load %arg4[%get3A_174, %get3A_175, %get3A_176] : memref<16x128x128xf32, #tpu.memory_space<vmem>>, vector<1x128x128xf32>
    %get3A_178 = vector.shape_cast %get3A_177 : vector<1x128x128xf32> to vector<128x128xf32>
    %dot_general3A_179 = arith.constant dense<0.000000e+00> : vector<128x1536xf32>
    %dot_general3A_180 = tpu.matmul %get3A_178, %add3A_26, %dot_general3A_179 {dimension_numbers = #tpu.dot_dimension_numbers<[1], [0], [0], [1], [0, 0, 1, 1], [], []>, transpose_lhs_hint = false} : vector<128x128xf32>, vector<128x1536xf32>, vector<128x1536xf32> -> vector<128x1536xf32>
    %slice3A_181 = vector.extract_strided_slice %get3A_32 {offsets = [12, 0], sizes = [1, 1536], strides = [1, 1]} : vector<16x1536xf32> to vector<1x1536xf32>
    %mul3A_182 = vector.broadcast %slice3A_181 : vector<1x1536xf32> to vector<128x1536xf32>
    %mul3A_183 = arith.mulf %dot_general3A_180, %mul3A_182 : vector<128x1536xf32>
    %add3A_184 = arith.addf %add3A_173, %mul3A_183 : vector<128x1536xf32>
    %get3A_185 = arith.constant 13 : index
    %get3A_186 = arith.constant 0 : index
    %get3A_187 = arith.constant 0 : index
    %get3A_188 = vector.load %arg4[%get3A_185, %get3A_186, %get3A_187] : memref<16x128x128xf32, #tpu.memory_space<vmem>>, vector<1x128x128xf32>
    %get3A_189 = vector.shape_cast %get3A_188 : vector<1x128x128xf32> to vector<128x128xf32>
    %dot_general3A_190 = arith.constant dense<0.000000e+00> : vector<128x1536xf32>
    %dot_general3A_191 = tpu.matmul %get3A_189, %add3A_26, %dot_general3A_190 {dimension_numbers = #tpu.dot_dimension_numbers<[1], [0], [0], [1], [0, 0, 1, 1], [], []>, transpose_lhs_hint = false} : vector<128x128xf32>, vector<128x1536xf32>, vector<128x1536xf32> -> vector<128x1536xf32>
    %slice3A_192 = vector.extract_strided_slice %get3A_32 {offsets = [13, 0], sizes = [1, 1536], strides = [1, 1]} : vector<16x1536xf32> to vector<1x1536xf32>
    %mul3A_193 = vector.broadcast %slice3A_192 : vector<1x1536xf32> to vector<128x1536xf32>
    %mul3A_194 = arith.mulf %dot_general3A_191, %mul3A_193 : vector<128x1536xf32>
    %add3A_195 = arith.addf %add3A_184, %mul3A_194 : vector<128x1536xf32>
    %get3A_196 = arith.constant 14 : index
    %get3A_197 = arith.constant 0 : index
    %get3A_198 = arith.constant 0 : index
    %get3A_199 = vector.load %arg4[%get3A_196, %get3A_197, %get3A_198] : memref<16x128x128xf32, #tpu.memory_space<vmem>>, vector<1x128x128xf32>
    %get3A_200 = vector.shape_cast %get3A_199 : vector<1x128x128xf32> to vector<128x128xf32>
    %dot_general3A_201 = arith.constant dense<0.000000e+00> : vector<128x1536xf32>
    %dot_general3A_202 = tpu.matmul %get3A_200, %add3A_26, %dot_general3A_201 {dimension_numbers = #tpu.dot_dimension_numbers<[1], [0], [0], [1], [0, 0, 1, 1], [], []>, transpose_lhs_hint = false} : vector<128x128xf32>, vector<128x1536xf32>, vector<128x1536xf32> -> vector<128x1536xf32>
    %slice3A_203 = vector.extract_strided_slice %get3A_32 {offsets = [14, 0], sizes = [1, 1536], strides = [1, 1]} : vector<16x1536xf32> to vector<1x1536xf32>
    %mul3A_204 = vector.broadcast %slice3A_203 : vector<1x1536xf32> to vector<128x1536xf32>
    %mul3A_205 = arith.mulf %dot_general3A_202, %mul3A_204 : vector<128x1536xf32>
    %add3A_206 = arith.addf %add3A_195, %mul3A_205 : vector<128x1536xf32>
    %get3A_207 = arith.constant 15 : index
    %get3A_208 = arith.constant 0 : index
    %get3A_209 = arith.constant 0 : index
    %get3A_210 = vector.load %arg4[%get3A_207, %get3A_208, %get3A_209] : memref<16x128x128xf32, #tpu.memory_space<vmem>>, vector<1x128x128xf32>
    %get3A_211 = vector.shape_cast %get3A_210 : vector<1x128x128xf32> to vector<128x128xf32>
    %dot_general3A_212 = arith.constant dense<0.000000e+00> : vector<128x1536xf32>
    %dot_general3A_213 = tpu.matmul %get3A_211, %add3A_26, %dot_general3A_212 {dimension_numbers = #tpu.dot_dimension_numbers<[1], [0], [0], [1], [0, 0, 1, 1], [], []>, transpose_lhs_hint = false} : vector<128x128xf32>, vector<128x1536xf32>, vector<128x1536xf32> -> vector<128x1536xf32>
    %slice3A_214 = vector.extract_strided_slice %get3A_32 {offsets = [15, 0], sizes = [1, 1536], strides = [1, 1]} : vector<16x1536xf32> to vector<1x1536xf32>
    %mul3A_215 = vector.broadcast %slice3A_214 : vector<1x1536xf32> to vector<128x1536xf32>
    %mul3A_216 = arith.mulf %dot_general3A_213, %mul3A_215 : vector<128x1536xf32>
    %add3A_217 = arith.addf %add3A_206, %mul3A_216 : vector<128x1536xf32>
    %reshape3A_218 = vector.shape_cast %add3A_217 : vector<128x1536xf32> to vector<1x128x1536xf32>
    %swap3A = arith.constant 0 : index
    %swap3A_219 = arith.constant 0 : index
    %swap3A_220 = arith.constant 0 : index
    %swap3A_221 = vector.load %arg9[%swap3A, %swap3A_219, %swap3A_220] : memref<1x128x1536xf32, #tpu.memory_space<vmem>>, vector<1x128x1536xf32>
    tpu.vector_store %arg9[%swap3A, %swap3A_219, %swap3A_220], %reshape3A_218 {strides = array<i32>} : memref<1x128x1536xf32, #tpu.memory_space<vmem>>, vector<1x128x1536xf32>,
    %get3A_222 = arith.constant 0 : index
    %get3A_223 = arith.constant 0 : index
    %get3A_224 = vector.load %arg7[%get3A_222, %get3A_223] : memref<16x16xf32, #tpu.memory_space<vmem>>, vector<16x16xf32>
    %dot_general3A_225 = arith.constant dense<0.000000e+00> : vector<16x1536xf32>
    %dot_general3A_226 = tpu.matmul %get3A_224, %get3A_29, %dot_general3A_225 {dimension_numbers = #tpu.dot_dimension_numbers<[1], [0], [0], [1], [0, 0, 1, 1], [], []>, transpose_lhs_hint = false} : vector<16x16xf32>, vector<16x1536xf32>, vector<16x1536xf32> -> vector<16x1536xf32>
    %get3A_227 = arith.constant 0 : index
    %get3A_228 = arith.constant 0 : index
    %get3A_229 = vector.load %arg6[%get3A_227, %get3A_228] : memref<16x128xf32, #tpu.memory_space<vmem>>, vector<16x128xf32>
    %dot_general3A_230 = arith.constant dense<0.000000e+00> : vector<16x1536xf32>
    %dot_general3A_231 = tpu.matmul %get3A_229, %add3A_26, %dot_general3A_230 {dimension_numbers = #tpu.dot_dimension_numbers<[1], [0], [0], [1], [0, 0, 1, 1], [], []>, transpose_lhs_hint = false} : vector<16x128xf32>, vector<128x1536xf32>, vector<16x1536xf32> -> vector<16x1536xf32>
    %add3A_232 = arith.addf %dot_general3A_226, %dot_general3A_231 : vector<16x1536xf32>
    %swap3A_233 = arith.constant 0 : index
    %swap3A_234 = arith.constant 0 : index
    %swap3A_235 = vector.load %arg10[%swap3A_233, %swap3A_234] : memref<16x1536xf32, #tpu.memory_space<vmem>>, vector<16x1536xf32>
    tpu.vector_store %arg10[%swap3A_233, %swap3A_234], %add3A_232 {strides = array<i32>} : memref<16x1536xf32, #tpu.memory_space<vmem>>, vector<16x1536xf32>,
    %slice3A_236 = vector.extract_strided_slice %concatenate3A {offsets = [128, 0], sizes = [8, 1536], strides = [1, 1]} : vector<136x1536xf32> to vector<8x1536xf32>
    %swap3A_237 = arith.constant 0 : index
    %swap3A_238 = arith.constant 0 : index
    %swap3A_239 = vector.load %arg11[%swap3A_237, %swap3A_238] : memref<8x1536xf32, #tpu.memory_space<vmem>>, vector<8x1536xf32>
    tpu.vector_store %arg11[%swap3A_237, %swap3A_238], %slice3A_236 {strides = array<i32>} : memref<8x1536xf32, #tpu.memory_space<vmem>>, vector<8x1536xf32>,
    return
  }
  func.func @transform_0(%arg0: i32, %arg1: i32) -> (i32, i32, i32) {
    %c0_i32 = arith.constant 0 : i32
    %c0_i32_0 = arith.constant 0 : i32
    return %arg0, %arg1, %c0_i32 : i32, i32, i32
  }
  func.func @transform_1(%arg0: i32, %arg1: i32) -> (i32, i32) {
    %c0_i32 = arith.constant 0 : i32
    %c0_i32_0 = arith.constant 0 : i32
    %c0_i32_1 = arith.constant 0 : i32
    return %c0_i32, %c0_i32_0 : i32, i32
  }
  func.func @transform_2(%arg0: i32, %arg1: i32) -> (i32, i32, i32) {
    %c0_i32 = arith.constant 0 : i32
    %c0_i32_0 = arith.constant 0 : i32
    %c0_i32_1 = arith.constant 0 : i32
    %c0_i32_2 = arith.constant 0 : i32
    return %c0_i32, %c0_i32_0, %c0_i32_1 : i32, i32, i32
  }
  func.func @transform_3(%arg0: i32, %arg1: i32) -> (i32, i32) {
    %c0_i32 = arith.constant 0 : i32
    %c0_i32_0 = arith.constant 0 : i32
    %c0_i32_1 = arith.constant 0 : i32
    return %c0_i32, %c0_i32_0 : i32, i32
  }
  func.func @transform_4(%arg0: i32, %arg1: i32) -> (i32, i32) {
    %c0_i32 = arith.constant 0 : i32
    %c0_i32_0 = arith.constant 0 : i32
    %c0_i32_1 = arith.constant 0 : i32
    return %c0_i32, %c0_i32_0 : i32, i32
  }
  func.func @transform_5(%arg0: i32, %arg1: i32) -> (i32, i32) {
    %c0_i32 = arith.constant 0 : i32
    %c0_i32_0 = arith.constant 0 : i32
    %c0_i32_1 = arith.constant 0 : i32
    return %c0_i32, %c0_i32_0 : i32, i32
  }
  func.func @transform_6(%arg0: i32, %arg1: i32) -> (i32, i32) {
    %c0_i32 = arith.constant 0 : i32
    %c0_i32_0 = arith.constant 0 : i32
    %c0_i32_1 = arith.constant 0 : i32
    return %c0_i32, %c0_i32_0 : i32, i32
  }
  func.func @transform_7(%arg0: i32, %arg1: i32) -> (i32, i32, i32) {
    %c0_i32 = arith.constant 0 : i32
    %c0_i32_0 = arith.constant 0 : i32
    return %arg0, %arg1, %c0_i32 : i32, i32, i32
  }
}

module attributes {stable_mosaic.version = 14 : i64} {
  func.func @_k6b_proj(%arg0: i32, %arg1: i32, %arg2: memref<1x128x1536xf32, #tpu.memory_space<vmem>>, %arg3: memref<768x1536xf32, #tpu.memory_space<vmem>>, %arg4: memref<1x768xf32, #tpu.memory_space<vmem>>, %arg5: memref<1x128x768xf32, #tpu.memory_space<vmem>>, %arg6: memref<1x128x768xf32, #tpu.memory_space<vmem>>) attributes {dimension_semantics = [#tpu.dimension_semantics<arbitrary>, #tpu.dimension_semantics<arbitrary>], iteration_bounds = array<i64: 2, 10>, scalar_prefetch = 0 : i64, scratch_operands = 0 : i64, tpu.core_type = #tpu.core_type<tc>, window_params = [{transform_indices = @transform_0, window_bounds = array<i64: 1, 128, 1536>}, {pipeline_mode = #tpu.pipeline_mode<synchronous>, transform_indices = @transform_1, window_bounds = array<i64: 768, 1536>}, {pipeline_mode = #tpu.pipeline_mode<synchronous>, transform_indices = @transform_2, window_bounds = array<i64: 1, 768>}, {transform_indices = @transform_3, window_bounds = array<i64: 1, 128, 768>}, {transform_indices = @transform_4, window_bounds = array<i64: 1, 128, 768>}]} {
    %get3A = arith.constant 0 : index
    %get3A_0 = arith.constant 0 : index
    %get3A_1 = arith.constant 0 : index
    %get3A_2 = vector.load %arg2[%get3A, %get3A_0, %get3A_1] : memref<1x128x1536xf32, #tpu.memory_space<vmem>>, vector<1x128x1536xf32>
    %reshape3A = vector.shape_cast %get3A_2 : vector<1x128x1536xf32> to vector<128x1536xf32>
    %get3A_3 = arith.constant 0 : index
    %get3A_4 = arith.constant 0 : index
    %get3A_5 = vector.load %arg3[%get3A_3, %get3A_4] : memref<768x1536xf32, #tpu.memory_space<vmem>>, vector<768x1536xf32>
    %dot_general3A = arith.constant dense<0.000000e+00> : vector<128x768xf32>
    %dot_general3A_6 = tpu.matmul %reshape3A, %get3A_5, %dot_general3A {dimension_numbers = #tpu.dot_dimension_numbers<[1], [1], [0], [0], [0, 0, 1, 0], [], []>, transpose_lhs_hint = false} : vector<128x1536xf32>, vector<768x1536xf32>, vector<128x768xf32> -> vector<128x768xf32>
    %get3A_7 = arith.constant 0 : index
    %get3A_8 = arith.constant 0 : index
    %get3A_9 = vector.load %arg4[%get3A_7, %get3A_8] : memref<1x768xf32, #tpu.memory_space<vmem>>, vector<1x768xf32>
    %add3A = vector.broadcast %get3A_9 : vector<1x768xf32> to vector<128x768xf32>
    %add3A_10 = arith.addf %dot_general3A_6, %add3A : vector<128x768xf32>
    %get3A_11 = arith.constant 0 : index
    %get3A_12 = arith.constant 0 : index
    %get3A_13 = arith.constant 0 : index
    %get3A_14 = vector.load %arg5[%get3A_11, %get3A_12, %get3A_13] : memref<1x128x768xf32, #tpu.memory_space<vmem>>, vector<1x128x768xf32>
    %reshape3A_15 = vector.shape_cast %get3A_14 : vector<1x128x768xf32> to vector<128x768xf32>
    %add3A_16 = arith.addf %add3A_10, %reshape3A_15 : vector<128x768xf32>
    %reshape3A_17 = vector.shape_cast %add3A_16 : vector<128x768xf32> to vector<1x128x768xf32>
    %swap3A = arith.constant 0 : index
    %swap3A_18 = arith.constant 0 : index
    %swap3A_19 = arith.constant 0 : index
    %swap3A_20 = vector.load %arg6[%swap3A, %swap3A_18, %swap3A_19] : memref<1x128x768xf32, #tpu.memory_space<vmem>>, vector<1x128x768xf32>
    tpu.vector_store %arg6[%swap3A, %swap3A_18, %swap3A_19], %reshape3A_17 {strides = array<i32>} : memref<1x128x768xf32, #tpu.memory_space<vmem>>, vector<1x128x768xf32>,
    return
  }
  func.func @transform_0(%arg0: i32, %arg1: i32) -> (i32, i32, i32) {
    %c0_i32 = arith.constant 0 : i32
    %c0_i32_0 = arith.constant 0 : i32
    return %arg0, %arg1, %c0_i32 : i32, i32, i32
  }
  func.func @transform_1(%arg0: i32, %arg1: i32) -> (i32, i32) {
    %c0_i32 = arith.constant 0 : i32
    %c0_i32_0 = arith.constant 0 : i32
    %c0_i32_1 = arith.constant 0 : i32
    return %c0_i32, %c0_i32_0 : i32, i32
  }
  func.func @transform_2(%arg0: i32, %arg1: i32) -> (i32, i32) {
    %c0_i32 = arith.constant 0 : i32
    %c0_i32_0 = arith.constant 0 : i32
    %c0_i32_1 = arith.constant 0 : i32
    return %c0_i32, %c0_i32_0 : i32, i32
  }
  func.func @transform_3(%arg0: i32, %arg1: i32) -> (i32, i32, i32) {
    %c0_i32 = arith.constant 0 : i32
    %c0_i32_0 = arith.constant 0 : i32
    return %arg0, %arg1, %c0_i32 : i32, i32, i32
  }
  func.func @transform_4(%arg0: i32, %arg1: i32) -> (i32, i32, i32) {
    %c0_i32 = arith.constant 0 : i32
    %c0_i32_0 = arith.constant 0 : i32
    return %arg0, %arg1, %c0_i32 : i32, i32, i32
  }
}

</mosaic_0001>

<sc_bundles>
// kernel: kernel.11.cloned.1.call-start
scs
__scs_entry_jumppad:
0x0: {  	(pc) =	sbr.rel $0x88, $3  }
0x1: {  	(tag) =	ssettag $0x0;
	lr =	simm.s32 $0x1  }
0x2: {  	[smem:$0x3F95] =	sst lr;
	_ =	strace $0xD0000000  }
0x3: {  	_ = 	snop  }
0x4: {  	_ = 	snop  }
0x5: {  	_ = 	snop  }
0x6: {  	_ = 	snop  }
0x7: {  	_ = 	snop  }
__scs_overlays_trampoline_lowered:
0x8: {  	[smem:$0x3FA4] =	sst s0  }
0x9: {  	[smem:$0x3FA5] =	sst s1  }
0xa: {  	[smem:$0x3FA6] =	sst s2  }
0xb: {  	[smem:$0x3FA7] =	sst s3  }
0xc: {  	[smem:$0x3FA8] =	sst s4  }
0xd: {  	[smem:$0x3FA9] =	sst s5  }
0xe: {  	[smem:$0x3FAA] =	sst s6  }
0xf: {  	[smem:$0x3FAB] =	sst s7  }
0x10: {  	[smem:$0x3FAC] =	sst s8  }
0x11: {  	[smem:$0x3FAD] =	sst s9;
	s0 =	simm.s32 @!p0 $0x0  }
0x12: {  	s1 =	sld [smem:$0x3F93];
	s0 =	simm.s32 @p0 $0x1  }
0x13: {  	[smem:$0x3FAE] =	sst s0;
	s0 =	simm.s32 @!p1 $0x0  }
0x14: {  	s2 =	sld [smem:$0x3F92];
	s0 =	simm.s32 @p1 $0x1  }
0x15: {  	[smem:$0x3FAF] =	sst s0;
	s0 =	simm.s32 @!p2 $0x0  }
0x16: {  	s3 =	sld [smem:$0x3FDB];
	s0 =	simm.s32 @p2 $0x1  }
0x17: {  	s4 =	simm.s32 $0x1BF5;
	[smem:$0x3FB1] =	sst s0  }
0x18: {  	s0 =	sld [smem:$0x3F94];
	_ =	swait.ge [sflag:s4], $0x0  }
0x19: {  	s7 =	sld [smem:$0x3F95]  }
0x1a: {  	s8 =	sadd.s32 $0xFFFFE003, lr  }
0x1b: {  	s9 =	sadd.s32 $0xFFFFFEF7, lr;
	s5 =	simm.s32 $0xFFFFFFFF;
	p2 =	slt.u32 s8, $0xFFFFF086  }
0x1c: {  	p1 =	slt.u32 s9, $0xF7A;
	s5 =	simm.s32 @!p2 $0x0  }
0x1d: {  	s5 =	simm.s32 @p1 $0x1;
	p0 =	seq.s32 s7, s2  }
0x1e: {  	s7 =	smul.u32 @!p0 $0xF7A, s2;
	p2 =	seq.s32 @!p0 s5, $0x0  }
0x1f: {  	s9 =	smul.u32 $0xF7A, s1;
	s8 =	simm.s32 @!p0 $0x1BF5;
	p2 =	por !p2, p0  }
0x20: {  	[sflag:s8] =	ssyncset.s32 @!p0 $0xFFFFF086;
	s6 =	sadd.s32 @!p0 s3, s7;
	s7 =	simm.s32 @!p0 $0x108  }
0x21: {  	s3 =	sadd.s32 s3, s9;
	s6 =	sadd.s32 @!p0 $0x88, s6;
	s7 =	simm.s32 @p2 $0x1082  }
0x22: {  	[simem:s7], [sflag:s8] =	dma.local @!p0 [hbm:s6], $0xF7A  }
0x23: {  	s9 =	sor.u32 $0xD0000000, s2;
	s6 =	simm.s32 $0x108;
	_ =	swait.ge @!p0 [sflag:s8], $0x0  }
0x24: {  	s3 =	sadd.s32 $0x88, s3;
	s6 =	simm.s32 @!p1 $0x1082;
	[sflag:s4] =	ssyncset.s32 $0xFFFFF086  }
0x25: {  	[simem:s6], [sflag:s4] =	dma.local [hbm:s3], $0xF7A  }
0x26: {  	[smem:$0x3F95] =	sst s1;
	(tag) =	ssettag s2;
	_ =	strace s9  }
0x27: {  	s1 =	sld [smem:$0x3FA5]  }
0x28: {  	s2 =	sld [smem:$0x3FA6]  }
0x29: {  	s4 =	sld [smem:$0x3FA8]  }
0x2a: {  	p0 =	seq.s32 s5, $0x0;
	s5 =	sld [smem:$0x3FA9]  }
0x2b: {  	s6 =	sld [smem:$0x3FAA]  }
0x2c: {  	s7 =	sld [smem:$0x3FAB]  }
0x2d: {  	s3 =	simm.s32 $0x108;
	s8 =	sld [smem:$0x3FAC]  }
0x2e: {  	s3 =	simm.s32 @!p0 $0x1082;
	s9 =	sld [smem:$0x3FAD]  }
0x2f: {  	lr =	sadd.s32 s0, s3;
	s0 =	sld [smem:$0x3FA4]  }
0x30: {  	s3 =	sld [smem:$0x3FA7]  }
0x31: {  	[smem:$0x3FB0] =	sst s10  }
0x32: {  	s10 =	sld [smem:$0x3FAE];
	_ =	sdelay $0x3  }
0x33: {  	p0 =	seq.s32 s10, $0x1;
	s10 =	sld [smem:$0x3FB0];
	_ =	sdelay $0x3  }
0x34: {  	[smem:$0x3FB0] =	sst s10  }
0x35: {  	s10 =	sld [smem:$0x3FAF];
	_ =	sdelay $0x3  }
0x36: {  	p1 =	seq.s32 s10, $0x1;
	s10 =	sld [smem:$0x3FB0];
	_ =	sdelay $0x3  }
0x37: {  	[smem:$0x3FB0] =	sst s10  }
0x38: {  	s10 =	sld [smem:$0x3FB1]  }
0x39: {  	_ = 	snop;
	(pc) =	sbr.ind lr, $3  }
0x3a: {  	_ = 	snop  }
0x3b: {  	_ = 	snop  }
0x3c: {  	p2 =	seq.s32 s10, $0x1;
	s10 =	sld [smem:$0x3FB0]  }
0x3d: {  	_ =	shalt  }
0x3e: {  	_ =	shalt  }
0x3f: {  	_ =	shalt  }
0x40: {  	_ =	shalt  }
0x41: {  	_ =	shalt  }
0x42: {  	_ =	shalt  }
0x43: {  	_ =	shalt  }
0x44: {  	_ =	shalt  }
0x45: {  	_ =	shalt  }
0x46: {  	_ =	shalt  }
0x47: {  	_ =	shalt  }
0x48: {  	_ =	shalt  }
0x49: {  	_ =	shalt  }
0x4a: {  	_ =	shalt  }
0x4b: {  	_ =	shalt  }
0x4c: {  	_ =	shalt  }
0x4d: {  	_ =	shalt  }
0x4e: {  	_ =	shalt  }
0x4f: {  	_ =	shalt  }
0x50: {  	_ =	shalt  }
0x51: {  	_ =	shalt  }
0x52: {  	_ =	shalt  }
0x53: {  	_ =	shalt  }
0x54: {  	_ =	shalt  }
0x55: {  	_ =	shalt  }
0x56: {  	_ =	shalt  }
0x57: {  	_ =	shalt  }
0x58: {  	_ =	shalt  }
0x59: {  	_ =	shalt  }
0x5a: {  	_ =	shalt  }
0x5b: {  	_ =	shalt  }
0x5c: {  	_ =	shalt  }
0x5d: {  	_ =	shalt  }
0x5e: {  	_ =	shalt  }
0x5f: {  	_ =	shalt  }
0x60: {  	_ =	shalt  }
0x61: {  	_ =	shalt  }
0x62: {  	_ =	shalt  }
0x63: {  	_ =	shalt  }
0x64: {  	_ =	shalt  }
0x65: {  	_ =	shalt  }
0x66: {  	_ =	shalt  }
0x67: {  	_ =	shalt  }
0x68: {  	_ =	shalt  }
0x69: {  	_ =	shalt  }
0x6a: {  	_ =	shalt  }
0x6b: {  	_ =	shalt  }
0x6c: {  	_ =	shalt  }
0x6d: {  	_ =	shalt  }
0x6e: {  	_ =	shalt  }
0x6f: {  	_ =	shalt  }
0x70: {  	_ =	shalt  }
0x71: {  	_ =	shalt  }
0x72: {  	_ =	shalt  }
0x73: {  	_ =	shalt  }
0x74: {  	_ =	shalt  }
0x75: {  	_ =	shalt  }
0x76: {  	_ =	shalt  }
0x77: {  	_ =	shalt  }
0x78: {  	_ =	shalt  }
0x79: {  	_ =	shalt  }
0x7a: {  	_ =	shalt  }
0x7b: {  	_ =	shalt  }
0x7c: {  	_ =	shalt  }
0x7d: {  	_ =	shalt  }
0x7e: {  	_ =	shalt  }
0x7f: {  	_ =	shalt  }
0x80: {  	_ =	shalt  }
0x81: {  	_ =	shalt  }
0x82: {  	_ =	shalt  }
0x83: {  	_ =	shalt  }
0x84: {  	_ =	shalt  }
0x85: {  	_ =	shalt  }
0x86: {  	_ =	shalt  }
0x87: {  	_ =	shalt  }
.Lfunc_end0:
.L_simem_size_0:
called_computation_lowered:
.L_overlay_start_0:
0x88: {  	s2 =	sld [smem:$0x3FD9]  }
0x89: {  	s3 =	sld [smem:$0x3FFE];
	_ =	sdelay $0x1  }
0x8a: {  	s1 =	srdreg.scid  }
0x8b: {  	s0 =	sand.u32 $0x1, s1  }
0x8c: {  	s17 =	sshll.u32 s0, $0xA;
	s2 =	sadd.s32 s3, s2  }
0x8d: {  	s2 =	sadd.s32 s2, s17  }
0x8e: {  	[smem:$0x3FBC] =	sst s2  }
0x8f: {  	_ = 	snop  }
0x90: {  	s2 =	sld [smem:$0x3FD0];
	(tm) =	ssettm $0x1  }
0x91: {  	s18 =	sld [smem:$0x3FFB];
	_ =	sdelay $0x3  }
0x92: {  	_ =	strace s18  }
0x93: {  	s3 =	sld [smem:$0x3FFC];
	_ =	sdelay $0x3  }
0x94: {  	_ =	strace s3  }
0x95: {  	s3 =	sld [smem:$0x3FFD];
	_ =	sdelay $0x3  }
0x96: {  	_ =	strace s3  }
0x97: {  	_ =	strace $0x8FFFFFFF  }
0x98: {  	s19 =	sld [smem:$0x3FDB];
	_ =	sdelay $0x1  }
0x99: {  	s4 =	simm.s32 $_scs_section_size  }
0x9a: {  	s5 =	simm.s32 $_size__tile_overlayer_lowered;
	s6 =	simm.s32 $_tile_overlayer_lowered  }
0x9b: {  	s22 =	simm.s32 $0x1BFF;
	s21 =	sshll.u32 s6, $0x1;
	s3 =	sadd.s32 s4, s19  }
0x9c: {  	s7 =	simm.s32 $0x0;
	s20 =	sshll.u32 s5, $0x1;
	s5 =	sadd.s32 s21, s3  }
0x9d: {  	[timem:s7], [sflag:s22] =	dma.local [hbm:s5], s20  }
0x9e: {  	_ =	swait.ge [sflag:s22], s20  }
0x9f: {  	s4 =	ssub.s32 $0x0, s20;
	[sflag:s22] =	ssyncset.done $0x0  }
0xa0: {  	[sflag:s22] =	ssyncadd.s32 s4;
	_ =	sdelay $0x1  }
0xa1: {  	s23 =	simm.s32 $0x1B8B  }
0xa2: {  	_ =	swait.ge [sflag:s23], $0x1  }
0xa3: {  	[sflag:s23] =	ssyncset.done $0x0  }
0xa4: {  	s25 =	simm.s32 $0x1B8E;
	s24 =	sld [smem:$0x3FFE];
	[sflag:s23] =	ssyncadd.s32 $0xFFFFFFFF  }
0xa5: {  	s26 =	simm.s32 $execute0_lowered;
	[smem:$0x3FD2] =	sst s25  }
0xa6: {  	s5 =	sshll.u32 s26, $0x1;
	_ =	strace $0x80000046;
	[dreg:$0x1] =	wrdreg $0xFFFFFFFF  }
0xa7: {  	s28 =	simm.s32 $_size_execute0_lowered;
	s3 =	sadd.s32 s3, s5;
	[dreg:$0x0] =	wrdreg $0x0  }
0xa8: {  	s5 =	sshll.u32 s28, $0x1;
	[dreg:$0x2] =	wrdreg s3  }
0xa9: {  	[dreg:$0x3] =	wrdreg s5  }
0xaa: {  	[dreg:$0x4] =	wrdreg $0xC0  }
0xab: {  	_ =	task [dreg:s7], $0x5FFFF  }
0xac: {  	[dreg:$0x1] =	wrdreg $0xFFFFFFFF  }
0xad: {  	[dreg:$0x0] =	wrdreg $0x60  }
0xae: {  	[dreg:$0x2] =	wrdreg s2  }
0xaf: {  	[dreg:$0x3] =	wrdreg s24  }
0xb0: {  	[dreg:$0x4] =	wrdreg $0x9  }
0xb1: {  	_ =	task.clear_ibuf [dreg:s7], $0x5FFFF;
	_ =	strace $0x90000046  }
0xb2: {  	s29 =	simm.s32 $0x9;
	_ =	strace $0x80000048  }
0xb3: {  	_ =	swait.ge [sflag:s29], $0x1  }
0xb4: {  	[sflag:s29] =	ssyncadd.s32 $0xFFFFFFFF  }
0xb5: {  	_ =	strace $0x90000048  }
0xb6: {  	_ =	sfence  }
0xb7: {  	s30 =	sld [smem:$0x0];
	_ =	sdelay $0x2  }
0xb8: {  	s31 =	sshll.u32 s1, $0xD;
	s1 =	sshrl.u32 s1, $0x2  }
0xb9: {  	s3 =	sand.u32 $0x4000, s31;
	s1 =	sadd.s32 s1, s30  }
0xba: {  	s0 =	sor.u32 s3, s0;
	s1 =	sshll.u32 s1, $0x11  }
0xbb: {  	s0 =	sor.u32 s1, s0  }
0xbc: {  	s0 =	sadd.s32 $0x8F2B, s0  }
0xbd: {  	[sflag:s0] =	ssyncadd.remote.s32 $0x1  }
0xbe: {  	_ =	sfence.sel $0xFFFF  }
0xbf: {  	[dreg:$0x0] =	wrdreg $0xFFFFFFFF;
	(pc) =	sbr.abs _section_cstart, $3  }
0xc0: {  	[dreg:$0x1] =	wrdreg $0xFFFFFFFF  }
0xc1: {  	_ =	task.clear_ibuf [dreg:s7], $0x2FFFF;
	_ =	strace $0x9FFFFFFF  }
0xc2: {  	(tm) =	ssettm $0x7FFFFFFF  }
0xc3: {  	_ =	shalt  }
tec
execute0_lowered:
.L_overlay_start_1:
0x0: {  	(tag) =	ssettag $0x1  }
0x1: {  	s14 =	rddreg [dreg:$0x0]  }
0x2: {  	s2 =	rddreg [dreg:$0x1];
	s3 =	simm.s32 $0x0;
	s1 =	srdreg.scid  }
0x3: {  	[smem:$0x7FF] =	sst s3;
	s15 =	sand.u32 $0x1, s1  }
0x4: {  	v0 =	vimm.s32 $0x2000;
	s1 =	stileid.u32;
	s8 =	smul.u32 $0x500, s15  }
0x5: {  	s0 =	rddreg [dreg:$0x2];
	_ =	strace $0x80000047;
	s4 =	smul.u32 $0x50, s1;
	[tilespmem:$0x0] =	vst v0  }
0x6: {  	[tilespmem:$0x10] =	vst v0  }
0x7: {  	[tilespmem:$0x40] =	vst v0;
	s4 =	sadd.s32 s4, s8  }
0x8: {  	s2 =	sadd.s32 $0x183A00, s2;
	[tilespmem:$0x20] =	vst v0;
	s4 =	sshrl.u32 s4, $0x3  }
0x9: {  	s5 =	simm.s32 $0x2;
	[tilespmem:$0x30] =	vst v0;
	s4 =	sadd.s32 s2, s4  }
0xa: {  	[hbm4b:s4+s3] =	stream.linear.scatter [tilespmem:s3], [sflag:$0x2], $0x50, $0x38;
	[tilespmem:$0x200] =	vst v63  }
0xb: {  	s6 =	sshll.u32 s15, $0xC;
	s7 =	sshll.u32 s1, $0x8;
	_ =	swait.ge [sflag:s5], $0x50  }
0xc: {  	s16 =	sor.u32 s7, s6;
	[sflag:s5] =	ssyncset.done $0x0  }
0xd: {  	s6 =	sshrl.u32 s16, $0x3;
	[sflag:s5] =	ssyncadd.s32 $0xFFFFFFB0  }
0xe: {  	s7 =	simm.s32 $0x80;
	s6 =	sadd.s32 s14, s6;
	[bflag:$0x0] =	sbarrier.arrive $0xFFFF  }
0xf: {  	[tilespmem:s7], [sflag:$0x2] =	stream.linear.gather [hbm4b:s6+s3], $0x40, $0x38;
	[tilespmem:$0x200] =	vst v63  }
0x10: {  	_ =	swait.ge [sflag:s5], $0x40  }
0x11: {  	[sflag:s5] =	ssyncset.done $0x0  }
0x12: {  	[sflag:s5] =	ssyncadd.s32 $0xFFFFFFC0  }
0x13: {  	v6 =	vld [tilespmem:$0xB0]  }
0x14: {  	v14 =	vlaneseq.u32;
	s9 =	sor.u32 $0x30, s16;
	v7 =	vld [tilespmem:$0x90]  }
0x15: {  	v2 =	vor.u32 s9, v14;
	v8 =	vld [tilespmem:$0xA0]  }
0x16: {  	v3 =	vor.u32 s16, v14;
	s19 =	sor.u32 $0x10, s16;
	[tilespmem:$0x1B0] =	vst v2;
	v9 =	vld [tilespmem:$0x80]  }
0x17: {  	v1 =	vmov s8;
	s20 =	sor.u32 $0x20, s16;
	v4 =	vor.u32 s19, v14;
	[tilespmem:$0x180] =	vst v3  }
0x18: {  	v5 =	vor.u32 s20, v14;
	[tilespmem:$0x190] =	vst v4;
	vm0 =	vlt.s32 v6, $0x4CC;
	v6 =	vadd.s32 v1, v6  }
0x19: {  	[tilespmem:$0x1A0] =	vst v5;
	vm1 =	vlt.s32 v7, $0x4CC;
	v7 =	vadd.s32 v1, v7;
	v6 =	vnsel vm0, $0xA00, v6  }
0x1a: {  	vm6 =	vlt.s32 v8, $0x4CC;
	v8 =	vadd.s32 v1, v8;
	v7 =	vnsel vm1, $0xA00, v7;
	[tilespmem:$0x130] =	vst v6  }
0x1b: {  	vm7 =	vlt.s32 v9, $0x4CC;
	v6 =	vadd.s32 v1, v9;
	[tilespmem:$0x110] =	vst v7;
	v7 =	vnsel vm6, $0xA00, v8  }
0x1c: {  	s10 =	simm.s32 $0x100;
	v6 =	vnsel vm7, $0xA00, v6;
	[tilespmem:$0x120] =	vst v7  }
0x1d: {  	s11 =	simm.s32 $0x180;
	s8 =	simm.s32 $0x40;
	s9 =	simm.s32 $0x1;
	[tilespmem:$0x100] =	vst v6  }
0x1e: {  	[hbm4b:s2+s8] =	stream.indirect.scatter [tilespmem:s11], [sflag:$0x1], $0x1, s10, s8, $0xb8;
	[tilespmem:$0x200] =	vst v63  }
0x1f: {  	s13 =	sor.u32 $0x40, s16;
	_ =	swait.ge [sflag:s9], $0x40  }
0x20: {  	s12 =	sshrl.u32 s13, $0x3;
	[sflag:s9] =	ssyncset.done $0x0  }
0x21: {  	s12 =	sadd.s32 s14, s12;
	[sflag:s9] =	ssyncadd.s32 $0xFFFFFFC0  }
0x22: {  	[tilespmem:s7], [sflag:$0x2] =	stream.linear.gather [hbm4b:s12+s3], $0x40, $0x38;
	[tilespmem:$0x200] =	vst v63  }
0x23: {  	_ =	swait.ge [sflag:s5], $0x40  }
0x24: {  	[sflag:s5] =	ssyncset.done $0x0  }
0x25: {  	[sflag:s5] =	ssyncadd.s32 $0xFFFFFFC0  }
0x26: {  	v10 =	vld [tilespmem:$0x80]  }
0x27: {  	v11 =	vld [tilespmem:$0x90]  }
0x28: {  	s21 =	sor.u32 $0x50, s16;
	v6 =	vor.u32 s13, v14;
	v12 =	vld [tilespmem:$0xA0]  }
0x29: {  	s22 =	sor.u32 $0x60, s16;
	v7 =	vor.u32 s21, v14;
	[tilespmem:$0x180] =	vst v6;
	v13 =	vld [tilespmem:$0xB0]  }
0x2a: {  	s23 =	sor.u32 $0x70, s16;
	v8 =	vor.u32 s22, v14;
	[tilespmem:$0x190] =	vst v7  }
0x2b: {  	v9 =	vor.u32 s23, v14;
	[tilespmem:$0x1A0] =	vst v8;
	vm8 =	vlt.s32 v10, $0x4CC;
	v10 =	vadd.s32 v1, v10  }
0x2c: {  	[tilespmem:$0x1B0] =	vst v9;
	vm9 =	vlt.s32 v11, $0x4CC;
	v11 =	vadd.s32 v1, v11;
	v10 =	vnsel vm8, $0xA00, v10  }
0x2d: {  	vm10 =	vlt.s32 v12, $0x4CC;
	[tilespmem:$0x100] =	vst v10;
	v10 =	vnsel vm9, $0xA00, v11;
	v11 =	vadd.s32 v1, v12  }
0x2e: {  	vm11 =	vlt.s32 v13, $0x4CC;
	[tilespmem:$0x110] =	vst v10;
	v10 =	vnsel vm10, $0xA00, v11;
	v11 =	vadd.s32 v1, v13  }
0x2f: {  	[tilespmem:$0x120] =	vst v10;
	v10 =	vnsel vm11, $0xA00, v11  }
0x30: {  	[tilespmem:$0x130] =	vst v10  }
0x31: {  	[hbm4b:s2+s8] =	stream.indirect.scatter [tilespmem:s11], [sflag:$0x1], $0x1, s10, s8, $0xb8;
	[tilespmem:$0x200] =	vst v63  }
0x32: {  	s17 =	sor.u32 $0x80, s16;
	_ =	swait.ge [sflag:s9], $0x40  }
0x33: {  	s24 =	sshrl.u32 s17, $0x3;
	[sflag:s9] =	ssyncset.done $0x0  }
0x34: {  	s13 =	sadd.s32 s14, s24;
	[sflag:s9] =	ssyncadd.s32 $0xFFFFFFC0  }
0x35: {  	[tilespmem:s7], [sflag:$0x2] =	stream.linear.gather [hbm4b:s13+s3], $0x40, $0x38;
	[tilespmem:$0x200] =	vst v63  }
0x36: {  	_ =	swait.ge [sflag:s5], $0x40  }
0x37: {  	[sflag:s5] =	ssyncset.done $0x0  }
0x38: {  	[sflag:s5] =	ssyncadd.s32 $0xFFFFFFC0  }
0x39: {  	v15 =	vld [tilespmem:$0x80]  }
0x3a: {  	v16 =	vld [tilespmem:$0x90]  }
0x3b: {  	s25 =	sor.u32 $0x90, s16;
	v10 =	vor.u32 s17, v14;
	v17 =	vld [tilespmem:$0xB0]  }
0x3c: {  	s26 =	sor.u32 $0xA0, s16;
	v11 =	vor.u32 s25, v14;
	[tilespmem:$0x180] =	vst v10;
	v18 =	vld [tilespmem:$0xA0]  }
0x3d: {  	s28 =	sor.u32 $0xB0, s16;
	v12 =	vor.u32 s26, v14;
	[tilespmem:$0x190] =	vst v11  }
0x3e: {  	v13 =	vor.u32 s28, v14;
	[tilespmem:$0x1A0] =	vst v12;
	vm12 =	vlt.s32 v15, $0x4CC;
	v15 =	vadd.s32 v1, v15  }
0x3f: {  	[tilespmem:$0x1B0] =	vst v13;
	vm13 =	vlt.s32 v16, $0x4CC;
	v16 =	vadd.s32 v1, v16;
	v15 =	vnsel vm12, $0xA00, v15  }
0x40: {  	vm14 =	vlt.s32 v17, $0x4CC;
	[tilespmem:$0x100] =	vst v15;
	v15 =	vnsel vm13, $0xA00, v16;
	v16 =	vadd.s32 v1, v17  }
0x41: {  	vm15 =	vlt.s32 v18, $0x4CC;
	[tilespmem:$0x110] =	vst v15;
	v15 =	vadd.s32 v1, v18;
	v16 =	vnsel vm14, $0xA00, v16  }
0x42: {  	s15 =	ssub.s32 $0x2, s15;
	v15 =	vnsel vm15, $0xA00, v15;
	[tilespmem:$0x130] =	vst v16  }
0x43: {  	s19 =	sshrl.u32 s15, $0x1;
	[tilespmem:$0x120] =	vst v15  }
0x44: {  	[hbm4b:s2+s8] =	stream.indirect.scatter [tilespmem:s11], [sflag:$0x1], $0x1, s10, s8, $0xb8;
	[tilespmem:$0x200] =	vst v63  }
0x45: {  	s29 =	sor.u32 $0xC0, s16;
	s15 =	ssub.s32 s15, s19;
	_ =	swait.ge [sflag:s9], $0x40  }
0x46: {  	s18 =	sshrl.u32 s29, $0x3;
	s15 =	smax.u32 s15, $0x1;
	[sflag:s9] =	ssyncset.done $0x0  }
0x47: {  	p0 =	sne.s32 s15, $0x1;
	s14 =	sadd.s32 s14, s18;
	[sflag:s9] =	ssyncadd.s32 $0xFFFFFFC0  }
0x48: {  	[tilespmem:s7], [sflag:$0x2] =	stream.linear.gather [hbm4b:s14+s3], $0x40, $0x38;
	[tilespmem:$0x200] =	vst v63  }
.Ltmp0:
0x49: {  	_ = 	snop;
	(pc) =	sbr.rel @!p0 .LBB2_2-.Ltmp0, $4  }
0x4a: {  	_ =	swait.ge [sflag:s5], $0x40  }
0x4b: {  	s30 =	sor.u32 $0xD0, s16;
	[sflag:s5] =	ssyncset.done $0x0  }
0x4c: {  	s31 =	sor.u32 $0xE0, s16;
	s16 =	sor.u32 $0xF0, s16;
	v17 =	vor.u32 s29, v14;
	[sflag:s5] =	ssyncadd.s32 $0xFFFFFFC0  }
0x4d: {  	s15 =	sadd.s32 $0xFFFFFFFF, s15;
	v16 =	vor.u32 s31, v14;
	v15 =	vor.u32 s30, v14;
	v14 =	vor.u32 s16, v14;
	v18 =	vld [tilespmem:$0x80];
	[tilespmem:$0x180] =	vst v17  }
.LBB2_1:
0x4e: {  	p0 =	sne.s32 s15, $0x1;
	s15 =	sadd.s32 $0xFFFFFFFF, s15;
	v19 =	vld [tilespmem:$0x90];
	[tilespmem:$0x190] =	vst v15  }
0x4f: {  	v20 =	vld [tilespmem:$0xA0];
	[tilespmem:$0x1A0] =	vst v16  }
0x50: {  	v21 =	vld [tilespmem:$0xB0];
	[tilespmem:$0x1B0] =	vst v14;
	_ =	sdelay $0x1  }
0x51: {  	vm0 =	vlt.s32 v18, $0x4CC;
	v18 =	vadd.s32 v1, v18  }
0x52: {  	v18 =	vnsel vm0, $0xA00, v18;
	vm0 =	vlt.s32 v19, $0x4CC;
	v19 =	vadd.s32 v1, v19  }
0x53: {  	[tilespmem:$0x100] =	vst v18;
	v18 =	vnsel vm0, $0xA00, v19;
	vm0 =	vlt.s32 v20, $0x4CC;
	v19 =	vadd.s32 v1, v20  }
0x54: {  	[tilespmem:$0x110] =	vst v18;
	v18 =	vnsel vm0, $0xA00, v19;
	vm0 =	vlt.s32 v21, $0x4CC;
	v19 =	vadd.s32 v1, v21  }
0x55: {  	[tilespmem:$0x120] =	vst v18;
	v18 =	vnsel vm0, $0xA00, v19  }
0x56: {  	[tilespmem:$0x130] =	vst v18  }
0x57: {  	[hbm4b:s2+s8] =	stream.indirect.scatter [tilespmem:s11], [sflag:$0x1], $0x1, s10, s8, $0xb8;
	[tilespmem:$0x200] =	vst v63  }
0x58: {  	_ =	swait.ge [sflag:s9], $0x40  }
0x59: {  	[sflag:s9] =	ssyncset.done $0x0  }
0x5a: {  	[sflag:s9] =	ssyncadd.s32 $0xFFFFFFC0  }
0x5b: {  	[tilespmem:$0x0] =	vst v0  }
0x5c: {  	[tilespmem:$0x10] =	vst v0  }
0x5d: {  	[tilespmem:$0x40] =	vst v0  }
0x5e: {  	[tilespmem:$0x20] =	vst v0  }
0x5f: {  	[tilespmem:$0x30] =	vst v0  }
0x60: {  	[hbm4b:s4+s3] =	stream.linear.scatter [tilespmem:s3], [sflag:$0x2], $0x50, $0x38;
	[tilespmem:$0x200] =	vst v63  }
0x61: {  	_ =	swait.ge [sflag:s5], $0x50  }
0x62: {  	[sflag:s5] =	ssyncset.done $0x0  }
0x63: {  	[sflag:s5] =	ssyncadd.s32 $0xFFFFFFB0  }
0x64: {  	[bflag:$0x0] =	sbarrier.arrive $0xFFFF  }
0x65: {  	[tilespmem:s7], [sflag:$0x2] =	stream.linear.gather [hbm4b:s6+s3], $0x40, $0x38;
	[tilespmem:$0x200] =	vst v63  }
0x66: {  	_ =	swait.ge [sflag:s5], $0x40  }
0x67: {  	[sflag:s5] =	ssyncset.done $0x0  }
0x68: {  	[sflag:s5] =	ssyncadd.s32 $0xFFFFFFC0  }
0x69: {  	v18 =	vld [tilespmem:$0xB0];
	[tilespmem:$0x1B0] =	vst v2  }
0x6a: {  	[tilespmem:$0x180] =	vst v3;
	v19 =	vld [tilespmem:$0x90]  }
0x6b: {  	[tilespmem:$0x190] =	vst v4;
	v20 =	vld [tilespmem:$0xA0]  }
0x6c: {  	v21 =	vld [tilespmem:$0x80];
	[tilespmem:$0x1A0] =	vst v5;
	_ =	sdelay $0x1  }
0x6d: {  	vm0 =	vlt.s32 v18, $0x4CC;
	v18 =	vadd.s32 v1, v18  }
0x6e: {  	vm1 =	vlt.s32 v19, $0x4CC;
	v19 =	vadd.s32 v1, v19;
	v18 =	vnsel vm0, $0xA00, v18  }
0x6f: {  	v19 =	vnsel vm1, $0xA00, v19;
	vm0 =	vlt.s32 v20, $0x4CC;
	v20 =	vadd.s32 v1, v20;
	[tilespmem:$0x130] =	vst v18  }
0x70: {  	vm1 =	vlt.s32 v21, $0x4CC;
	v18 =	vadd.s32 v1, v21;
	[tilespmem:$0x110] =	vst v19;
	v19 =	vnsel vm0, $0xA00, v20  }
0x71: {  	v18 =	vnsel vm1, $0xA00, v18;
	[tilespmem:$0x120] =	vst v19  }
0x72: {  	[tilespmem:$0x100] =	vst v18  }
0x73: {  	[hbm4b:s2+s8] =	stream.indirect.scatter [tilespmem:s11], [sflag:$0x1], $0x1, s10, s8, $0xb8;
	[tilespmem:$0x200] =	vst v63  }
0x74: {  	_ =	swait.ge [sflag:s9], $0x40  }
0x75: {  	[sflag:s9] =	ssyncset.done $0x0  }
0x76: {  	[sflag:s9] =	ssyncadd.s32 $0xFFFFFFC0  }
0x77: {  	[tilespmem:s7], [sflag:$0x2] =	stream.linear.gather [hbm4b:s12+s3], $0x40, $0x38;
	[tilespmem:$0x200] =	vst v63  }
0x78: {  	_ =	swait.ge [sflag:s5], $0x40  }
0x79: {  	[sflag:s5] =	ssyncset.done $0x0  }
0x7a: {  	[sflag:s5] =	ssyncadd.s32 $0xFFFFFFC0  }
0x7b: {  	v18 =	vld [tilespmem:$0x80];
	[tilespmem:$0x180] =	vst v6  }
0x7c: {  	v19 =	vld [tilespmem:$0x90];
	[tilespmem:$0x190] =	vst v7  }
0x7d: {  	v20 =	vld [tilespmem:$0xA0];
	[tilespmem:$0x1A0] =	vst v8  }
0x7e: {  	v21 =	vld [tilespmem:$0xB0];
	[tilespmem:$0x1B0] =	vst v9;
	_ =	sdelay $0x1  }
0x7f: {  	vm0 =	vlt.s32 v18, $0x4CC;
	v18 =	vadd.s32 v1, v18  }
0x80: {  	v18 =	vnsel vm0, $0xA00, v18;
	vm0 =	vlt.s32 v19, $0x4CC;
	v19 =	vadd.s32 v1, v19  }
0x81: {  	[tilespmem:$0x100] =	vst v18;
	v18 =	vnsel vm0, $0xA00, v19;
	vm0 =	vlt.s32 v20, $0x4CC;
	v19 =	vadd.s32 v1, v20  }
0x82: {  	[tilespmem:$0x110] =	vst v18;
	v18 =	vnsel vm0, $0xA00, v19;
	vm0 =	vlt.s32 v21, $0x4CC;
	v19 =	vadd.s32 v1, v21  }
0x83: {  	[tilespmem:$0x120] =	vst v18;
	v18 =	vnsel vm0, $0xA00, v19  }
0x84: {  	[tilespmem:$0x130] =	vst v18  }
0x85: {  	[hbm4b:s2+s8] =	stream.indirect.scatter [tilespmem:s11], [sflag:$0x1], $0x1, s10, s8, $0xb8;
	[tilespmem:$0x200] =	vst v63  }
0x86: {  	_ =	swait.ge [sflag:s9], $0x40  }
0x87: {  	[sflag:s9] =	ssyncset.done $0x0  }
0x88: {  	[sflag:s9] =	ssyncadd.s32 $0xFFFFFFC0  }
0x89: {  	[tilespmem:s7], [sflag:$0x2] =	stream.linear.gather [hbm4b:s13+s3], $0x40, $0x38;
	[tilespmem:$0x200] =	vst v63  }
0x8a: {  	_ =	swait.ge [sflag:s5], $0x40  }
0x8b: {  	[sflag:s5] =	ssyncset.done $0x0  }
0x8c: {  	[sflag:s5] =	ssyncadd.s32 $0xFFFFFFC0  }
0x8d: {  	v18 =	vld [tilespmem:$0x80];
	[tilespmem:$0x180] =	vst v10  }
0x8e: {  	v19 =	vld [tilespmem:$0x90];
	[tilespmem:$0x190] =	vst v11  }
0x8f: {  	[tilespmem:$0x1A0] =	vst v12;
	v20 =	vld [tilespmem:$0xB0]  }
0x90: {  	v21 =	vld [tilespmem:$0xA0];
	[tilespmem:$0x1B0] =	vst v13;
	_ =	sdelay $0x1  }
0x91: {  	vm0 =	vlt.s32 v18, $0x4CC;
	v18 =	vadd.s32 v1, v18  }
0x92: {  	v18 =	vnsel vm0, $0xA00, v18;
	vm0 =	vlt.s32 v19, $0x4CC;
	v19 =	vadd.s32 v1, v19  }
0x93: {  	[tilespmem:$0x100] =	vst v18;
	v18 =	vnsel vm0, $0xA00, v19;
	vm0 =	vlt.s32 v20, $0x4CC;
	v19 =	vadd.s32 v1, v20  }
0x94: {  	[tilespmem:$0x110] =	vst v18;
	vm1 =	vlt.s32 v21, $0x4CC;
	v18 =	vadd.s32 v1, v21;
	v19 =	vnsel vm0, $0xA00, v19  }
0x95: {  	v18 =	vnsel vm1, $0xA00, v18;
	[tilespmem:$0x130] =	vst v19  }
0x96: {  	[tilespmem:$0x120] =	vst v18  }
0x97: {  	[hbm4b:s2+s8] =	stream.indirect.scatter [tilespmem:s11], [sflag:$0x1], $0x1, s10, s8, $0xb8;
	[tilespmem:$0x200] =	vst v63  }
0x98: {  	_ =	swait.ge [sflag:s9], $0x40  }
0x99: {  	[sflag:s9] =	ssyncset.done $0x0  }
0x9a: {  	[sflag:s9] =	ssyncadd.s32 $0xFFFFFFC0  }
0x9b: {  	[tilespmem:s7], [sflag:$0x2] =	stream.linear.gather [hbm4b:s14+s3], $0x40, $0x38;
	[tilespmem:$0x200] =	vst v63  }
.Ltmp1:
0x9c: {  	_ = 	snop;
	(pc) =	sbr.rel @p0 .LBB2_1-.Ltmp1, $4  }
0x9d: {  	_ =	swait.ge [sflag:s5], $0x40  }
0x9e: {  	[sflag:s5] =	ssyncset.done $0x0  }
0x9f: {  	[sflag:s5] =	ssyncadd.s32 $0xFFFFFFC0  }
0xa0: {  	v18 =	vld [tilespmem:$0x80];
	[tilespmem:$0x180] =	vst v17  }
.LBB2_2:
0xa1: {  	v0 =	vld [tilespmem:$0x90]  }
0xa2: {  	v2 =	vld [tilespmem:$0xA0]  }
0xa3: {  	v3 =	vld [tilespmem:$0xB0]  }
0xa4: {  	[tilespmem:$0x190] =	vst v15  }
0xa5: {  	[tilespmem:$0x1A0] =	vst v16;
	vm0 =	vlt.s32 v18, $0x4CC;
	v4 =	vadd.s32 v1, v18  }
0xa6: {  	[tilespmem:$0x1B0] =	vst v14;
	v4 =	vnsel vm0, $0xA00, v4;
	vm13 =	vlt.s32 v0, $0x4CC;
	v0 =	vadd.s32 v1, v0  }
0xa7: {  	vm14 =	vlt.s32 v2, $0x4CC;
	v2 =	vadd.s32 v1, v2;
	[tilespmem:$0x100] =	vst v4;
	v0 =	vnsel vm13, $0xA00, v0  }
0xa8: {  	vm15 =	vlt.s32 v3, $0x4CC;
	v62 =	vadd.s32 v1, v3;
	v61 =	vnsel vm14, $0xA00, v2;
	[tilespmem:$0x110] =	vst v0  }
0xa9: {  	v63 =	vnsel vm15, $0xA00, v62;
	[tilespmem:$0x120] =	vst v61  }
0xaa: {  	[tilespmem:$0x130] =	vst v63  }
0xab: {  	[hbm4b:s2+s8] =	stream.indirect.scatter [tilespmem:s11], [sflag:$0x1], $0x1, s10, s8, $0xb8;
	[tilespmem:$0x200] =	vst v63  }
0xac: {  	_ =	swait.ge [sflag:s9], $0x40  }
0xad: {  	[sflag:s9] =	ssyncset.done $0x0  }
0xae: {  	[sflag:s9] =	ssyncadd.s32 $0xFFFFFFC0  }
0xaf: {  	_ =	sfence.sel $0x180000  }
0xb0: {  	[bflag:$0x0] =	sbarrier.arrive $0xFFFF  }
0xb1: {  	p0 =	sne.s32 s1, $0x0;
	_ =	strace $0x90000047  }
0xb2: {  	s0 =	sadd.s32 @!p0 $0x100000, s0;
	[bflag:$0x2] =	sbarrier.arrive $0xFFFF  }
0xb3: {  	[sflag:s0] =	ssyncadd.tile.s32 @!p0 $0x1;
	_ =	shalt  }
.Lfunc_end2:
_tile_overlayer_lowered:
.L_overlay_start_2:
0xb4: {  	(tag) =	ssettag $0x2  }
0xb5: {  	s0 =	rddreg [dreg:$0x0];
	s2 =	stileid.u32  }
0xb6: {  	s1 =	rddreg [dreg:$0x1];
	p0 =	sne.s32 s2, $0x0  }
0xb7: {  	s3 =	rddreg [dreg:$0x2];
	[bflag:$0x3] =	sbarrier.arrive $0xFFFF;
	s2 =	simm.s32 @!p0 $0x1C02  }
0xb8: {  	[timem:s3], [sflag:s2] =	dma.local @!p0 [hbm:s0], s1  }
0xb9: {  	s0 =	simm.s32 @!p0 $0x2  }
0xba: {  	_ =	swait.ge @!p0 [sflag:s0], s1  }
0xbb: {  	s1 =	ssub.s32 @!p0 $0x0, s1;
	[sflag:s0] =	ssyncset.done @!p0 $0x0  }
0xbc: {  	[sflag:s0] =	ssyncadd.s32 @!p0 s1  }
0xbd: {  	[bflag:$0x3] =	sbarrier.arrive $0xFFFF  }
0xbe: {  	_ =	shalt  }

// kernel: kernel.14.cloned.1.call-start
scs
__scs_entry_jumppad:
0x0: {  	(pc) =	sbr.rel $0x88, $3  }
0x1: {  	(tag) =	ssettag $0x0;
	lr =	simm.s32 $0x1  }
0x2: {  	[smem:$0x3F95] =	sst lr;
	_ =	strace $0xD0000000  }
0x3: {  	_ = 	snop  }
0x4: {  	_ = 	snop  }
0x5: {  	_ = 	snop  }
0x6: {  	_ = 	snop  }
0x7: {  	_ = 	snop  }
__scs_overlays_trampoline_lowered:
0x8: {  	[smem:$0x3FA4] =	sst s0  }
0x9: {  	[smem:$0x3FA5] =	sst s1  }
0xa: {  	[smem:$0x3FA6] =	sst s2  }
0xb: {  	[smem:$0x3FA7] =	sst s3  }
0xc: {  	[smem:$0x3FA8] =	sst s4  }
0xd: {  	[smem:$0x3FA9] =	sst s5  }
0xe: {  	[smem:$0x3FAA] =	sst s6  }
0xf: {  	[smem:$0x3FAB] =	sst s7  }
0x10: {  	[smem:$0x3FAC] =	sst s8  }
0x11: {  	[smem:$0x3FAD] =	sst s9;
	s0 =	simm.s32 @!p0 $0x0  }
0x12: {  	s1 =	sld [smem:$0x3F93];
	s0 =	simm.s32 @p0 $0x1  }
0x13: {  	[smem:$0x3FAE] =	sst s0;
	s0 =	simm.s32 @!p1 $0x0  }
0x14: {  	s2 =	sld [smem:$0x3F92];
	s0 =	simm.s32 @p1 $0x1  }
0x15: {  	[smem:$0x3FAF] =	sst s0;
	s0 =	simm.s32 @!p2 $0x0  }
0x16: {  	s3 =	sld [smem:$0x3FDB];
	s0 =	simm.s32 @p2 $0x1  }
0x17: {  	s4 =	simm.s32 $0x1BF5;
	[smem:$0x3FB1] =	sst s0  }
0x18: {  	s0 =	sld [smem:$0x3F94];
	_ =	swait.ge [sflag:s4], $0x0  }
0x19: {  	s7 =	sld [smem:$0x3F95]  }
0x1a: {  	s8 =	sadd.s32 $0xFFFFE003, lr  }
0x1b: {  	s9 =	sadd.s32 $0xFFFFFEF7, lr;
	s5 =	simm.s32 $0xFFFFFFFF;
	p2 =	slt.u32 s8, $0xFFFFF086  }
0x1c: {  	p1 =	slt.u32 s9, $0xF7A;
	s5 =	simm.s32 @!p2 $0x0  }
0x1d: {  	s5 =	simm.s32 @p1 $0x1;
	p0 =	seq.s32 s7, s2  }
0x1e: {  	s7 =	smul.u32 @!p0 $0xF7A, s2;
	p2 =	seq.s32 @!p0 s5, $0x0  }
0x1f: {  	s9 =	smul.u32 $0xF7A, s1;
	s8 =	simm.s32 @!p0 $0x1BF5;
	p2 =	por !p2, p0  }
0x20: {  	[sflag:s8] =	ssyncset.s32 @!p0 $0xFFFFF086;
	s6 =	sadd.s32 @!p0 s3, s7;
	s7 =	simm.s32 @!p0 $0x108  }
0x21: {  	s3 =	sadd.s32 s3, s9;
	s6 =	sadd.s32 @!p0 $0x88, s6;
	s7 =	simm.s32 @p2 $0x1082  }
0x22: {  	[simem:s7], [sflag:s8] =	dma.local @!p0 [hbm:s6], $0xF7A  }
0x23: {  	s9 =	sor.u32 $0xD0000000, s2;
	s6 =	simm.s32 $0x108;
	_ =	swait.ge @!p0 [sflag:s8], $0x0  }
0x24: {  	s3 =	sadd.s32 $0x88, s3;
	s6 =	simm.s32 @!p1 $0x1082;
	[sflag:s4] =	ssyncset.s32 $0xFFFFF086  }
0x25: {  	[simem:s6], [sflag:s4] =	dma.local [hbm:s3], $0xF7A  }
0x26: {  	[smem:$0x3F95] =	sst s1;
	(tag) =	ssettag s2;
	_ =	strace s9  }
0x27: {  	s1 =	sld [smem:$0x3FA5]  }
0x28: {  	s2 =	sld [smem:$0x3FA6]  }
0x29: {  	s4 =	sld [smem:$0x3FA8]  }
0x2a: {  	p0 =	seq.s32 s5, $0x0;
	s5 =	sld [smem:$0x3FA9]  }
0x2b: {  	s6 =	sld [smem:$0x3FAA]  }
0x2c: {  	s7 =	sld [smem:$0x3FAB]  }
0x2d: {  	s3 =	simm.s32 $0x108;
	s8 =	sld [smem:$0x3FAC]  }
0x2e: {  	s3 =	simm.s32 @!p0 $0x1082;
	s9 =	sld [smem:$0x3FAD]  }
0x2f: {  	lr =	sadd.s32 s0, s3;
	s0 =	sld [smem:$0x3FA4]  }
0x30: {  	s3 =	sld [smem:$0x3FA7]  }
0x31: {  	[smem:$0x3FB0] =	sst s10  }
0x32: {  	s10 =	sld [smem:$0x3FAE];
	_ =	sdelay $0x3  }
0x33: {  	p0 =	seq.s32 s10, $0x1;
	s10 =	sld [smem:$0x3FB0];
	_ =	sdelay $0x3  }
0x34: {  	[smem:$0x3FB0] =	sst s10  }
0x35: {  	s10 =	sld [smem:$0x3FAF];
	_ =	sdelay $0x3  }
0x36: {  	p1 =	seq.s32 s10, $0x1;
	s10 =	sld [smem:$0x3FB0];
	_ =	sdelay $0x3  }
0x37: {  	[smem:$0x3FB0] =	sst s10  }
0x38: {  	s10 =	sld [smem:$0x3FB1]  }
0x39: {  	_ = 	snop;
	(pc) =	sbr.ind lr, $3  }
0x3a: {  	_ = 	snop  }
0x3b: {  	_ = 	snop  }
0x3c: {  	p2 =	seq.s32 s10, $0x1;
	s10 =	sld [smem:$0x3FB0]  }
0x3d: {  	_ =	shalt  }
0x3e: {  	_ =	shalt  }
0x3f: {  	_ =	shalt  }
0x40: {  	_ =	shalt  }
0x41: {  	_ =	shalt  }
0x42: {  	_ =	shalt  }
0x43: {  	_ =	shalt  }
0x44: {  	_ =	shalt  }
0x45: {  	_ =	shalt  }
0x46: {  	_ =	shalt  }
0x47: {  	_ =	shalt  }
0x48: {  	_ =	shalt  }
0x49: {  	_ =	shalt  }
0x4a: {  	_ =	shalt  }
0x4b: {  	_ =	shalt  }
0x4c: {  	_ =	shalt  }
0x4d: {  	_ =	shalt  }
0x4e: {  	_ =	shalt  }
0x4f: {  	_ =	shalt  }
0x50: {  	_ =	shalt  }
0x51: {  	_ =	shalt  }
0x52: {  	_ =	shalt  }
0x53: {  	_ =	shalt  }
0x54: {  	_ =	shalt  }
0x55: {  	_ =	shalt  }
0x56: {  	_ =	shalt  }
0x57: {  	_ =	shalt  }
0x58: {  	_ =	shalt  }
0x59: {  	_ =	shalt  }
0x5a: {  	_ =	shalt  }
0x5b: {  	_ =	shalt  }
0x5c: {  	_ =	shalt  }
0x5d: {  	_ =	shalt  }
0x5e: {  	_ =	shalt  }
0x5f: {  	_ =	shalt  }
0x60: {  	_ =	shalt  }
0x61: {  	_ =	shalt  }
0x62: {  	_ =	shalt  }
0x63: {  	_ =	shalt  }
0x64: {  	_ =	shalt  }
0x65: {  	_ =	shalt  }
0x66: {  	_ =	shalt  }
0x67: {  	_ =	shalt  }
0x68: {  	_ =	shalt  }
0x69: {  	_ =	shalt  }
0x6a: {  	_ =	shalt  }
0x6b: {  	_ =	shalt  }
0x6c: {  	_ =	shalt  }
0x6d: {  	_ =	shalt  }
0x6e: {  	_ =	shalt  }
0x6f: {  	_ =	shalt  }
0x70: {  	_ =	shalt  }
0x71: {  	_ =	shalt  }
0x72: {  	_ =	shalt  }
0x73: {  	_ =	shalt  }
0x74: {  	_ =	shalt  }
0x75: {  	_ =	shalt  }
0x76: {  	_ =	shalt  }
0x77: {  	_ =	shalt  }
0x78: {  	_ =	shalt  }
0x79: {  	_ =	shalt  }
0x7a: {  	_ =	shalt  }
0x7b: {  	_ =	shalt  }
0x7c: {  	_ =	shalt  }
0x7d: {  	_ =	shalt  }
0x7e: {  	_ =	shalt  }
0x7f: {  	_ =	shalt  }
0x80: {  	_ =	shalt  }
0x81: {  	_ =	shalt  }
0x82: {  	_ =	shalt  }
0x83: {  	_ =	shalt  }
0x84: {  	_ =	shalt  }
0x85: {  	_ =	shalt  }
0x86: {  	_ =	shalt  }
0x87: {  	_ =	shalt  }
.Lfunc_end0:
.L_simem_size_0:
called_computation.1_lowered:
.L_overlay_start_0:
0x88: {  	s2 =	sld [smem:$0x3FD9]  }
0x89: {  	s3 =	sld [smem:$0x3FFE];
	_ =	sdelay $0x1  }
0x8a: {  	s1 =	srdreg.scid  }
0x8b: {  	s0 =	sand.u32 $0x1, s1  }
0x8c: {  	s17 =	sshll.u32 s0, $0xA;
	s2 =	sadd.s32 s3, s2  }
0x8d: {  	s2 =	sadd.s32 s2, s17  }
0x8e: {  	[smem:$0x3FBC] =	sst s2  }
0x8f: {  	_ = 	snop  }
0x90: {  	s2 =	sld [smem:$0x3FD0];
	(tm) =	ssettm $0x1  }
0x91: {  	s18 =	sld [smem:$0x3FFB];
	_ =	sdelay $0x3  }
0x92: {  	_ =	strace s18  }
0x93: {  	s3 =	sld [smem:$0x3FFC];
	_ =	sdelay $0x3  }
0x94: {  	_ =	strace s3  }
0x95: {  	s3 =	sld [smem:$0x3FFD];
	_ =	sdelay $0x3  }
0x96: {  	_ =	strace s3  }
0x97: {  	_ =	strace $0x8FFFFFFF  }
0x98: {  	s19 =	sld [smem:$0x3FDB];
	_ =	sdelay $0x1  }
0x99: {  	s4 =	simm.s32 $_scs_section_size  }
0x9a: {  	s5 =	simm.s32 $_size__tile_overlayer_lowered;
	s6 =	simm.s32 $_tile_overlayer_lowered  }
0x9b: {  	s22 =	simm.s32 $0x1BFF;
	s21 =	sshll.u32 s6, $0x1;
	s3 =	sadd.s32 s4, s19  }
0x9c: {  	s7 =	simm.s32 $0x0;
	s20 =	sshll.u32 s5, $0x1;
	s5 =	sadd.s32 s21, s3  }
0x9d: {  	[timem:s7], [sflag:s22] =	dma.local [hbm:s5], s20  }
0x9e: {  	_ =	swait.ge [sflag:s22], s20  }
0x9f: {  	s4 =	ssub.s32 $0x0, s20;
	[sflag:s22] =	ssyncset.done $0x0  }
0xa0: {  	[sflag:s22] =	ssyncadd.s32 s4;
	_ =	sdelay $0x1  }
0xa1: {  	s23 =	simm.s32 $0x1B8B  }
0xa2: {  	_ =	swait.ge [sflag:s23], $0x1  }
0xa3: {  	[sflag:s23] =	ssyncset.done $0x0  }
0xa4: {  	s25 =	simm.s32 $0x1B8E;
	s24 =	sld [smem:$0x3FFE];
	[sflag:s23] =	ssyncadd.s32 $0xFFFFFFFF  }
0xa5: {  	s26 =	simm.s32 $execute0_lowered;
	[smem:$0x3FD2] =	sst s25  }
0xa6: {  	s5 =	sshll.u32 s26, $0x1;
	_ =	strace $0x80000049;
	[dreg:$0x1] =	wrdreg $0xFFFFFFFF  }
0xa7: {  	s28 =	simm.s32 $_size_execute0_lowered;
	s3 =	sadd.s32 s3, s5;
	[dreg:$0x0] =	wrdreg $0x0  }
0xa8: {  	s5 =	sshll.u32 s28, $0x1;
	[dreg:$0x2] =	wrdreg s3  }
0xa9: {  	[dreg:$0x3] =	wrdreg s5  }
0xaa: {  	[dreg:$0x4] =	wrdreg $0xC0  }
0xab: {  	_ =	task [dreg:s7], $0x5FFFF  }
0xac: {  	[dreg:$0x1] =	wrdreg $0xFFFFFFFF  }
0xad: {  	[dreg:$0x0] =	wrdreg $0x60  }
0xae: {  	[dreg:$0x2] =	wrdreg s24  }
0xaf: {  	[dreg:$0x3] =	wrdreg s2  }
0xb0: {  	[dreg:$0x4] =	wrdreg $0x9  }
0xb1: {  	_ =	task.clear_ibuf [dreg:s7], $0x5FFFF;
	_ =	strace $0x90000049  }
0xb2: {  	s29 =	simm.s32 $0x9;
	_ =	strace $0x8000004B  }
0xb3: {  	_ =	swait.ge [sflag:s29], $0x1  }
0xb4: {  	[sflag:s29] =	ssyncadd.s32 $0xFFFFFFFF  }
0xb5: {  	_ =	strace $0x9000004B  }
0xb6: {  	_ =	sfence  }
0xb7: {  	s30 =	sld [smem:$0x0];
	_ =	sdelay $0x2  }
0xb8: {  	s31 =	sshll.u32 s1, $0xD;
	s1 =	sshrl.u32 s1, $0x2  }
0xb9: {  	s3 =	sand.u32 $0x4000, s31;
	s1 =	sadd.s32 s1, s30  }
0xba: {  	s0 =	sor.u32 s3, s0;
	s1 =	sshll.u32 s1, $0x11  }
0xbb: {  	s0 =	sor.u32 s1, s0  }
0xbc: {  	s0 =	sadd.s32 $0x8F2B, s0  }
0xbd: {  	[sflag:s0] =	ssyncadd.remote.s32 $0x1  }
0xbe: {  	_ =	sfence.sel $0xFFFF  }
0xbf: {  	[dreg:$0x0] =	wrdreg $0xFFFFFFFF;
	(pc) =	sbr.abs _section_cstart, $3  }
0xc0: {  	[dreg:$0x1] =	wrdreg $0xFFFFFFFF  }
0xc1: {  	_ =	task.clear_ibuf [dreg:s7], $0x2FFFF;
	_ =	strace $0x9FFFFFFF  }
0xc2: {  	(tm) =	ssettm $0x7FFFFFFF  }
0xc3: {  	_ =	shalt  }
tec
execute0_lowered:
.L_overlay_start_1:
0x0: {  	(tag) =	ssettag $0x1  }
0x1: {  	s0 =	srdreg.scid  }
0x2: {  	s4 =	sand.u32 $0x1, s0  }
0x3: {  	s11 =	stileid.u32;
	s1 =	rddreg [dreg:$0x0];
	s2 =	sshll.u32 s4, $0x4  }
0x4: {  	s5 =	rddreg [dreg:$0x1];
	s3 =	sor.u32 s11, s2;
	s2 =	simm.s32 $0x0  }
0x5: {  	s12 =	simm.s32 $0x880;
	[smem:$0x7FF] =	sst s2  }
0x6: {  	s13 =	simm.s32 $0x1080;
	_ =	strace $0x8000004A;
	[dreg:$0x5] =	wrdreg s12  }
0x7: {  	s14 =	simm.s32 $0x1880;
	[dreg:$0x6] =	wrdreg s13  }
0x8: {  	s15 =	simm.s32 $0x2080;
	[dreg:$0x7] =	wrdreg s14  }
0x9: {  	s16 =	simm.s32 $0x2880;
	[dreg:$0x8] =	wrdreg s15  }
0xa: {  	s17 =	simm.s32 $0x3080;
	[dreg:$0x9] =	wrdreg s16  }
0xb: {  	s18 =	simm.s32 $0x3880;
	[dreg:$0xa] =	wrdreg s17  }
0xc: {  	s19 =	simm.s32 $0x4080;
	[dreg:$0xb] =	wrdreg s18  }
0xd: {  	s20 =	simm.s32 $0x4880;
	[dreg:$0xc] =	wrdreg s19  }
0xe: {  	s21 =	simm.s32 $0x5080;
	[dreg:$0xd] =	wrdreg s20  }
0xf: {  	s22 =	simm.s32 $0x5880;
	[dreg:$0xe] =	wrdreg s21  }
0x10: {  	s23 =	simm.s32 $0x6080;
	[dreg:$0xf] =	wrdreg s22  }
0x11: {  	s24 =	simm.s32 $0x6880;
	[dreg:$0x10] =	wrdreg s23  }
0x12: {  	s25 =	simm.s32 $0x7080;
	[dreg:$0x11] =	wrdreg s24  }
0x13: {  	s26 =	simm.s32 $0x7880;
	[dreg:$0x12] =	wrdreg s25  }
0x14: {  	s0 =	simm.s32 $0x8080;
	[dreg:$0x13] =	wrdreg s26  }
0x15: {  	s7 =	simm.s32 $0x9880;
	[dreg:$0x14] =	wrdreg s0  }
0x16: {  	s8 =	simm.s32 $0xA080;
	[dreg:$0x17] =	wrdreg s7  }
0x17: {  	s9 =	simm.s32 $0xA880;
	[dreg:$0x18] =	wrdreg s8  }
0x18: {  	s10 =	simm.s32 $0xB080;
	[dreg:$0x19] =	wrdreg s9  }
0x19: {  	s11 =	simm.s32 $0xB880;
	[dreg:$0x1a] =	wrdreg s10  }
0x1a: {  	[dreg:$0x1b] =	wrdreg s11;
	s12 =	simm.s32 $0xC080  }
0x1b: {  	s28 =	simm.s32 $0x1C080;
	s13 =	simm.s32 $0xC880;
	[dreg:$0x1c] =	wrdreg s12  }
0x1c: {  	s29 =	simm.s32 $0x1C880;
	s14 =	simm.s32 $0xD080;
	[dreg:$0x1d] =	wrdreg s13  }
0x1d: {  	s30 =	simm.s32 $0x1D080;
	s15 =	simm.s32 $0xD880;
	[dreg:$0x1e] =	wrdreg s14  }
0x1e: {  	s31 =	simm.s32 $0x1D880;
	s16 =	simm.s32 $0xE080;
	[dreg:$0x1f] =	wrdreg s15  }
0x1f: {  	s4 =	ssub.s32 $0x2, s4;
	s17 =	simm.s32 $0xE880;
	[smem:$0x7F1] =	sst s16  }
0x20: {  	s6 =	smul.u32 $0xA, s3;
	s18 =	simm.s32 $0xF080;
	[smem:$0x7F2] =	sst s17  }
0x21: {  	s3 =	smul.u32 $0x3C00, s3;
	s20 =	simm.s32 $0xF880;
	[smem:$0x7F3] =	sst s18  }
0x22: {  	s19 =	sshrl.u32 s4, $0x1;
	s21 =	simm.s32 $0x10080;
	[smem:$0x7F4] =	sst s20  }
0x23: {  	s22 =	simm.s32 $0x10880;
	s7 =	simm.s32 $0x11080;
	[smem:$0x7F5] =	sst s21  }
0x24: {  	s8 =	simm.s32 $0x11880;
	s10 =	simm.s32 $0x12080;
	[smem:$0x7F6] =	sst s22  }
0x25: {  	s23 =	simm.s32 $0x12880;
	s24 =	simm.s32 $0x13080;
	[smem:$0x7F7] =	sst s7  }
0x26: {  	s25 =	simm.s32 $0x13880;
	s11 =	simm.s32 $0x80;
	[smem:$0x7F8] =	sst s8  }
0x27: {  	s26 =	simm.s32 $0x14080;
	s6 =	sadd.s32 s6, s1;
	[smem:$0x7F9] =	sst s10  }
0x28: {  	s3 =	sadd.s32 s5, s3;
	s5 =	simm.s32 $0x8880;
	[smem:$0x7FA] =	sst s23  }
0x29: {  	s9 =	ssub.s32 s4, s19;
	s4 =	sadd.s32 $0x3B00, s1;
	[smem:$0x7FB] =	sst s24  }
0x2a: {  	s7 =	sadd.s32 $0x3E00, s1;
	s8 =	sadd.s32 $0x3F00, s1;
	[smem:$0x7FC] =	sst s25  }
0x2b: {  	s10 =	simm.s32 $0x2;
	[smem:$0x7FD] =	sst s26;
	s13 =	simm.s32 $0x15080  }
0x2c: {  	s14 =	simm.s32 $0x15880;
	s15 =	simm.s32 $0x16080;
	s16 =	simm.s32 $0x16880  }
0x2d: {  	s17 =	simm.s32 $0x17080;
	s18 =	simm.s32 $0x17880;
	s19 =	simm.s32 $0x18080  }
0x2e: {  	s20 =	simm.s32 $0x18880;
	s21 =	simm.s32 $0x19080;
	s22 =	simm.s32 $0x19880  }
0x2f: {  	s23 =	simm.s32 $0x1A080;
	s24 =	simm.s32 $0x1A880;
	s25 =	simm.s32 $0x1B080  }
0x30: {  	s26 =	simm.s32 $0x1B880;
	s6 =	sadd.s32 $0x183A00, s6;
	[dreg:$0x4] =	wrdreg s3  }
0x31: {  	v2 =	vlaneseq.u32;
	[dreg:$0x15] =	wrdreg s5;
	s3 =	sadd.s32 $0x3A00, s1;
	s5 =	sadd.s32 $0x3C00, s1  }
0x32: {  	vm0 =	vmmov $0xffff;
	v1 =	vshrl.u32 v2, $0x3;
	s9 =	smax.u32 s9, $0x1;
	[dreg:$0x3] =	wrdreg s6;
	s6 =	simm.s32 $0x9080  }
0x33: {  	v0 =	vand.u32 $0x7, v2;
	v2 =	vor.u32 $0x8, v2;
	v1 =	vmul.u32 $0x8, v1;
	[dreg:$0x16] =	wrdreg s6;
	s6 =	sadd.s32 $0x3D00, s1;
	s1 =	simm.s32 $0x1  }
.LBB2_1:
0x34: {  	s0 =	rddreg [dreg:$0x3]  }
0x35: {  	[tilespmem:s2], [sflag:$0x2] =	stream.linear.gather [hbm4b:s0+s2], $0x50, $0x38;
	[tilespmem:$0x1E080] =	vst v63  }
0x36: {  	_ =	swait.ge [sflag:s10], $0x50  }
0x37: {  	[sflag:s10] =	ssyncset.done $0x0  }
0x38: {  	[sflag:s10] =	ssyncadd.s32 $0xFFFFFFB0  }
0x39: {  	v3 =	vld [tilespmem:$0x0];
	_ =	sdelay $0x4  }
0x3a: {  	vm1 =	vlt.s32 v3, $0x1FFF  }
0x3b: {  	v3 =	vnsel vm1, $0x1FFF, v3  }
0x3c: {  	v4 =	vld [tilespmem:$0x10];
	v5 =	vshrl.u32 v3, $0x3  }
0x3d: {  	v6 =	vld [tilespmem:$0x20];
	v5 =	vmul.u32 $0x60, v5  }
0x3e: {  	v7 =	vld [tilespmem:$0x30];
	v8 =	vand.u32 $0x7, v3  }
0x3f: {  	v9 =	vld [tilespmem:$0x40];
	v5 =	vor.u32 v8, v5  }
0x40: {  	v8 =	vperm.xlane v5, v0  }
0x41: {  	vm1 =	vlt.s32 v4, $0x1FFF  }
0x42: {  	[tilespmem:$0x0] =	vst v3;
	v3 =	vnsel vm1, $0x1FFF, v4;
	vm1 =	vlt.s32 v6, $0x1FFF;
	v59 =	vadd.s32 v1, v8  }
0x43: {  	[tilespmem:$0x10] =	vst v3;
	v3 =	vnsel vm1, $0x1FFF, v6;
	vm1 =	vlt.s32 v7, $0x1FFF  }
0x44: {  	[tilespmem:$0x20] =	vst v3;
	v3 =	vnsel vm1, $0x1FFF, v7;
	vm1 =	vlt.s32 v9, $0x1FFF  }
0x45: {  	[tilespmem:$0x30] =	vst v3;
	v3 =	vnsel vm1, $0x1FFF, v9  }
0x46: {  	[tilespmem:$0x40] =	vst v3  }
0x47: {  	[tilespmem:s11], [sflag:$0x1] =	stream.indirect_vreg.gather [hbm4b:s3+s2], $0x80, v59, vm0, $0xb8;
	[tilespmem:$0x1E080] =	vst v63  }
0x48: {  	s0 =	rddreg [dreg:$0x5]  }
0x49: {  	[tilespmem:s0], [sflag:$0x1] =	stream.indirect_vreg.gather [hbm4b:s4+s2], $0x80, v59, vm0, $0xb8;
	[tilespmem:$0x1E080] =	vst v63  }
0x4a: {  	s12 =	rddreg [dreg:$0x6]  }
0x4b: {  	[tilespmem:s12], [sflag:$0x1] =	stream.indirect_vreg.gather [hbm4b:s5+s2], $0x80, v59, vm0, $0xb8;
	[tilespmem:$0x1E080] =	vst v63  }
0x4c: {  	v3 =	vperm.xlane v5, v2;
	s0 =	rddreg [dreg:$0x7]  }
0x4d: {  	[tilespmem:s0], [sflag:$0x1] =	stream.indirect_vreg.gather [hbm4b:s6+s2], $0x80, v59, vm0, $0xb8;
	[tilespmem:$0x1E080] =	vst v63  }
0x4e: {  	v3 =	vadd.s32 v1, v3;
	s12 =	rddreg [dreg:$0x8]  }
0x4f: {  	[tilespmem:s12], [sflag:$0x1] =	stream.indirect_vreg.gather [hbm4b:s7+s2], $0x80, v59, vm0, $0xb8;
	[tilespmem:$0x1E080] =	vst v63  }
0x50: {  	s0 =	rddreg [dreg:$0x9]  }
0x51: {  	[tilespmem:s0], [sflag:$0x1] =	stream.indirect_vreg.gather [hbm4b:s8+s2], $0x80, v59, vm0, $0xb8;
	[tilespmem:$0x1E080] =	vst v63  }
0x52: {  	s12 =	rddreg [dreg:$0xa]  }
0x53: {  	[tilespmem:s12], [sflag:$0x1] =	stream.indirect_vreg.gather [hbm4b:s3+s2], $0x80, v3, vm0, $0xb8;
	[tilespmem:$0x1E080] =	vst v63  }
0x54: {  	s0 =	rddreg [dreg:$0xb]  }
0x55: {  	[tilespmem:s0], [sflag:$0x1] =	stream.indirect_vreg.gather [hbm4b:s4+s2], $0x80, v3, vm0, $0xb8;
	[tilespmem:$0x1E080] =	vst v63  }
0x56: {  	s12 =	rddreg [dreg:$0xc]  }
0x57: {  	[tilespmem:s12], [sflag:$0x1] =	stream.indirect_vreg.gather [hbm4b:s5+s2], $0x80, v3, vm0, $0xb8;
	[tilespmem:$0x1E080] =	vst v63  }
0x58: {  	s0 =	rddreg [dreg:$0xd]  }
0x59: {  	[tilespmem:s0], [sflag:$0x1] =	stream.indirect_vreg.gather [hbm4b:s6+s2], $0x80, v3, vm0, $0xb8;
	[tilespmem:$0x1E080] =	vst v63  }
0x5a: {  	s12 =	rddreg [dreg:$0xe]  }
0x5b: {  	[tilespmem:s12], [sflag:$0x1] =	stream.indirect_vreg.gather [hbm4b:s7+s2], $0x80, v3, vm0, $0xb8;
	[tilespmem:$0x1E080] =	vst v63  }
0x5c: {  	s0 =	rddreg [dreg:$0xf]  }
0x5d: {  	[tilespmem:s0], [sflag:$0x1] =	stream.indirect_vreg.gather [hbm4b:s8+s2], $0x80, v3, vm0, $0xb8;
	[tilespmem:$0x1E080] =	vst v63  }
0x5e: {  	v3 =	vld [tilespmem:$0x10];
	_ =	sdelay $0x4  }
0x5f: {  	v60 =	vshrl.u32 v3, $0x3  }
0x60: {  	v4 =	vmul.u32 $0x60, v60  }
0x61: {  	v3 =	vand.u32 $0x7, v3  }
0x62: {  	v3 =	vor.u32 v3, v4  }
0x63: {  	v4 =	vperm.xlane v3, v0;
	_ =	sdelay $0x1  }
0x64: {  	v4 =	vadd.s32 v1, v4;
	_ =	sdelay $0x3  }
0x65: {  	s0 =	rddreg [dreg:$0x10]  }
0x66: {  	[tilespmem:s0], [sflag:$0x1] =	stream.indirect_vreg.gather [hbm4b:s3+s2], $0x80, v4, vm0, $0xb8;
	[tilespmem:$0x1E080] =	vst v63  }
0x67: {  	s12 =	rddreg [dreg:$0x11]  }
0x68: {  	[tilespmem:s12], [sflag:$0x1] =	stream.indirect_vreg.gather [hbm4b:s4+s2], $0x80, v4, vm0, $0xb8;
	[tilespmem:$0x1E080] =	vst v63  }
0x69: {  	s0 =	rddreg [dreg:$0x12]  }
0x6a: {  	[tilespmem:s0], [sflag:$0x1] =	stream.indirect_vreg.gather [hbm4b:s5+s2], $0x80, v4, vm0, $0xb8;
	[tilespmem:$0x1E080] =	vst v63  }
0x6b: {  	v3 =	vperm.xlane v3, v2;
	s12 =	rddreg [dreg:$0x13]  }
0x6c: {  	[tilespmem:s12], [sflag:$0x1] =	stream.indirect_vreg.gather [hbm4b:s6+s2], $0x80, v4, vm0, $0xb8;
	[tilespmem:$0x1E080] =	vst v63  }
0x6d: {  	v3 =	vadd.s32 v1, v3;
	s0 =	rddreg [dreg:$0x14]  }
0x6e: {  	[tilespmem:s0], [sflag:$0x1] =	stream.indirect_vreg.gather [hbm4b:s7+s2], $0x80, v4, vm0, $0xb8;
	[tilespmem:$0x1E080] =	vst v63  }
0x6f: {  	s12 =	rddreg [dreg:$0x15]  }
0x70: {  	[tilespmem:s12], [sflag:$0x1] =	stream.indirect_vreg.gather [hbm4b:s8+s2], $0x80, v4, vm0, $0xb8;
	[tilespmem:$0x1E080] =	vst v63  }
0x71: {  	s0 =	rddreg [dreg:$0x16]  }
0x72: {  	[tilespmem:s0], [sflag:$0x1] =	stream.indirect_vreg.gather [hbm4b:s3+s2], $0x80, v3, vm0, $0xb8;
	[tilespmem:$0x1E080] =	vst v63  }
0x73: {  	s12 =	rddreg [dreg:$0x17]  }
0x74: {  	[tilespmem:s12], [sflag:$0x1] =	stream.indirect_vreg.gather [hbm4b:s4+s2], $0x80, v3, vm0, $0xb8;
	[tilespmem:$0x1E080] =	vst v63  }
0x75: {  	s0 =	rddreg [dreg:$0x18]  }
0x76: {  	[tilespmem:s0], [sflag:$0x1] =	stream.indirect_vreg.gather [hbm4b:s5+s2], $0x80, v3, vm0, $0xb8;
	[tilespmem:$0x1E080] =	vst v63  }
0x77: {  	s12 =	rddreg [dreg:$0x19]  }
0x78: {  	[tilespmem:s12], [sflag:$0x1] =	stream.indirect_vreg.gather [hbm4b:s6+s2], $0x80, v3, vm0, $0xb8;
	[tilespmem:$0x1E080] =	vst v63  }
0x79: {  	s0 =	rddreg [dreg:$0x1a]  }
0x7a: {  	[tilespmem:s0], [sflag:$0x1] =	stream.indirect_vreg.gather [hbm4b:s7+s2], $0x80, v3, vm0, $0xb8;
	[tilespmem:$0x1E080] =	vst v63  }
0x7b: {  	s12 =	rddreg [dreg:$0x1b]  }
0x7c: {  	[tilespmem:s12], [sflag:$0x1] =	stream.indirect_vreg.gather [hbm4b:s8+s2], $0x80, v3, vm0, $0xb8;
	[tilespmem:$0x1E080] =	vst v63  }
0x7d: {  	v3 =	vld [tilespmem:$0x20];
	_ =	sdelay $0x4  }
0x7e: {  	v61 =	vshrl.u32 v3, $0x3  }
0x7f: {  	v4 =	vmul.u32 $0x60, v61  }
0x80: {  	v3 =	vand.u32 $0x7, v3  }
0x81: {  	v3 =	vor.u32 v3, v4  }
0x82: {  	v4 =	vperm.xlane v3, v0;
	_ =	sdelay $0x1  }
0x83: {  	v4 =	vadd.s32 v1, v4;
	_ =	sdelay $0x2  }
0x84: {  	s0 =	rddreg [dreg:$0x1c]  }
0x85: {  	s12 =	rddreg [dreg:$0x1d]  }
0x86: {  	[tilespmem:s0], [sflag:$0x1] =	stream.indirect_vreg.gather [hbm4b:s3+s2], $0x80, v4, vm0, $0xb8;
	[tilespmem:$0x1E080] =	vst v63  }
0x87: {  	s0 =	rddreg [dreg:$0x1e]  }
0x88: {  	[tilespmem:s12], [sflag:$0x1] =	stream.indirect_vreg.gather [hbm4b:s4+s2], $0x80, v4, vm0, $0xb8;
	[tilespmem:$0x1E080] =	vst v63  }
0x89: {  	s12 =	rddreg [dreg:$0x1f]  }
0x8a: {  	[tilespmem:s0], [sflag:$0x1] =	stream.indirect_vreg.gather [hbm4b:s5+s2], $0x80, v4, vm0, $0xb8;
	[tilespmem:$0x1E080] =	vst v63  }
0x8b: {  	v3 =	vperm.xlane v3, v2;
	s0 =	sld [smem:$0x7F1]  }
0x8c: {  	[tilespmem:s12], [sflag:$0x1] =	stream.indirect_vreg.gather [hbm4b:s6+s2], $0x80, v4, vm0, $0xb8;
	[tilespmem:$0x1E080] =	vst v63  }
0x8d: {  	v3 =	vadd.s32 v1, v3;
	s12 =	sld [smem:$0x7F2]  }
0x8e: {  	[tilespmem:s0], [sflag:$0x1] =	stream.indirect_vreg.gather [hbm4b:s7+s2], $0x80, v4, vm0, $0xb8;
	[tilespmem:$0x1E080] =	vst v63  }
0x8f: {  	s0 =	sld [smem:$0x7F3]  }
0x90: {  	[tilespmem:s12], [sflag:$0x1] =	stream.indirect_vreg.gather [hbm4b:s8+s2], $0x80, v4, vm0, $0xb8;
	[tilespmem:$0x1E080] =	vst v63  }
0x91: {  	s12 =	sld [smem:$0x7F4]  }
0x92: {  	[tilespmem:s0], [sflag:$0x1] =	stream.indirect_vreg.gather [hbm4b:s3+s2], $0x80, v3, vm0, $0xb8;
	[tilespmem:$0x1E080] =	vst v63  }
0x93: {  	s0 =	sld [smem:$0x7F5]  }
0x94: {  	[tilespmem:s12], [sflag:$0x1] =	stream.indirect_vreg.gather [hbm4b:s4+s2], $0x80, v3, vm0, $0xb8;
	[tilespmem:$0x1E080] =	vst v63  }
0x95: {  	s12 =	sld [smem:$0x7F6]  }
0x96: {  	[tilespmem:s0], [sflag:$0x1] =	stream.indirect_vreg.gather [hbm4b:s5+s2], $0x80, v3, vm0, $0xb8;
	[tilespmem:$0x1E080] =	vst v63  }
0x97: {  	s0 =	sld [smem:$0x7F7]  }
0x98: {  	[tilespmem:s12], [sflag:$0x1] =	stream.indirect_vreg.gather [hbm4b:s6+s2], $0x80, v3, vm0, $0xb8;
	[tilespmem:$0x1E080] =	vst v63  }
0x99: {  	s12 =	sld [smem:$0x7F8]  }
0x9a: {  	[tilespmem:s0], [sflag:$0x1] =	stream.indirect_vreg.gather [hbm4b:s7+s2], $0x80, v3, vm0, $0xb8;
	[tilespmem:$0x1E080] =	vst v63  }
0x9b: {  	_ = 	snop  }
0x9c: {  	[tilespmem:s12], [sflag:$0x1] =	stream.indirect_vreg.gather [hbm4b:s8+s2], $0x80, v3, vm0, $0xb8;
	[tilespmem:$0x1E080] =	vst v63  }
0x9d: {  	v3 =	vld [tilespmem:$0x30];
	_ =	sdelay $0x4  }
0x9e: {  	v62 =	vshrl.u32 v3, $0x3  }
0x9f: {  	v4 =	vmul.u32 $0x60, v62  }
0xa0: {  	v3 =	vand.u32 $0x7, v3  }
0xa1: {  	v3 =	vor.u32 v3, v4  }
0xa2: {  	v4 =	vperm.xlane v3, v0;
	_ =	sdelay $0x1  }
0xa3: {  	v4 =	vadd.s32 v1, v4;
	_ =	sdelay $0x1  }
0xa4: {  	s0 =	sld [smem:$0x7F9];
	_ =	sdelay $0x1  }
0xa5: {  	s12 =	sld [smem:$0x7FA]  }
0xa6: {  	[tilespmem:s0], [sflag:$0x1] =	stream.indirect_vreg.gather [hbm4b:s3+s2], $0x80, v4, vm0, $0xb8;
	[tilespmem:$0x1E080] =	vst v63  }
0xa7: {  	s0 =	sld [smem:$0x7FB]  }
0xa8: {  	[tilespmem:s12], [sflag:$0x1] =	stream.indirect_vreg.gather [hbm4b:s4+s2], $0x80, v4, vm0, $0xb8;
	[tilespmem:$0x1E080] =	vst v63  }
0xa9: {  	s12 =	sld [smem:$0x7FC]  }
0xaa: {  	[tilespmem:s0], [sflag:$0x1] =	stream.indirect_vreg.gather [hbm4b:s5+s2], $0x80, v4, vm0, $0xb8;
	[tilespmem:$0x1E080] =	vst v63  }
0xab: {  	v3 =	vperm.xlane v3, v2;
	s0 =	sld [smem:$0x7FD]  }
0xac: {  	[tilespmem:s12], [sflag:$0x1] =	stream.indirect_vreg.gather [hbm4b:s6+s2], $0x80, v4, vm0, $0xb8;
	[tilespmem:$0x1E080] =	vst v63  }
0xad: {  	v3 =	vadd.s32 v1, v3  }
0xae: {  	[tilespmem:s0], [sflag:$0x1] =	stream.indirect_vreg.gather [hbm4b:s7+s2], $0x80, v4, vm0, $0xb8;
	[tilespmem:$0x1E080] =	vst v63  }
0xaf: {  	s12 =	simm.s32 $0x14880  }
0xb0: {  	[tilespmem:s12], [sflag:$0x1] =	stream.indirect_vreg.gather [hbm4b:s8+s2], $0x80, v4, vm0, $0xb8;
	[tilespmem:$0x1E080] =	vst v63  }
0xb1: {  	_ = 	snop  }
0xb2: {  	[tilespmem:s13], [sflag:$0x1] =	stream.indirect_vreg.gather [hbm4b:s3+s2], $0x80, v3, vm0, $0xb8;
	[tilespmem:$0x1E080] =	vst v63  }
0xb3: {  	_ = 	snop  }
0xb4: {  	[tilespmem:s14], [sflag:$0x1] =	stream.indirect_vreg.gather [hbm4b:s4+s2], $0x80, v3, vm0, $0xb8;
	[tilespmem:$0x1E080] =	vst v63  }
0xb5: {  	_ = 	snop  }
0xb6: {  	[tilespmem:s15], [sflag:$0x1] =	stream.indirect_vreg.gather [hbm4b:s5+s2], $0x80, v3, vm0, $0xb8;
	[tilespmem:$0x1E080] =	vst v63  }
0xb7: {  	_ = 	snop  }
0xb8: {  	[tilespmem:s16], [sflag:$0x1] =	stream.indirect_vreg.gather [hbm4b:s6+s2], $0x80, v3, vm0, $0xb8;
	[tilespmem:$0x1E080] =	vst v63  }
0xb9: {  	_ = 	snop  }
0xba: {  	[tilespmem:s17], [sflag:$0x1] =	stream.indirect_vreg.gather [hbm4b:s7+s2], $0x80, v3, vm0, $0xb8;
	[tilespmem:$0x1E080] =	vst v63  }
0xbb: {  	_ = 	snop  }
0xbc: {  	[tilespmem:s18], [sflag:$0x1] =	stream.indirect_vreg.gather [hbm4b:s8+s2], $0x80, v3, vm0, $0xb8;
	[tilespmem:$0x1E080] =	vst v63  }
0xbd: {  	v3 =	vld [tilespmem:$0x40];
	_ =	sdelay $0x4  }
0xbe: {  	v63 =	vshrl.u32 v3, $0x3  }
0xbf: {  	v4 =	vmul.u32 $0x60, v63  }
0xc0: {  	v3 =	vand.u32 $0x7, v3  }
0xc1: {  	v3 =	vor.u32 v3, v4  }
0xc2: {  	v4 =	vperm.xlane v3, v0;
	_ =	sdelay $0x1  }
0xc3: {  	v4 =	vadd.s32 v1, v4;
	_ =	sdelay $0x4  }
0xc4: {  	[tilespmem:s19], [sflag:$0x1] =	stream.indirect_vreg.gather [hbm4b:s3+s2], $0x80, v4, vm0, $0xb8;
	[tilespmem:$0x1E080] =	vst v63  }
0xc5: {  	_ = 	snop  }
0xc6: {  	[tilespmem:s20], [sflag:$0x1] =	stream.indirect_vreg.gather [hbm4b:s4+s2], $0x80, v4, vm0, $0xb8;
	[tilespmem:$0x1E080] =	vst v63  }
0xc7: {  	_ = 	snop  }
0xc8: {  	[tilespmem:s21], [sflag:$0x1] =	stream.indirect_vreg.gather [hbm4b:s5+s2], $0x80, v4, vm0, $0xb8;
	[tilespmem:$0x1E080] =	vst v63  }
0xc9: {  	v3 =	vperm.xlane v3, v2  }
0xca: {  	[tilespmem:s22], [sflag:$0x1] =	stream.indirect_vreg.gather [hbm4b:s6+s2], $0x80, v4, vm0, $0xb8;
	[tilespmem:$0x1E080] =	vst v63  }
0xcb: {  	v3 =	vadd.s32 v1, v3  }
0xcc: {  	[tilespmem:s23], [sflag:$0x1] =	stream.indirect_vreg.gather [hbm4b:s7+s2], $0x80, v4, vm0, $0xb8;
	[tilespmem:$0x1E080] =	vst v63  }
0xcd: {  	_ = 	snop  }
0xce: {  	[tilespmem:s24], [sflag:$0x1] =	stream.indirect_vreg.gather [hbm4b:s8+s2], $0x80, v4, vm0, $0xb8;
	[tilespmem:$0x1E080] =	vst v63  }
0xcf: {  	_ = 	snop  }
0xd0: {  	[tilespmem:s25], [sflag:$0x1] =	stream.indirect_vreg.gather [hbm4b:s3+s2], $0x80, v3, vm0, $0xb8;
	[tilespmem:$0x1E080] =	vst v63  }
0xd1: {  	_ = 	snop  }
0xd2: {  	[tilespmem:s26], [sflag:$0x1] =	stream.indirect_vreg.gather [hbm4b:s4+s2], $0x80, v3, vm0, $0xb8;
	[tilespmem:$0x1E080] =	vst v63  }
0xd3: {  	_ = 	snop  }
0xd4: {  	[tilespmem:s28], [sflag:$0x1] =	stream.indirect_vreg.gather [hbm4b:s5+s2], $0x80, v3, vm0, $0xb8;
	[tilespmem:$0x1E080] =	vst v63  }
0xd5: {  	_ = 	snop  }
0xd6: {  	[tilespmem:s29], [sflag:$0x1] =	stream.indirect_vreg.gather [hbm4b:s6+s2], $0x80, v3, vm0, $0xb8;
	[tilespmem:$0x1E080] =	vst v63  }
0xd7: {  	_ = 	snop  }
0xd8: {  	[tilespmem:s30], [sflag:$0x1] =	stream.indirect_vreg.gather [hbm4b:s7+s2], $0x80, v3, vm0, $0xb8;
	[tilespmem:$0x1E080] =	vst v63  }
0xd9: {  	_ = 	snop  }
0xda: {  	[tilespmem:s31], [sflag:$0x1] =	stream.indirect_vreg.gather [hbm4b:s8+s2], $0x80, v3, vm0, $0xb8;
	[tilespmem:$0x1E080] =	vst v63  }
0xdb: {  	_ =	swait.ge [sflag:s1], $0x1E000  }
0xdc: {  	p0 =	sne.s32 s9, $0x1;
	[sflag:s1] =	ssyncset.done $0x0  }
.Ltmp0:
0xdd: {  	s12 =	rddreg [dreg:$0x4];
	[sflag:s1] =	ssyncadd.s32 $0xFFFE2000;
	(pc) =	sbr.rel @p0 .LBB2_1-.Ltmp0, $4  }
0xde: {  	[hbm4b:s12+s2] =	stream.linear.scatter [tilespmem:s11], [sflag:$0x2], $0x1E000, $0x38;
	[tilespmem:$0x1E080] =	vst v63  }
0xdf: {  	_ =	swait.ge [sflag:s10], $0x1E000  }
0xe0: {  	[sflag:s10] =	ssyncset.done $0x0  }
0xe1: {  	s9 =	sadd.s32 $0xFFFFFFFF, s9;
	[sflag:s10] =	ssyncadd.s32 $0xFFFE2000  }
0xe2: {  	_ =	sfence.sel $0x180000  }
0xe3: {  	[bflag:$0x0] =	sbarrier.arrive $0xFFFF  }
0xe4: {  	_ =	strace $0x9000004A  }
0xe5: {  	s0 =	stileid.u32;
	[bflag:$0x2] =	sbarrier.arrive $0xFFFF  }
0xe6: {  	p0 =	sne.s32 s0, $0x0;
	s0 =	rddreg [dreg:$0x2]  }
0xe7: {  	s0 =	sadd.s32 @!p0 $0x100000, s0  }
0xe8: {  	[sflag:s0] =	ssyncadd.tile.s32 @!p0 $0x1;
	_ =	shalt  }
.Lfunc_end2:
_tile_overlayer_lowered:
.L_overlay_start_2:
0xe9: {  	(tag) =	ssettag $0x2  }
0xea: {  	s0 =	rddreg [dreg:$0x0];
	s2 =	stileid.u32  }
0xeb: {  	s1 =	rddreg [dreg:$0x1];
	p0 =	sne.s32 s2, $0x0  }
0xec: {  	s3 =	rddreg [dreg:$0x2];
	[bflag:$0x3] =	sbarrier.arrive $0xFFFF;
	s2 =	simm.s32 @!p0 $0x1C02  }
0xed: {  	[timem:s3], [sflag:s2] =	dma.local @!p0 [hbm:s0], s1  }
0xee: {  	s0 =	simm.s32 @!p0 $0x2  }
0xef: {  	_ =	swait.ge @!p0 [sflag:s0], s1  }
0xf0: {  	s1 =	ssub.s32 @!p0 $0x0, s1;
	[sflag:s0] =	ssyncset.done @!p0 $0x0  }
0xf1: {  	[sflag:s0] =	ssyncadd.s32 @!p0 s1  }
0xf2: {  	[bflag:$0x3] =	sbarrier.arrive $0xFFFF  }
0xf3: {  	_ =	shalt  }

// kernel: kernel.17.cloned.1.call-start
scs
__scs_entry_jumppad:
0x0: {  	(pc) =	sbr.rel $0x88, $3  }
0x1: {  	(tag) =	ssettag $0x0;
	lr =	simm.s32 $0x1  }
0x2: {  	[smem:$0x3F95] =	sst lr;
	_ =	strace $0xD0000000  }
0x3: {  	_ = 	snop  }
0x4: {  	_ = 	snop  }
0x5: {  	_ = 	snop  }
0x6: {  	_ = 	snop  }
0x7: {  	_ = 	snop  }
__scs_overlays_trampoline_lowered:
0x8: {  	[smem:$0x3FA4] =	sst s0  }
0x9: {  	[smem:$0x3FA5] =	sst s1  }
0xa: {  	[smem:$0x3FA6] =	sst s2  }
0xb: {  	[smem:$0x3FA7] =	sst s3  }
0xc: {  	[smem:$0x3FA8] =	sst s4  }
0xd: {  	[smem:$0x3FA9] =	sst s5  }
0xe: {  	[smem:$0x3FAA] =	sst s6  }
0xf: {  	[smem:$0x3FAB] =	sst s7  }
0x10: {  	[smem:$0x3FAC] =	sst s8  }
0x11: {  	[smem:$0x3FAD] =	sst s9;
	s0 =	simm.s32 @!p0 $0x0  }
0x12: {  	s1 =	sld [smem:$0x3F93];
	s0 =	simm.s32 @p0 $0x1  }
0x13: {  	[smem:$0x3FAE] =	sst s0;
	s0 =	simm.s32 @!p1 $0x0  }
0x14: {  	s2 =	sld [smem:$0x3F92];
	s0 =	simm.s32 @p1 $0x1  }
0x15: {  	[smem:$0x3FAF] =	sst s0;
	s0 =	simm.s32 @!p2 $0x0  }
0x16: {  	s3 =	sld [smem:$0x3FDB];
	s0 =	simm.s32 @p2 $0x1  }
0x17: {  	s4 =	simm.s32 $0x1BF5;
	[smem:$0x3FB1] =	sst s0  }
0x18: {  	s0 =	sld [smem:$0x3F94];
	_ =	swait.ge [sflag:s4], $0x0  }
0x19: {  	s7 =	sld [smem:$0x3F95]  }
0x1a: {  	s8 =	sadd.s32 $0xFFFFE003, lr  }
0x1b: {  	s9 =	sadd.s32 $0xFFFFFEF7, lr;
	s5 =	simm.s32 $0xFFFFFFFF;
	p2 =	slt.u32 s8, $0xFFFFF086  }
0x1c: {  	p1 =	slt.u32 s9, $0xF7A;
	s5 =	simm.s32 @!p2 $0x0  }
0x1d: {  	s5 =	simm.s32 @p1 $0x1;
	p0 =	seq.s32 s7, s2  }
0x1e: {  	s7 =	smul.u32 @!p0 $0xF7A, s2;
	p2 =	seq.s32 @!p0 s5, $0x0  }
0x1f: {  	s9 =	smul.u32 $0xF7A, s1;
	s8 =	simm.s32 @!p0 $0x1BF5;
	p2 =	por !p2, p0  }
0x20: {  	[sflag:s8] =	ssyncset.s32 @!p0 $0xFFFFF086;
	s6 =	sadd.s32 @!p0 s3, s7;
	s7 =	simm.s32 @!p0 $0x108  }
0x21: {  	s3 =	sadd.s32 s3, s9;
	s6 =	sadd.s32 @!p0 $0x88, s6;
	s7 =	simm.s32 @p2 $0x1082  }
0x22: {  	[simem:s7], [sflag:s8] =	dma.local @!p0 [hbm:s6], $0xF7A  }
0x23: {  	s9 =	sor.u32 $0xD0000000, s2;
	s6 =	simm.s32 $0x108;
	_ =	swait.ge @!p0 [sflag:s8], $0x0  }
0x24: {  	s3 =	sadd.s32 $0x88, s3;
	s6 =	simm.s32 @!p1 $0x1082;
	[sflag:s4] =	ssyncset.s32 $0xFFFFF086  }
0x25: {  	[simem:s6], [sflag:s4] =	dma.local [hbm:s3], $0xF7A  }
0x26: {  	[smem:$0x3F95] =	sst s1;
	(tag) =	ssettag s2;
	_ =	strace s9  }
0x27: {  	s1 =	sld [smem:$0x3FA5]  }
0x28: {  	s2 =	sld [smem:$0x3FA6]  }
0x29: {  	s4 =	sld [smem:$0x3FA8]  }
0x2a: {  	p0 =	seq.s32 s5, $0x0;
	s5 =	sld [smem:$0x3FA9]  }
0x2b: {  	s6 =	sld [smem:$0x3FAA]  }
0x2c: {  	s7 =	sld [smem:$0x3FAB]  }
0x2d: {  	s3 =	simm.s32 $0x108;
	s8 =	sld [smem:$0x3FAC]  }
0x2e: {  	s3 =	simm.s32 @!p0 $0x1082;
	s9 =	sld [smem:$0x3FAD]  }
0x2f: {  	lr =	sadd.s32 s0, s3;
	s0 =	sld [smem:$0x3FA4]  }
0x30: {  	s3 =	sld [smem:$0x3FA7]  }
0x31: {  	[smem:$0x3FB0] =	sst s10  }
0x32: {  	s10 =	sld [smem:$0x3FAE];
	_ =	sdelay $0x3  }
0x33: {  	p0 =	seq.s32 s10, $0x1;
	s10 =	sld [smem:$0x3FB0];
	_ =	sdelay $0x3  }
0x34: {  	[smem:$0x3FB0] =	sst s10  }
0x35: {  	s10 =	sld [smem:$0x3FAF];
	_ =	sdelay $0x3  }
0x36: {  	p1 =	seq.s32 s10, $0x1;
	s10 =	sld [smem:$0x3FB0];
	_ =	sdelay $0x3  }
0x37: {  	[smem:$0x3FB0] =	sst s10  }
0x38: {  	s10 =	sld [smem:$0x3FB1]  }
0x39: {  	_ = 	snop;
	(pc) =	sbr.ind lr, $3  }
0x3a: {  	_ = 	snop  }
0x3b: {  	_ = 	snop  }
0x3c: {  	p2 =	seq.s32 s10, $0x1;
	s10 =	sld [smem:$0x3FB0]  }
0x3d: {  	_ =	shalt  }
0x3e: {  	_ =	shalt  }
0x3f: {  	_ =	shalt  }
0x40: {  	_ =	shalt  }
0x41: {  	_ =	shalt  }
0x42: {  	_ =	shalt  }
0x43: {  	_ =	shalt  }
0x44: {  	_ =	shalt  }
0x45: {  	_ =	shalt  }
0x46: {  	_ =	shalt  }
0x47: {  	_ =	shalt  }
0x48: {  	_ =	shalt  }
0x49: {  	_ =	shalt  }
0x4a: {  	_ =	shalt  }
0x4b: {  	_ =	shalt  }
0x4c: {  	_ =	shalt  }
0x4d: {  	_ =	shalt  }
0x4e: {  	_ =	shalt  }
0x4f: {  	_ =	shalt  }
0x50: {  	_ =	shalt  }
0x51: {  	_ =	shalt  }
0x52: {  	_ =	shalt  }
0x53: {  	_ =	shalt  }
0x54: {  	_ =	shalt  }
0x55: {  	_ =	shalt  }
0x56: {  	_ =	shalt  }
0x57: {  	_ =	shalt  }
0x58: {  	_ =	shalt  }
0x59: {  	_ =	shalt  }
0x5a: {  	_ =	shalt  }
0x5b: {  	_ =	shalt  }
0x5c: {  	_ =	shalt  }
0x5d: {  	_ =	shalt  }
0x5e: {  	_ =	shalt  }
0x5f: {  	_ =	shalt  }
0x60: {  	_ =	shalt  }
0x61: {  	_ =	shalt  }
0x62: {  	_ =	shalt  }
0x63: {  	_ =	shalt  }
0x64: {  	_ =	shalt  }
0x65: {  	_ =	shalt  }
0x66: {  	_ =	shalt  }
0x67: {  	_ =	shalt  }
0x68: {  	_ =	shalt  }
0x69: {  	_ =	shalt  }
0x6a: {  	_ =	shalt  }
0x6b: {  	_ =	shalt  }
0x6c: {  	_ =	shalt  }
0x6d: {  	_ =	shalt  }
0x6e: {  	_ =	shalt  }
0x6f: {  	_ =	shalt  }
0x70: {  	_ =	shalt  }
0x71: {  	_ =	shalt  }
0x72: {  	_ =	shalt  }
0x73: {  	_ =	shalt  }
0x74: {  	_ =	shalt  }
0x75: {  	_ =	shalt  }
0x76: {  	_ =	shalt  }
0x77: {  	_ =	shalt  }
0x78: {  	_ =	shalt  }
0x79: {  	_ =	shalt  }
0x7a: {  	_ =	shalt  }
0x7b: {  	_ =	shalt  }
0x7c: {  	_ =	shalt  }
0x7d: {  	_ =	shalt  }
0x7e: {  	_ =	shalt  }
0x7f: {  	_ =	shalt  }
0x80: {  	_ =	shalt  }
0x81: {  	_ =	shalt  }
0x82: {  	_ =	shalt  }
0x83: {  	_ =	shalt  }
0x84: {  	_ =	shalt  }
0x85: {  	_ =	shalt  }
0x86: {  	_ =	shalt  }
0x87: {  	_ =	shalt  }
.Lfunc_end0:
.L_simem_size_0:
called_computation.2_lowered:
.L_overlay_start_0:
0x88: {  	s2 =	sld [smem:$0x3FD9]  }
0x89: {  	s3 =	sld [smem:$0x3FFE];
	_ =	sdelay $0x1  }
0x8a: {  	s1 =	srdreg.scid  }
0x8b: {  	s0 =	sand.u32 $0x1, s1  }
0x8c: {  	s17 =	sshll.u32 s0, $0xA;
	s2 =	sadd.s32 s3, s2  }
0x8d: {  	s2 =	sadd.s32 s2, s17  }
0x8e: {  	[smem:$0x3FBC] =	sst s2  }
0x8f: {  	_ = 	snop  }
0x90: {  	s18 =	sld [smem:$0x3FC9];
	(tm) =	ssettm $0x1  }
0x91: {  	s19 =	sld [smem:$0x3FFB];
	_ =	sdelay $0x3  }
0x92: {  	_ =	strace s19  }
0x93: {  	s2 =	sld [smem:$0x3FFC];
	_ =	sdelay $0x3  }
0x94: {  	_ =	strace s2  }
0x95: {  	s2 =	sld [smem:$0x3FFD];
	_ =	sdelay $0x3  }
0x96: {  	_ =	strace s2  }
0x97: {  	_ =	strace $0x8FFFFFFF  }
0x98: {  	s20 =	sld [smem:$0x3FDB];
	_ =	sdelay $0x1  }
0x99: {  	s4 =	simm.s32 $_scs_section_size  }
0x9a: {  	s5 =	simm.s32 $_size__tile_overlayer_lowered;
	s6 =	simm.s32 $_tile_overlayer_lowered  }
0x9b: {  	s7 =	simm.s32 $0x1BFF;
	s21 =	sshll.u32 s6, $0x1;
	s4 =	sadd.s32 s4, s20  }
0x9c: {  	s22 =	simm.s32 $0x0;
	s5 =	sshll.u32 s5, $0x1;
	s6 =	sadd.s32 s21, s4  }
0x9d: {  	[timem:s22], [sflag:s7] =	dma.local [hbm:s6], s5  }
0x9e: {  	_ =	swait.ge [sflag:s7], s5  }
0x9f: {  	s5 =	ssub.s32 $0x0, s5;
	[sflag:s7] =	ssyncset.done $0x0  }
0xa0: {  	[sflag:s7] =	ssyncadd.s32 s5;
	_ =	sdelay $0x1  }
0xa1: {  	s23 =	simm.s32 $0x1B8B  }
0xa2: {  	_ =	swait.ge [sflag:s23], $0x1  }
0xa3: {  	[sflag:s23] =	ssyncset.done $0x0  }
0xa4: {  	[sflag:s23] =	ssyncadd.s32 $0xFFFFFFFF  }
0xa5: {  	s5 =	sld [smem:$0x0]  }
0xa6: {  	s6 =	sand.u32 $0xFFFFFFFE, s1  }
0xa7: {  	p0 =	sne.s32 s1, s6  }
0xa8: {  	s6 =	sshll.u32 @p0 s6, $0xE  }
0xa9: {  	s6 =	sadd.s32 @p0 $0x11B8D, s6;
	s7 =	sshll.u32 @p0 s5, $0x11  }
0xaa: {  	s6 =	sor.u32 @p0 s7, s6  }
0xab: {  	[sflag:s6] =	ssyncadd.remote.s32 @p0 $0x1;
	_ =	sdelay $0x1  }
0xac: {  	s6 =	simm.s32 @p0 $0x1B8D  }
0xad: {  	_ =	swait.eq @p0 [sflag:s6], $0x1  }
0xae: {  	[sflag:s6] =	ssyncadd.s32 @p0 $0xFFFFFFFF  }
0xaf: {  	s7 =	sshll.u32 @!p0 s1, $0xE  }
0xb0: {  	s7 =	sor.u32 @!p0 $0x4000, s7;
	s6 =	simm.s32 @!p0 $0x1B8D  }
0xb1: {  	s5 =	sshll.u32 @!p0 s5, $0x11;
	s7 =	sadd.s32 @!p0 $0x11B8D, s7;
	_ =	swait.eq @!p0 [sflag:s6], $0x1  }
0xb2: {  	s5 =	sor.u32 @!p0 s5, s7;
	[sflag:s6] =	ssyncadd.s32 @!p0 $0xFFFFFFFF  }
0xb3: {  	s25 =	simm.s32 $0x1B8E;
	s24 =	sld [smem:$0x3FFE];
	[sflag:s5] =	ssyncadd.remote.s32 @!p0 $0x1  }
0xb4: {  	s26 =	simm.s32 $execute0_lowered;
	[smem:$0x3FD2] =	sst s25  }
0xb5: {  	s6 =	sshll.u32 s26, $0x1;
	_ =	strace $0x8000004C;
	[dreg:$0x1] =	wrdreg $0xFFFFFFFF  }
0xb6: {  	s28 =	simm.s32 $_size_execute0_lowered;
	s4 =	sadd.s32 s4, s6;
	[dreg:$0x0] =	wrdreg $0x0  }
0xb7: {  	s6 =	sshll.u32 s28, $0x1;
	[dreg:$0x2] =	wrdreg s4  }
0xb8: {  	[dreg:$0x3] =	wrdreg s6  }
0xb9: {  	[dreg:$0x4] =	wrdreg $0xC0  }
0xba: {  	_ =	task [dreg:s22], $0x5FFFF  }
0xbb: {  	[dreg:$0x1] =	wrdreg $0xFFFFFFFF  }
0xbc: {  	[dreg:$0x0] =	wrdreg $0x60  }
0xbd: {  	[dreg:$0x2] =	wrdreg s18  }
0xbe: {  	[dreg:$0x3] =	wrdreg s24  }
0xbf: {  	[dreg:$0x4] =	wrdreg $0xA  }
0xc0: {  	_ =	task.clear_ibuf [dreg:s22], $0x5FFFF;
	_ =	strace $0x9000004C  }
0xc1: {  	s29 =	simm.s32 $0xA;
	_ =	strace $0x8000004E  }
0xc2: {  	_ =	swait.ge [sflag:s29], $0x1  }
0xc3: {  	[sflag:s29] =	ssyncadd.s32 $0xFFFFFFFF  }
0xc4: {  	_ =	strace $0x9000004E  }
0xc5: {  	_ =	sfence  }
0xc6: {  	s30 =	sld [smem:$0x0];
	_ =	sdelay $0x2  }
0xc7: {  	s31 =	sshll.u32 s1, $0xD;
	s1 =	sshrl.u32 s1, $0x2  }
0xc8: {  	s4 =	sand.u32 $0x4000, s31;
	s1 =	sadd.s32 s1, s30  }
0xc9: {  	s0 =	sor.u32 s4, s0;
	s1 =	sshll.u32 s1, $0x11  }
0xca: {  	s0 =	sor.u32 s1, s0  }
0xcb: {  	s0 =	sadd.s32 $0x8F2B, s0  }
0xcc: {  	[sflag:s0] =	ssyncadd.remote.s32 $0x1  }
0xcd: {  	_ =	sfence.sel $0xFFFF  }
0xce: {  	[dreg:$0x0] =	wrdreg $0xFFFFFFFF;
	(pc) =	sbr.abs _section_cstart, $3  }
0xcf: {  	[dreg:$0x1] =	wrdreg $0xFFFFFFFF  }
0xd0: {  	_ =	task.clear_ibuf [dreg:s22], $0x2FFFF;
	_ =	strace $0x9FFFFFFF  }
0xd1: {  	(tm) =	ssettm $0x7FFFFFFF  }
tec
execute0_lowered:
.L_overlay_start_1:
0x0: {  	(tag) =	ssettag $0x1  }
0x1: {  	s0 =	srdreg.scid;
	s2 =	rddreg [dreg:$0x0]  }
0x2: {  	s18 =	stileid.u32;
	s5 =	rddreg [dreg:$0x1];
	s21 =	simm.s32 $0x880  }
0x3: {  	s22 =	simm.s32 $0x1080;
	s23 =	simm.s32 $0x1880;
	s7 =	simm.s32 $0x2080  }
0x4: {  	s24 =	simm.s32 $0x2880;
	s25 =	simm.s32 $0x3080;
	s8 =	simm.s32 $0x80  }
0x5: {  	s26 =	simm.s32 $0x3880;
	s10 =	simm.s32 $0x4880;
	s1 =	sand.u32 $0x1, s0  }
0x6: {  	s11 =	simm.s32 $0x5080;
	s12 =	simm.s32 $0x5880;
	s3 =	sshll.u32 s1, $0x4  }
0x7: {  	s13 =	simm.s32 $0x6080;
	s4 =	sor.u32 s18, s3;
	s3 =	simm.s32 $0x0  }
0x8: {  	s14 =	simm.s32 $0x6880;
	s15 =	simm.s32 $0x7080;
	[smem:$0x7FF] =	sst s3  }
0x9: {  	s16 =	simm.s32 $0x7880;
	_ =	strace $0x8000004D;
	[dreg:$0x5] =	wrdreg s21  }
0xa: {  	s17 =	simm.s32 $0x8080;
	s28 =	simm.s32 $0xD080;
	[dreg:$0x6] =	wrdreg s22  }
0xb: {  	s29 =	simm.s32 $0xD880;
	s30 =	simm.s32 $0xE080;
	[dreg:$0x7] =	wrdreg s23  }
0xc: {  	s31 =	simm.s32 $0xE880;
	s1 =	ssub.s32 $0x2, s1;
	[dreg:$0x8] =	wrdreg s7  }
0xd: {  	s20 =	sshrl.u32 s1, $0x1;
	s6 =	smul.u32 $0xA, s4;
	[dreg:$0x9] =	wrdreg s24  }
0xe: {  	s18 =	simm.s32 $0x8880;
	s4 =	smul.u32 $0x1E00, s4;
	[dreg:$0xa] =	wrdreg s25  }
0xf: {  	s1 =	ssub.s32 s1, s20;
	s20 =	simm.s32 $0x9880;
	[dreg:$0xb] =	wrdreg s26  }
0x10: {  	s21 =	simm.s32 $0xA080;
	s22 =	simm.s32 $0xA880;
	s23 =	simm.s32 $0xB080  }
0x11: {  	s24 =	simm.s32 $0xB880;
	s25 =	simm.s32 $0xC080;
	s26 =	simm.s32 $0xC880  }
0x12: {  	s6 =	sadd.s32 s6, s5;
	s4 =	sadd.s32 s4, s5;
	s5 =	sadd.s32 $0x200, s2  }
0x13: {  	v2 =	vlaneseq.u32;
	s7 =	simm.s32 $0x2;
	s19 =	sadd.s32 $0x183A00, s6;
	s4 =	sadd.s32 $0x183C00, s4  }
0x14: {  	vm0 =	vmmov $0xffff;
	v1 =	vshrl.u32 v2, $0x3;
	s6 =	smax.u32 s1, $0x1;
	s1 =	simm.s32 $0x1;
	[dreg:$0x3] =	wrdreg s19  }
0x15: {  	v0 =	vand.u32 $0x7, v2;
	v2 =	vor.u32 $0x8, v2;
	v1 =	vmul.u32 $0x8, v1;
	[dreg:$0x4] =	wrdreg s4;
	s4 =	sadd.s32 $0x100, s2;
	s19 =	simm.s32 $0x9080  }
.LBB2_1:
0x16: {  	s0 =	rddreg [dreg:$0x3]  }
0x17: {  	[tilespmem:s3], [sflag:$0x2] =	stream.linear.gather [hbm4b:s0+s3], $0x50, $0x38;
	[tilespmem:$0xF080] =	vst v63  }
0x18: {  	_ =	swait.ge [sflag:s7], $0x50  }
0x19: {  	[sflag:s7] =	ssyncset.done $0x0  }
0x1a: {  	[sflag:s7] =	ssyncadd.s32 $0xFFFFFFB0  }
0x1b: {  	v3 =	vld [tilespmem:$0x0];
	_ =	sdelay $0x4  }
0x1c: {  	vm1 =	vlt.s32 v3, $0x1FFF  }
0x1d: {  	v3 =	vnsel vm1, $0x1FFF, v3  }
0x1e: {  	v4 =	vld [tilespmem:$0x10];
	v5 =	vshrl.u32 v3, $0x3  }
0x1f: {  	v6 =	vld [tilespmem:$0x20];
	v5 =	vmul.u32 $0x30, v5  }
0x20: {  	v7 =	vld [tilespmem:$0x30];
	v8 =	vand.u32 $0x7, v3  }
0x21: {  	v9 =	vld [tilespmem:$0x40];
	v5 =	vor.u32 v8, v5  }
0x22: {  	v8 =	vperm.xlane v5, v0  }
0x23: {  	vm1 =	vlt.s32 v4, $0x1FFF  }
0x24: {  	[tilespmem:$0x0] =	vst v3;
	v3 =	vnsel vm1, $0x1FFF, v4;
	vm1 =	vlt.s32 v6, $0x1FFF;
	v59 =	vadd.s32 v1, v8  }
0x25: {  	[tilespmem:$0x10] =	vst v3;
	v3 =	vnsel vm1, $0x1FFF, v6;
	vm1 =	vlt.s32 v7, $0x1FFF  }
0x26: {  	[tilespmem:$0x20] =	vst v3;
	v3 =	vnsel vm1, $0x1FFF, v7;
	vm1 =	vlt.s32 v9, $0x1FFF  }
0x27: {  	[tilespmem:$0x30] =	vst v3;
	v3 =	vnsel vm1, $0x1FFF, v9  }
0x28: {  	[tilespmem:$0x40] =	vst v3;
	v3 =	vperm.xlane v5, v2  }
0x29: {  	[tilespmem:s8], [sflag:$0x1] =	stream.indirect_vreg.gather [hbm4b:s2+s3], $0x80, v59, vm0, $0xb8;
	[tilespmem:$0xF080] =	vst v63  }
0x2a: {  	s0 =	rddreg [dreg:$0x5];
	v3 =	vadd.s32 v1, v3  }
0x2b: {  	[tilespmem:s0], [sflag:$0x1] =	stream.indirect_vreg.gather [hbm4b:s4+s3], $0x80, v59, vm0, $0xb8;
	[tilespmem:$0xF080] =	vst v63  }
0x2c: {  	s9 =	rddreg [dreg:$0x6]  }
0x2d: {  	[tilespmem:s9], [sflag:$0x1] =	stream.indirect_vreg.gather [hbm4b:s5+s3], $0x80, v59, vm0, $0xb8;
	[tilespmem:$0xF080] =	vst v63  }
0x2e: {  	s0 =	rddreg [dreg:$0x7]  }
0x2f: {  	[tilespmem:s0], [sflag:$0x1] =	stream.indirect_vreg.gather [hbm4b:s2+s3], $0x80, v3, vm0, $0xb8;
	[tilespmem:$0xF080] =	vst v63  }
0x30: {  	s9 =	rddreg [dreg:$0x8]  }
0x31: {  	[tilespmem:s9], [sflag:$0x1] =	stream.indirect_vreg.gather [hbm4b:s4+s3], $0x80, v3, vm0, $0xb8;
	[tilespmem:$0xF080] =	vst v63  }
0x32: {  	s0 =	rddreg [dreg:$0x9]  }
0x33: {  	[tilespmem:s0], [sflag:$0x1] =	stream.indirect_vreg.gather [hbm4b:s5+s3], $0x80, v3, vm0, $0xb8;
	[tilespmem:$0xF080] =	vst v63  }
0x34: {  	v3 =	vld [tilespmem:$0x10];
	_ =	sdelay $0x4  }
0x35: {  	v60 =	vshrl.u32 v3, $0x3  }
0x36: {  	v4 =	vmul.u32 $0x30, v60  }
0x37: {  	v3 =	vand.u32 $0x7, v3  }
0x38: {  	v3 =	vor.u32 v3, v4  }
0x39: {  	v4 =	vperm.xlane v3, v0;
	_ =	sdelay $0x1  }
0x3a: {  	v4 =	vadd.s32 v1, v4;
	_ =	sdelay $0x3  }
0x3b: {  	s0 =	rddreg [dreg:$0xa];
	v3 =	vperm.xlane v3, v2  }
0x3c: {  	[tilespmem:s0], [sflag:$0x1] =	stream.indirect_vreg.gather [hbm4b:s2+s3], $0x80, v4, vm0, $0xb8;
	[tilespmem:$0xF080] =	vst v63  }
0x3d: {  	s9 =	rddreg [dreg:$0xb];
	v3 =	vadd.s32 v1, v3  }
0x3e: {  	[tilespmem:s9], [sflag:$0x1] =	stream.indirect_vreg.gather [hbm4b:s4+s3], $0x80, v4, vm0, $0xb8;
	[tilespmem:$0xF080] =	vst v63  }
0x3f: {  	s9 =	simm.s32 $0x4080  }
0x40: {  	[tilespmem:s9], [sflag:$0x1] =	stream.indirect_vreg.gather [hbm4b:s5+s3], $0x80, v4, vm0, $0xb8;
	[tilespmem:$0xF080] =	vst v63  }
0x41: {  	_ = 	snop  }
0x42: {  	[tilespmem:s10], [sflag:$0x1] =	stream.indirect_vreg.gather [hbm4b:s2+s3], $0x80, v3, vm0, $0xb8;
	[tilespmem:$0xF080] =	vst v63  }
0x43: {  	_ = 	snop  }
0x44: {  	[tilespmem:s11], [sflag:$0x1] =	stream.indirect_vreg.gather [hbm4b:s4+s3], $0x80, v3, vm0, $0xb8;
	[tilespmem:$0xF080] =	vst v63  }
0x45: {  	_ = 	snop  }
0x46: {  	[tilespmem:s12], [sflag:$0x1] =	stream.indirect_vreg.gather [hbm4b:s5+s3], $0x80, v3, vm0, $0xb8;
	[tilespmem:$0xF080] =	vst v63  }
0x47: {  	v3 =	vld [tilespmem:$0x20];
	_ =	sdelay $0x4  }
0x48: {  	v61 =	vshrl.u32 v3, $0x3  }
0x49: {  	v4 =	vmul.u32 $0x30, v61  }
0x4a: {  	v3 =	vand.u32 $0x7, v3  }
0x4b: {  	v3 =	vor.u32 v3, v4  }
0x4c: {  	v4 =	vperm.xlane v3, v0;
	_ =	sdelay $0x1  }
0x4d: {  	v4 =	vadd.s32 v1, v4;
	_ =	sdelay $0x3  }
0x4e: {  	v3 =	vperm.xlane v3, v2  }
0x4f: {  	[tilespmem:s13], [sflag:$0x1] =	stream.indirect_vreg.gather [hbm4b:s2+s3], $0x80, v4, vm0, $0xb8;
	[tilespmem:$0xF080] =	vst v63  }
0x50: {  	v3 =	vadd.s32 v1, v3  }
0x51: {  	[tilespmem:s14], [sflag:$0x1] =	stream.indirect_vreg.gather [hbm4b:s4+s3], $0x80, v4, vm0, $0xb8;
	[tilespmem:$0xF080] =	vst v63  }
0x52: {  	_ = 	snop  }
0x53: {  	[tilespmem:s15], [sflag:$0x1] =	stream.indirect_vreg.gather [hbm4b:s5+s3], $0x80, v4, vm0, $0xb8;
	[tilespmem:$0xF080] =	vst v63  }
0x54: {  	_ = 	snop  }
0x55: {  	[tilespmem:s16], [sflag:$0x1] =	stream.indirect_vreg.gather [hbm4b:s2+s3], $0x80, v3, vm0, $0xb8;
	[tilespmem:$0xF080] =	vst v63  }
0x56: {  	_ = 	snop  }
0x57: {  	[tilespmem:s17], [sflag:$0x1] =	stream.indirect_vreg.gather [hbm4b:s4+s3], $0x80, v3, vm0, $0xb8;
	[tilespmem:$0xF080] =	vst v63  }
0x58: {  	_ = 	snop  }
0x59: {  	[tilespmem:s18], [sflag:$0x1] =	stream.indirect_vreg.gather [hbm4b:s5+s3], $0x80, v3, vm0, $0xb8;
	[tilespmem:$0xF080] =	vst v63  }
0x5a: {  	v3 =	vld [tilespmem:$0x30];
	_ =	sdelay $0x4  }
0x5b: {  	v62 =	vshrl.u32 v3, $0x3  }
0x5c: {  	v4 =	vmul.u32 $0x30, v62  }
0x5d: {  	v3 =	vand.u32 $0x7, v3  }
0x5e: {  	v3 =	vor.u32 v3, v4  }
0x5f: {  	v4 =	vperm.xlane v3, v0;
	_ =	sdelay $0x1  }
0x60: {  	v4 =	vadd.s32 v1, v4;
	_ =	sdelay $0x3  }
0x61: {  	v3 =	vperm.xlane v3, v2  }
0x62: {  	[tilespmem:s19], [sflag:$0x1] =	stream.indirect_vreg.gather [hbm4b:s2+s3], $0x80, v4, vm0, $0xb8;
	[tilespmem:$0xF080] =	vst v63  }
0x63: {  	v3 =	vadd.s32 v1, v3  }
0x64: {  	[tilespmem:s20], [sflag:$0x1] =	stream.indirect_vreg.gather [hbm4b:s4+s3], $0x80, v4, vm0, $0xb8;
	[tilespmem:$0xF080] =	vst v63  }
0x65: {  	_ = 	snop  }
0x66: {  	[tilespmem:s21], [sflag:$0x1] =	stream.indirect_vreg.gather [hbm4b:s5+s3], $0x80, v4, vm0, $0xb8;
	[tilespmem:$0xF080] =	vst v63  }
0x67: {  	_ = 	snop  }
0x68: {  	[tilespmem:s22], [sflag:$0x1] =	stream.indirect_vreg.gather [hbm4b:s2+s3], $0x80, v3, vm0, $0xb8;
	[tilespmem:$0xF080] =	vst v63  }
0x69: {  	_ = 	snop  }
0x6a: {  	[tilespmem:s23], [sflag:$0x1] =	stream.indirect_vreg.gather [hbm4b:s4+s3], $0x80, v3, vm0, $0xb8;
	[tilespmem:$0xF080] =	vst v63  }
0x6b: {  	_ = 	snop  }
0x6c: {  	[tilespmem:s24], [sflag:$0x1] =	stream.indirect_vreg.gather [hbm4b:s5+s3], $0x80, v3, vm0, $0xb8;
	[tilespmem:$0xF080] =	vst v63  }
0x6d: {  	v3 =	vld [tilespmem:$0x40];
	_ =	sdelay $0x4  }
0x6e: {  	v63 =	vshrl.u32 v3, $0x3  }
0x6f: {  	v4 =	vmul.u32 $0x30, v63  }
0x70: {  	v3 =	vand.u32 $0x7, v3  }
0x71: {  	v3 =	vor.u32 v3, v4  }
0x72: {  	v4 =	vperm.xlane v3, v0;
	_ =	sdelay $0x1  }
0x73: {  	v4 =	vadd.s32 v1, v4;
	_ =	sdelay $0x3  }
0x74: {  	v3 =	vperm.xlane v3, v2  }
0x75: {  	[tilespmem:s25], [sflag:$0x1] =	stream.indirect_vreg.gather [hbm4b:s2+s3], $0x80, v4, vm0, $0xb8;
	[tilespmem:$0xF080] =	vst v63  }
0x76: {  	v3 =	vadd.s32 v1, v3  }
0x77: {  	[tilespmem:s26], [sflag:$0x1] =	stream.indirect_vreg.gather [hbm4b:s4+s3], $0x80, v4, vm0, $0xb8;
	[tilespmem:$0xF080] =	vst v63  }
0x78: {  	_ = 	snop  }
0x79: {  	[tilespmem:s28], [sflag:$0x1] =	stream.indirect_vreg.gather [hbm4b:s5+s3], $0x80, v4, vm0, $0xb8;
	[tilespmem:$0xF080] =	vst v63  }
0x7a: {  	_ = 	snop  }
0x7b: {  	[tilespmem:s29], [sflag:$0x1] =	stream.indirect_vreg.gather [hbm4b:s2+s3], $0x80, v3, vm0, $0xb8;
	[tilespmem:$0xF080] =	vst v63  }
0x7c: {  	_ = 	snop  }
0x7d: {  	[tilespmem:s30], [sflag:$0x1] =	stream.indirect_vreg.gather [hbm4b:s4+s3], $0x80, v3, vm0, $0xb8;
	[tilespmem:$0xF080] =	vst v63  }
0x7e: {  	_ = 	snop  }
0x7f: {  	[tilespmem:s31], [sflag:$0x1] =	stream.indirect_vreg.gather [hbm4b:s5+s3], $0x80, v3, vm0, $0xb8;
	[tilespmem:$0xF080] =	vst v63  }
0x80: {  	_ =	swait.ge [sflag:s1], $0xF000  }
0x81: {  	p0 =	sne.s32 s6, $0x1;
	[sflag:s1] =	ssyncset.done $0x0  }
.Ltmp0:
0x82: {  	s9 =	rddreg [dreg:$0x4];
	[sflag:s1] =	ssyncadd.s32 $0xFFFF1000;
	(pc) =	sbr.rel @p0 .LBB2_1-.Ltmp0, $4  }
0x83: {  	[hbm4b:s9+s3] =	stream.linear.scatter [tilespmem:s8], [sflag:$0x2], $0xF000, $0x38;
	[tilespmem:$0xF080] =	vst v63  }
0x84: {  	_ =	swait.ge [sflag:s7], $0xF000  }
0x85: {  	[sflag:s7] =	ssyncset.done $0x0  }
0x86: {  	s6 =	sadd.s32 $0xFFFFFFFF, s6;
	[sflag:s7] =	ssyncadd.s32 $0xFFFF1000  }
0x87: {  	_ =	sfence.sel $0x180000  }
0x88: {  	[bflag:$0x0] =	sbarrier.arrive $0xFFFF  }
0x89: {  	_ =	strace $0x9000004D  }
0x8a: {  	s0 =	stileid.u32;
	[bflag:$0x2] =	sbarrier.arrive $0xFFFF  }
0x8b: {  	p0 =	sne.s32 s0, $0x0;
	s0 =	rddreg [dreg:$0x2]  }
0x8c: {  	s0 =	sadd.s32 @!p0 $0x100000, s0  }
0x8d: {  	[sflag:s0] =	ssyncadd.tile.s32 @!p0 $0x1;
	_ =	shalt  }
.Lfunc_end2:
_tile_overlayer_lowered:
.L_overlay_start_2:
0x8e: {  	(tag) =	ssettag $0x2  }
0x8f: {  	s0 =	rddreg [dreg:$0x0];
	s2 =	stileid.u32  }
0x90: {  	s1 =	rddreg [dreg:$0x1];
	p0 =	sne.s32 s2, $0x0  }
0x91: {  	s3 =	rddreg [dreg:$0x2];
	[bflag:$0x3] =	sbarrier.arrive $0xFFFF;
	s2 =	simm.s32 @!p0 $0x1C02  }
0x92: {  	[timem:s3], [sflag:s2] =	dma.local @!p0 [hbm:s0], s1  }
0x93: {  	s0 =	simm.s32 @!p0 $0x2  }
0x94: {  	_ =	swait.ge @!p0 [sflag:s0], s1  }
0x95: {  	s1 =	ssub.s32 @!p0 $0x0, s1;
	[sflag:s0] =	ssyncset.done @!p0 $0x0  }
0x96: {  	[sflag:s0] =	ssyncadd.s32 @!p0 s1  }
0x97: {  	[bflag:$0x3] =	sbarrier.arrive $0xFFFF  }
0x98: {  	_ =	shalt  }

// kernel: kernel.20.cloned.1.call-start
scs
__scs_entry_jumppad:
0x0: {  	(pc) =	sbr.rel $0x88, $3  }
0x1: {  	(tag) =	ssettag $0x0;
	lr =	simm.s32 $0x1  }
0x2: {  	[smem:$0x3F95] =	sst lr;
	_ =	strace $0xD0000000  }
0x3: {  	_ = 	snop  }
0x4: {  	_ = 	snop  }
0x5: {  	_ = 	snop  }
0x6: {  	_ = 	snop  }
0x7: {  	_ = 	snop  }
__scs_overlays_trampoline_lowered:
0x8: {  	[smem:$0x3FA4] =	sst s0  }
0x9: {  	[smem:$0x3FA5] =	sst s1  }
0xa: {  	[smem:$0x3FA6] =	sst s2  }
0xb: {  	[smem:$0x3FA7] =	sst s3  }
0xc: {  	[smem:$0x3FA8] =	sst s4  }
0xd: {  	[smem:$0x3FA9] =	sst s5  }
0xe: {  	[smem:$0x3FAA] =	sst s6  }
0xf: {  	[smem:$0x3FAB] =	sst s7  }
0x10: {  	[smem:$0x3FAC] =	sst s8  }
0x11: {  	[smem:$0x3FAD] =	sst s9;
	s0 =	simm.s32 @!p0 $0x0  }
0x12: {  	s1 =	sld [smem:$0x3F93];
	s0 =	simm.s32 @p0 $0x1  }
0x13: {  	[smem:$0x3FAE] =	sst s0;
	s0 =	simm.s32 @!p1 $0x0  }
0x14: {  	s2 =	sld [smem:$0x3F92];
	s0 =	simm.s32 @p1 $0x1  }
0x15: {  	[smem:$0x3FAF] =	sst s0;
	s0 =	simm.s32 @!p2 $0x0  }
0x16: {  	s3 =	sld [smem:$0x3FDB];
	s0 =	simm.s32 @p2 $0x1  }
0x17: {  	s4 =	simm.s32 $0x1BF5;
	[smem:$0x3FB1] =	sst s0  }
0x18: {  	s0 =	sld [smem:$0x3F94];
	_ =	swait.ge [sflag:s4], $0x0  }
0x19: {  	s7 =	sld [smem:$0x3F95]  }
0x1a: {  	s8 =	sadd.s32 $0xFFFFE003, lr  }
0x1b: {  	s9 =	sadd.s32 $0xFFFFFEF7, lr;
	s5 =	simm.s32 $0xFFFFFFFF;
	p2 =	slt.u32 s8, $0xFFFFF086  }
0x1c: {  	p1 =	slt.u32 s9, $0xF7A;
	s5 =	simm.s32 @!p2 $0x0  }
0x1d: {  	s5 =	simm.s32 @p1 $0x1;
	p0 =	seq.s32 s7, s2  }
0x1e: {  	s7 =	smul.u32 @!p0 $0xF7A, s2;
	p2 =	seq.s32 @!p0 s5, $0x0  }
0x1f: {  	s9 =	smul.u32 $0xF7A, s1;
	s8 =	simm.s32 @!p0 $0x1BF5;
	p2 =	por !p2, p0  }
0x20: {  	[sflag:s8] =	ssyncset.s32 @!p0 $0xFFFFF086;
	s6 =	sadd.s32 @!p0 s3, s7;
	s7 =	simm.s32 @!p0 $0x108  }
0x21: {  	s3 =	sadd.s32 s3, s9;
	s6 =	sadd.s32 @!p0 $0x88, s6;
	s7 =	simm.s32 @p2 $0x1082  }
0x22: {  	[simem:s7], [sflag:s8] =	dma.local @!p0 [hbm:s6], $0xF7A  }
0x23: {  	s9 =	sor.u32 $0xD0000000, s2;
	s6 =	simm.s32 $0x108;
	_ =	swait.ge @!p0 [sflag:s8], $0x0  }
0x24: {  	s3 =	sadd.s32 $0x88, s3;
	s6 =	simm.s32 @!p1 $0x1082;
	[sflag:s4] =	ssyncset.s32 $0xFFFFF086  }
0x25: {  	[simem:s6], [sflag:s4] =	dma.local [hbm:s3], $0xF7A  }
0x26: {  	[smem:$0x3F95] =	sst s1;
	(tag) =	ssettag s2;
	_ =	strace s9  }
0x27: {  	s1 =	sld [smem:$0x3FA5]  }
0x28: {  	s2 =	sld [smem:$0x3FA6]  }
0x29: {  	s4 =	sld [smem:$0x3FA8]  }
0x2a: {  	p0 =	seq.s32 s5, $0x0;
	s5 =	sld [smem:$0x3FA9]  }
0x2b: {  	s6 =	sld [smem:$0x3FAA]  }
0x2c: {  	s7 =	sld [smem:$0x3FAB]  }
0x2d: {  	s3 =	simm.s32 $0x108;
	s8 =	sld [smem:$0x3FAC]  }
0x2e: {  	s3 =	simm.s32 @!p0 $0x1082;
	s9 =	sld [smem:$0x3FAD]  }
0x2f: {  	lr =	sadd.s32 s0, s3;
	s0 =	sld [smem:$0x3FA4]  }
0x30: {  	s3 =	sld [smem:$0x3FA7]  }
0x31: {  	[smem:$0x3FB0] =	sst s10  }
0x32: {  	s10 =	sld [smem:$0x3FAE];
	_ =	sdelay $0x3  }
0x33: {  	p0 =	seq.s32 s10, $0x1;
	s10 =	sld [smem:$0x3FB0];
	_ =	sdelay $0x3  }
0x34: {  	[smem:$0x3FB0] =	sst s10  }
0x35: {  	s10 =	sld [smem:$0x3FAF];
	_ =	sdelay $0x3  }
0x36: {  	p1 =	seq.s32 s10, $0x1;
	s10 =	sld [smem:$0x3FB0];
	_ =	sdelay $0x3  }
0x37: {  	[smem:$0x3FB0] =	sst s10  }
0x38: {  	s10 =	sld [smem:$0x3FB1]  }
0x39: {  	_ = 	snop;
	(pc) =	sbr.ind lr, $3  }
0x3a: {  	_ = 	snop  }
0x3b: {  	_ = 	snop  }
0x3c: {  	p2 =	seq.s32 s10, $0x1;
	s10 =	sld [smem:$0x3FB0]  }
0x3d: {  	_ =	shalt  }
0x3e: {  	_ =	shalt  }
0x3f: {  	_ =	shalt  }
0x40: {  	_ =	shalt  }
0x41: {  	_ =	shalt  }
0x42: {  	_ =	shalt  }
0x43: {  	_ =	shalt  }
0x44: {  	_ =	shalt  }
0x45: {  	_ =	shalt  }
0x46: {  	_ =	shalt  }
0x47: {  	_ =	shalt  }
0x48: {  	_ =	shalt  }
0x49: {  	_ =	shalt  }
0x4a: {  	_ =	shalt  }
0x4b: {  	_ =	shalt  }
0x4c: {  	_ =	shalt  }
0x4d: {  	_ =	shalt  }
0x4e: {  	_ =	shalt  }
0x4f: {  	_ =	shalt  }
0x50: {  	_ =	shalt  }
0x51: {  	_ =	shalt  }
0x52: {  	_ =	shalt  }
0x53: {  	_ =	shalt  }
0x54: {  	_ =	shalt  }
0x55: {  	_ =	shalt  }
0x56: {  	_ =	shalt  }
0x57: {  	_ =	shalt  }
0x58: {  	_ =	shalt  }
0x59: {  	_ =	shalt  }
0x5a: {  	_ =	shalt  }
0x5b: {  	_ =	shalt  }
0x5c: {  	_ =	shalt  }
0x5d: {  	_ =	shalt  }
0x5e: {  	_ =	shalt  }
0x5f: {  	_ =	shalt  }
0x60: {  	_ =	shalt  }
0x61: {  	_ =	shalt  }
0x62: {  	_ =	shalt  }
0x63: {  	_ =	shalt  }
0x64: {  	_ =	shalt  }
0x65: {  	_ =	shalt  }
0x66: {  	_ =	shalt  }
0x67: {  	_ =	shalt  }
0x68: {  	_ =	shalt  }
0x69: {  	_ =	shalt  }
0x6a: {  	_ =	shalt  }
0x6b: {  	_ =	shalt  }
0x6c: {  	_ =	shalt  }
0x6d: {  	_ =	shalt  }
0x6e: {  	_ =	shalt  }
0x6f: {  	_ =	shalt  }
0x70: {  	_ =	shalt  }
0x71: {  	_ =	shalt  }
0x72: {  	_ =	shalt  }
0x73: {  	_ =	shalt  }
0x74: {  	_ =	shalt  }
0x75: {  	_ =	shalt  }
0x76: {  	_ =	shalt  }
0x77: {  	_ =	shalt  }
0x78: {  	_ =	shalt  }
0x79: {  	_ =	shalt  }
0x7a: {  	_ =	shalt  }
0x7b: {  	_ =	shalt  }
0x7c: {  	_ =	shalt  }
0x7d: {  	_ =	shalt  }
0x7e: {  	_ =	shalt  }
0x7f: {  	_ =	shalt  }
0x80: {  	_ =	shalt  }
0x81: {  	_ =	shalt  }
0x82: {  	_ =	shalt  }
0x83: {  	_ =	shalt  }
0x84: {  	_ =	shalt  }
0x85: {  	_ =	shalt  }
0x86: {  	_ =	shalt  }
0x87: {  	_ =	shalt  }
.Lfunc_end0:
.L_simem_size_0:
called_computation.3_lowered:
.L_overlay_start_0:
0x88: {  	s2 =	sld [smem:$0x3FD9]  }
0x89: {  	s3 =	sld [smem:$0x3FFE];
	_ =	sdelay $0x1  }
0x8a: {  	s1 =	srdreg.scid  }
0x8b: {  	s0 =	sand.u32 $0x1, s1  }
0x8c: {  	s17 =	sshll.u32 s0, $0xA;
	s2 =	sadd.s32 s3, s2  }
0x8d: {  	s2 =	sadd.s32 s2, s17  }
0x8e: {  	[smem:$0x3FBC] =	sst s2  }
0x8f: {  	_ = 	snop  }
0x90: {  	s2 =	sld [smem:$0x3FC9]  }
0x91: {  	s18 =	sld [smem:$0x3FD0];
	(tm) =	ssettm $0x1  }
0x92: {  	s4 =	sld [smem:$0x3FFB];
	_ =	sdelay $0x3  }
0x93: {  	_ =	strace s4  }
0x94: {  	s4 =	sld [smem:$0x3FFC];
	_ =	sdelay $0x3  }
0x95: {  	_ =	strace s4  }
0x96: {  	s4 =	sld [smem:$0x3FFD];
	_ =	sdelay $0x3  }
0x97: {  	_ =	strace s4  }
0x98: {  	_ =	strace $0x8FFFFFFF  }
0x99: {  	s19 =	sld [smem:$0x3FDB];
	_ =	sdelay $0x1  }
0x9a: {  	s5 =	simm.s32 $_scs_section_size  }
0x9b: {  	s6 =	simm.s32 $_size__tile_overlayer_lowered;
	s7 =	simm.s32 $_tile_overlayer_lowered  }
0x9c: {  	s22 =	simm.s32 $0x1BFF;
	s21 =	sshll.u32 s7, $0x1;
	s4 =	sadd.s32 s5, s19  }
0x9d: {  	s8 =	simm.s32 $0x0;
	s20 =	sshll.u32 s6, $0x1;
	s6 =	sadd.s32 s21, s4  }
0x9e: {  	[timem:s8], [sflag:s22] =	dma.local [hbm:s6], s20  }
0x9f: {  	_ =	swait.ge [sflag:s22], s20  }
0xa0: {  	s5 =	ssub.s32 $0x0, s20;
	[sflag:s22] =	ssyncset.done $0x0  }
0xa1: {  	[sflag:s22] =	ssyncadd.s32 s5;
	_ =	sdelay $0x1  }
0xa2: {  	s23 =	simm.s32 $0x1B8B  }
0xa3: {  	_ =	swait.ge [sflag:s23], $0x1  }
0xa4: {  	[sflag:s23] =	ssyncset.done $0x0  }
0xa5: {  	s25 =	simm.s32 $0x1B8E;
	s24 =	sld [smem:$0x3FFE];
	[sflag:s23] =	ssyncadd.s32 $0xFFFFFFFF  }
0xa6: {  	s26 =	simm.s32 $execute0_lowered;
	[smem:$0x3FD2] =	sst s25  }
0xa7: {  	s6 =	sshll.u32 s26, $0x1;
	_ =	strace $0x8000004F;
	[dreg:$0x1] =	wrdreg $0xFFFFFFFF  }
0xa8: {  	s28 =	simm.s32 $_size_execute0_lowered;
	s4 =	sadd.s32 s4, s6;
	[dreg:$0x0] =	wrdreg $0x0  }
0xa9: {  	s6 =	sshll.u32 s28, $0x1;
	[dreg:$0x2] =	wrdreg s4  }
0xaa: {  	[dreg:$0x3] =	wrdreg s6  }
0xab: {  	[dreg:$0x4] =	wrdreg $0xC0  }
0xac: {  	_ =	task [dreg:s8], $0x5FFFF  }
0xad: {  	[dreg:$0x1] =	wrdreg $0xFFFFFFFF  }
0xae: {  	[dreg:$0x0] =	wrdreg $0x60  }
0xaf: {  	[dreg:$0x2] =	wrdreg s2  }
0xb0: {  	[dreg:$0x3] =	wrdreg s24  }
0xb1: {  	[dreg:$0x4] =	wrdreg s18  }
0xb2: {  	[dreg:$0x5] =	wrdreg $0x9  }
0xb3: {  	_ =	task.clear_ibuf [dreg:s8], $0x6FFFF;
	_ =	strace $0x9000004F  }
0xb4: {  	s29 =	simm.s32 $0x9;
	_ =	strace $0x80000051  }
0xb5: {  	_ =	swait.ge [sflag:s29], $0x1  }
0xb6: {  	[sflag:s29] =	ssyncadd.s32 $0xFFFFFFFF  }
0xb7: {  	_ =	strace $0x90000051  }
0xb8: {  	_ =	sfence  }
0xb9: {  	s30 =	sld [smem:$0x0];
	_ =	sdelay $0x2  }
0xba: {  	s31 =	sshll.u32 s1, $0xD;
	s1 =	sshrl.u32 s1, $0x2  }
0xbb: {  	s3 =	sand.u32 $0x4000, s31;
	s1 =	sadd.s32 s1, s30  }
0xbc: {  	s0 =	sor.u32 s3, s0;
	s1 =	sshll.u32 s1, $0x11  }
0xbd: {  	s0 =	sor.u32 s1, s0  }
0xbe: {  	s0 =	sadd.s32 $0x8F2B, s0  }
0xbf: {  	[sflag:s0] =	ssyncadd.remote.s32 $0x1  }
0xc0: {  	_ =	sfence.sel $0xFFFF  }
0xc1: {  	[dreg:$0x0] =	wrdreg $0xFFFFFFFF;
	(pc) =	sbr.abs _section_cstart, $3  }
0xc2: {  	[dreg:$0x1] =	wrdreg $0xFFFFFFFF  }
0xc3: {  	_ =	task.clear_ibuf [dreg:s8], $0x2FFFF;
	_ =	strace $0x9FFFFFFF  }
0xc4: {  	(tm) =	ssettm $0x7FFFFFFF  }
0xc5: {  	_ =	shalt  }
tec
execute0_lowered:
.L_overlay_start_1:
0x0: {  	(tag) =	ssettag $0x1  }
0x1: {  	s0 =	rddreg [dreg:$0x0]  }
0x2: {  	s5 =	rddreg [dreg:$0x1]  }
0x3: {  	s4 =	rddreg [dreg:$0x2];
	s2 =	srdreg.scid  }
0x4: {  	s1 =	stileid.u32;
	s19 =	simm.s32 $0xC000;
	s20 =	simm.s32 $0xC880  }
0x5: {  	s21 =	simm.s32 $0xD080;
	s22 =	simm.s32 $0xD880;
	s23 =	simm.s32 $0xE080  }
0x6: {  	s24 =	simm.s32 $0xE880;
	s6 =	sand.u32 $0x1, s2;
	s2 =	simm.s32 $0x0  }
0x7: {  	s28 =	simm.s32 $0x19080;
	s29 =	simm.s32 $0x19880;
	[smem:$0x7FF] =	sst s2  }
0x8: {  	s30 =	simm.s32 $0x1A080;
	_ =	strace $0x80000050;
	[dreg:$0xe] =	wrdreg s19  }
0x9: {  	s31 =	simm.s32 $0x1A880;
	s9 =	smul.u32 $0x50, s1;
	[dreg:$0xf] =	wrdreg s20  }
0xa: {  	s8 =	sshll.u32 s1, $0x5;
	s3 =	smul.u32 $0x500, s6;
	[dreg:$0x10] =	wrdreg s21  }
0xb: {  	s7 =	sshll.u32 s6, $0x9;
	s18 =	ssub.s32 $0x2, s6;
	[dreg:$0x11] =	wrdreg s22  }
0xc: {  	s7 =	sor.u32 s8, s7;
	s6 =	sshrl.u32 s18, $0x1;
	[dreg:$0x12] =	wrdreg s23  }
0xd: {  	[dreg:$0x13] =	wrdreg s24;
	s19 =	simm.s32 $0x15080;
	s20 =	simm.s32 $0x15880  }
0xe: {  	s21 =	simm.s32 $0x16080;
	s22 =	simm.s32 $0x16880;
	s23 =	simm.s32 $0x17080  }
0xf: {  	s24 =	simm.s32 $0x17880;
	s8 =	smul.u32 $0x300, s7;
	s9 =	sadd.s32 s9, s3  }
0x10: {  	s3 =	sadd.s32 $0x3A00, s5;
	s7 =	smul.u32 $0x1800, s7;
	s6 =	ssub.s32 s18, s6  }
0x11: {  	s18 =	simm.s32 $0x14880;
	s9 =	sshrl.u32 s9, $0x3;
	s6 =	smax.u32 s6, $0x1  }
0x12: {  	s10 =	sadd.s32 s0, s8;
	s25 =	sadd.s32 s3, s8;
	s8 =	sor.u32 $0x1800, s8  }
0x13: {  	s7 =	sshrl.u32 s7, $0x3;
	s13 =	sadd.s32 s9, s5;
	[dreg:$0x4] =	wrdreg s10  }
0x14: {  	s15 =	smul.u32 $0x300, s9;
	[dreg:$0x5] =	wrdreg s25;
	s26 =	sadd.s32 s0, s8  }
0x15: {  	s8 =	sadd.s32 s3, s8;
	s1 =	sadd.s32 $0x3000, s7;
	[dreg:$0x6] =	wrdreg s26  }
0x16: {  	s7 =	sadd.s32 $0x4800, s7;
	s16 =	sadd.s32 $0x183A00, s13;
	[dreg:$0x7] =	wrdreg s8  }
0x17: {  	s25 =	simm.s32 $0xF080;
	s10 =	simm.s32 $0x10880;
	[dreg:$0xc] =	wrdreg s16  }
0x18: {  	s13 =	simm.s32 $0x12080;
	s11 =	sadd.s32 s0, s1;
	[dreg:$0x14] =	wrdreg s25  }
0x19: {  	s12 =	sadd.s32 s3, s1;
	s0 =	sadd.s32 s0, s7;
	[dreg:$0x8] =	wrdreg s11  }
0x1a: {  	s14 =	sadd.s32 s3, s7;
	s17 =	sadd.s32 s4, s15;
	[dreg:$0x9] =	wrdreg s12  }
0x1b: {  	s4 =	sadd.s32 $0x3B00, s5;
	s5 =	sadd.s32 $0x3C00, s5;
	[dreg:$0xa] =	wrdreg s0  }
0x1c: {  	s7 =	simm.s32 $0x2;
	s8 =	simm.s32 $0xC080;
	[dreg:$0xb] =	wrdreg s14  }
0x1d: {  	s26 =	simm.s32 $0xF880;
	s15 =	simm.s32 $0x13080;
	[dreg:$0xd] =	wrdreg s17  }
0x1e: {  	v2 =	vlaneseq.u32;
	s16 =	simm.s32 $0x13880;
	s25 =	simm.s32 $0x18080;
	[dreg:$0x15] =	wrdreg s26  }
0x1f: {  	vm0 =	vmmov $0xffff;
	v1 =	vshrl.u32 v2, $0x3;
	s11 =	simm.s32 $0x11080;
	s12 =	simm.s32 $0x11880;
	s14 =	simm.s32 $0x12880  }
0x20: {  	v0 =	vand.u32 $0x7, v2;
	v2 =	vor.u32 $0x8, v2;
	v1 =	vmul.u32 $0x8, v1;
	s17 =	simm.s32 $0x14080;
	s26 =	simm.s32 $0x18880;
	s0 =	simm.s32 $0x1  }
.LBB2_1:
0x21: {  	s1 =	rddreg [dreg:$0x4]  }
0x22: {  	[tilespmem:s2], [sflag:$0x2] =	stream.linear.gather [hbm4b:s1+s2], $0xC000, $0x38;
	[tilespmem:$0x1B080] =	vst v63  }
0x23: {  	_ =	swait.ge [sflag:s7], $0xC000  }
0x24: {  	[sflag:s7] =	ssyncset.done $0x0  }
0x25: {  	s9 =	rddreg [dreg:$0x5];
	[sflag:s7] =	ssyncadd.s32 $0xFFFF4000  }
0x26: {  	[hbm4b:s9+s2] =	stream.linear.scatter [tilespmem:s2], [sflag:$0x2], $0xC000, $0x38;
	[tilespmem:$0x1B080] =	vst v63  }
0x27: {  	_ =	swait.ge [sflag:s7], $0xC000  }
0x28: {  	[sflag:s7] =	ssyncset.done $0x0  }
0x29: {  	s9 =	rddreg [dreg:$0x6];
	[sflag:s7] =	ssyncadd.s32 $0xFFFF4000  }
0x2a: {  	[tilespmem:s2], [sflag:$0x2] =	stream.linear.gather [hbm4b:s9+s2], $0xC000, $0x38;
	[tilespmem:$0x1B080] =	vst v63  }
0x2b: {  	_ =	swait.ge [sflag:s7], $0xC000  }
0x2c: {  	[sflag:s7] =	ssyncset.done $0x0  }
0x2d: {  	s9 =	rddreg [dreg:$0x7];
	[sflag:s7] =	ssyncadd.s32 $0xFFFF4000  }
0x2e: {  	[hbm4b:s9+s2] =	stream.linear.scatter [tilespmem:s2], [sflag:$0x2], $0xC000, $0x38;
	[tilespmem:$0x1B080] =	vst v63  }
0x2f: {  	_ =	swait.ge [sflag:s7], $0xC000  }
0x30: {  	[sflag:s7] =	ssyncset.done $0x0  }
0x31: {  	s9 =	rddreg [dreg:$0x8];
	[sflag:s7] =	ssyncadd.s32 $0xFFFF4000  }
0x32: {  	[tilespmem:s2], [sflag:$0x2] =	stream.linear.gather [hbm4b:s9+s2], $0xC000, $0x38;
	[tilespmem:$0x1B080] =	vst v63  }
0x33: {  	_ =	swait.ge [sflag:s7], $0xC000  }
0x34: {  	[sflag:s7] =	ssyncset.done $0x0  }
0x35: {  	s9 =	rddreg [dreg:$0x9];
	[sflag:s7] =	ssyncadd.s32 $0xFFFF4000  }
0x36: {  	[hbm4b:s9+s2] =	stream.linear.scatter [tilespmem:s2], [sflag:$0x2], $0xC000, $0x38;
	[tilespmem:$0x1B080] =	vst v63  }
0x37: {  	_ =	swait.ge [sflag:s7], $0xC000  }
0x38: {  	[sflag:s7] =	ssyncset.done $0x0  }
0x39: {  	s9 =	rddreg [dreg:$0xa];
	[sflag:s7] =	ssyncadd.s32 $0xFFFF4000  }
0x3a: {  	[tilespmem:s2], [sflag:$0x2] =	stream.linear.gather [hbm4b:s9+s2], $0xC000, $0x38;
	[tilespmem:$0x1B080] =	vst v63  }
0x3b: {  	_ =	swait.ge [sflag:s7], $0xC000  }
0x3c: {  	[sflag:s7] =	ssyncset.done $0x0  }
0x3d: {  	s9 =	rddreg [dreg:$0xb];
	[sflag:s7] =	ssyncadd.s32 $0xFFFF4000  }
0x3e: {  	[hbm4b:s9+s2] =	stream.linear.scatter [tilespmem:s2], [sflag:$0x2], $0xC000, $0x38;
	[tilespmem:$0x1B080] =	vst v63  }
0x3f: {  	_ =	swait.ge [sflag:s7], $0xC000  }
0x40: {  	[sflag:s7] =	ssyncset.done $0x0  }
0x41: {  	[sflag:s7] =	ssyncadd.s32 $0xFFFF4000  }
0x42: {  	[bflag:$0x0] =	sbarrier.arrive $0xFFFF  }
0x43: {  	s1 =	rddreg [dreg:$0xc]  }
0x44: {  	s9 =	rddreg [dreg:$0xe]  }
0x45: {  	[tilespmem:s9], [sflag:$0x2] =	stream.linear.gather [hbm4b:s1+s2], $0x50, $0x38;
	[tilespmem:$0x1B080] =	vst v63  }
0x46: {  	_ =	swait.ge [sflag:s7], $0x50  }
0x47: {  	[sflag:s7] =	ssyncset.done $0x0  }
0x48: {  	s9 =	rddreg [dreg:$0xd];
	[sflag:s7] =	ssyncadd.s32 $0xFFFFFFB0  }
0x49: {  	[tilespmem:s8], [sflag:$0x2] =	stream.linear.gather [hbm4b:s9+s2], $0xF000, $0x38;
	[tilespmem:$0x1B080] =	vst v63  }
0x4a: {  	_ =	swait.ge [sflag:s7], $0xF000  }
0x4b: {  	[sflag:s7] =	ssyncset.done $0x0  }
0x4c: {  	[sflag:s7] =	ssyncadd.s32 $0xFFFF1000  }
0x4d: {  	v3 =	vld [tilespmem:$0xC000];
	_ =	sdelay $0x4  }
0x4e: {  	v4 =	vshrl.u32 v3, $0x3  }
0x4f: {  	v4 =	vmul.u32 $0x30, v4  }
0x50: {  	v3 =	vand.u32 $0x7, v3  }
0x51: {  	v3 =	vor.u32 v3, v4  }
0x52: {  	v4 =	vperm.xlane v3, v0;
	_ =	sdelay $0x1  }
0x53: {  	v4 =	vadd.s32 v1, v4;
	_ =	sdelay $0x3  }
0x54: {  	v3 =	vperm.xlane v3, v2  }
0x55: {  	[hbm4b:s3+s2] =	stream.indirect_vreg.scatter [tilespmem:s8], [sflag:$0x1], $0x80, v4, vm0, $0xb8;
	[tilespmem:$0x1B080] =	vst v63  }
0x56: {  	s1 =	rddreg [dreg:$0xf];
	v3 =	vadd.s32 v1, v3  }
0x57: {  	[hbm4b:s4+s2] =	stream.indirect_vreg.scatter [tilespmem:s1], [sflag:$0x1], $0x80, v4, vm0, $0xb8;
	[tilespmem:$0x1B080] =	vst v63  }
0x58: {  	s9 =	rddreg [dreg:$0x10]  }
0x59: {  	[hbm4b:s5+s2] =	stream.indirect_vreg.scatter [tilespmem:s9], [sflag:$0x1], $0x80, v4, vm0, $0xb8;
	[tilespmem:$0x1B080] =	vst v63  }
0x5a: {  	s1 =	rddreg [dreg:$0x11]  }
0x5b: {  	[hbm4b:s3+s2] =	stream.indirect_vreg.scatter [tilespmem:s1], [sflag:$0x1], $0x80, v3, vm0, $0xb8;
	[tilespmem:$0x1B080] =	vst v63  }
0x5c: {  	s9 =	rddreg [dreg:$0x12]  }
0x5d: {  	[hbm4b:s4+s2] =	stream.indirect_vreg.scatter [tilespmem:s9], [sflag:$0x1], $0x80, v3, vm0, $0xb8;
	[tilespmem:$0x1B080] =	vst v63  }
0x5e: {  	s1 =	rddreg [dreg:$0x13]  }
0x5f: {  	[hbm4b:s5+s2] =	stream.indirect_vreg.scatter [tilespmem:s1], [sflag:$0x1], $0x80, v3, vm0, $0xb8;
	[tilespmem:$0x1B080] =	vst v63  }
0x60: {  	v3 =	vld [tilespmem:$0xC010];
	_ =	sdelay $0x4  }
0x61: {  	v60 =	vshrl.u32 v3, $0x3  }
0x62: {  	v4 =	vmul.u32 $0x30, v60  }
0x63: {  	v3 =	vand.u32 $0x7, v3  }
0x64: {  	v3 =	vor.u32 v3, v4  }
0x65: {  	v4 =	vperm.xlane v3, v0;
	_ =	sdelay $0x1  }
0x66: {  	v4 =	vadd.s32 v1, v4;
	_ =	sdelay $0x3  }
0x67: {  	s1 =	rddreg [dreg:$0x14];
	v3 =	vperm.xlane v3, v2  }
0x68: {  	[hbm4b:s3+s2] =	stream.indirect_vreg.scatter [tilespmem:s1], [sflag:$0x1], $0x80, v4, vm0, $0xb8;
	[tilespmem:$0x1B080] =	vst v63  }
0x69: {  	s9 =	rddreg [dreg:$0x15];
	v3 =	vadd.s32 v1, v3  }
0x6a: {  	[hbm4b:s4+s2] =	stream.indirect_vreg.scatter [tilespmem:s9], [sflag:$0x1], $0x80, v4, vm0, $0xb8;
	[tilespmem:$0x1B080] =	vst v63  }
0x6b: {  	s9 =	simm.s32 $0x10080  }
0x6c: {  	[hbm4b:s5+s2] =	stream.indirect_vreg.scatter [tilespmem:s9], [sflag:$0x1], $0x80, v4, vm0, $0xb8;
	[tilespmem:$0x1B080] =	vst v63  }
0x6d: {  	_ = 	snop  }
0x6e: {  	[hbm4b:s3+s2] =	stream.indirect_vreg.scatter [tilespmem:s10], [sflag:$0x1], $0x80, v3, vm0, $0xb8;
	[tilespmem:$0x1B080] =	vst v63  }
0x6f: {  	_ = 	snop  }
0x70: {  	[hbm4b:s4+s2] =	stream.indirect_vreg.scatter [tilespmem:s11], [sflag:$0x1], $0x80, v3, vm0, $0xb8;
	[tilespmem:$0x1B080] =	vst v63  }
0x71: {  	_ = 	snop  }
0x72: {  	[hbm4b:s5+s2] =	stream.indirect_vreg.scatter [tilespmem:s12], [sflag:$0x1], $0x80, v3, vm0, $0xb8;
	[tilespmem:$0x1B080] =	vst v63  }
0x73: {  	v3 =	vld [tilespmem:$0xC020];
	_ =	sdelay $0x4  }
0x74: {  	v61 =	vshrl.u32 v3, $0x3  }
0x75: {  	v4 =	vmul.u32 $0x30, v61  }
0x76: {  	v3 =	vand.u32 $0x7, v3  }
0x77: {  	v3 =	vor.u32 v3, v4  }
0x78: {  	v4 =	vperm.xlane v3, v0;
	_ =	sdelay $0x1  }
0x79: {  	v4 =	vadd.s32 v1, v4;
	_ =	sdelay $0x3  }
0x7a: {  	v3 =	vperm.xlane v3, v2  }
0x7b: {  	[hbm4b:s3+s2] =	stream.indirect_vreg.scatter [tilespmem:s13], [sflag:$0x1], $0x80, v4, vm0, $0xb8;
	[tilespmem:$0x1B080] =	vst v63  }
0x7c: {  	v3 =	vadd.s32 v1, v3  }
0x7d: {  	[hbm4b:s4+s2] =	stream.indirect_vreg.scatter [tilespmem:s14], [sflag:$0x1], $0x80, v4, vm0, $0xb8;
	[tilespmem:$0x1B080] =	vst v63  }
0x7e: {  	_ = 	snop  }
0x7f: {  	[hbm4b:s5+s2] =	stream.indirect_vreg.scatter [tilespmem:s15], [sflag:$0x1], $0x80, v4, vm0, $0xb8;
	[tilespmem:$0x1B080] =	vst v63  }
0x80: {  	_ = 	snop  }
0x81: {  	[hbm4b:s3+s2] =	stream.indirect_vreg.scatter [tilespmem:s16], [sflag:$0x1], $0x80, v3, vm0, $0xb8;
	[tilespmem:$0x1B080] =	vst v63  }
0x82: {  	_ = 	snop  }
0x83: {  	[hbm4b:s4+s2] =	stream.indirect_vreg.scatter [tilespmem:s17], [sflag:$0x1], $0x80, v3, vm0, $0xb8;
	[tilespmem:$0x1B080] =	vst v63  }
0x84: {  	_ = 	snop  }
0x85: {  	[hbm4b:s5+s2] =	stream.indirect_vreg.scatter [tilespmem:s18], [sflag:$0x1], $0x80, v3, vm0, $0xb8;
	[tilespmem:$0x1B080] =	vst v63  }
0x86: {  	v3 =	vld [tilespmem:$0xC030];
	_ =	sdelay $0x4  }
0x87: {  	v62 =	vshrl.u32 v3, $0x3  }
0x88: {  	v4 =	vmul.u32 $0x30, v62  }
0x89: {  	v3 =	vand.u32 $0x7, v3  }
0x8a: {  	v3 =	vor.u32 v3, v4  }
0x8b: {  	v4 =	vperm.xlane v3, v0;
	_ =	sdelay $0x1  }
0x8c: {  	v4 =	vadd.s32 v1, v4;
	_ =	sdelay $0x3  }
0x8d: {  	v3 =	vperm.xlane v3, v2  }
0x8e: {  	[hbm4b:s3+s2] =	stream.indirect_vreg.scatter [tilespmem:s19], [sflag:$0x1], $0x80, v4, vm0, $0xb8;
	[tilespmem:$0x1B080] =	vst v63  }
0x8f: {  	v3 =	vadd.s32 v1, v3  }
0x90: {  	[hbm4b:s4+s2] =	stream.indirect_vreg.scatter [tilespmem:s20], [sflag:$0x1], $0x80, v4, vm0, $0xb8;
	[tilespmem:$0x1B080] =	vst v63  }
0x91: {  	_ = 	snop  }
0x92: {  	[hbm4b:s5+s2] =	stream.indirect_vreg.scatter [tilespmem:s21], [sflag:$0x1], $0x80, v4, vm0, $0xb8;
	[tilespmem:$0x1B080] =	vst v63  }
0x93: {  	_ = 	snop  }
0x94: {  	[hbm4b:s3+s2] =	stream.indirect_vreg.scatter [tilespmem:s22], [sflag:$0x1], $0x80, v3, vm0, $0xb8;
	[tilespmem:$0x1B080] =	vst v63  }
0x95: {  	_ = 	snop  }
0x96: {  	[hbm4b:s4+s2] =	stream.indirect_vreg.scatter [tilespmem:s23], [sflag:$0x1], $0x80, v3, vm0, $0xb8;
	[tilespmem:$0x1B080] =	vst v63  }
0x97: {  	_ = 	snop  }
0x98: {  	[hbm4b:s5+s2] =	stream.indirect_vreg.scatter [tilespmem:s24], [sflag:$0x1], $0x80, v3, vm0, $0xb8;
	[tilespmem:$0x1B080] =	vst v63  }
0x99: {  	v3 =	vld [tilespmem:$0xC040];
	_ =	sdelay $0x4  }
0x9a: {  	v63 =	vshrl.u32 v3, $0x3  }
0x9b: {  	v4 =	vmul.u32 $0x30, v63  }
0x9c: {  	v3 =	vand.u32 $0x7, v3  }
0x9d: {  	v3 =	vor.u32 v3, v4  }
0x9e: {  	v4 =	vperm.xlane v3, v0;
	_ =	sdelay $0x1  }
0x9f: {  	v4 =	vadd.s32 v1, v4;
	_ =	sdelay $0x3  }
0xa0: {  	v3 =	vperm.xlane v3, v2  }
0xa1: {  	[hbm4b:s3+s2] =	stream.indirect_vreg.scatter [tilespmem:s25], [sflag:$0x1], $0x80, v4, vm0, $0xb8;
	[tilespmem:$0x1B080] =	vst v63  }
0xa2: {  	v3 =	vadd.s32 v1, v3  }
0xa3: {  	[hbm4b:s4+s2] =	stream.indirect_vreg.scatter [tilespmem:s26], [sflag:$0x1], $0x80, v4, vm0, $0xb8;
	[tilespmem:$0x1B080] =	vst v63  }
0xa4: {  	_ = 	snop  }
0xa5: {  	[hbm4b:s5+s2] =	stream.indirect_vreg.scatter [tilespmem:s28], [sflag:$0x1], $0x80, v4, vm0, $0xb8;
	[tilespmem:$0x1B080] =	vst v63  }
0xa6: {  	_ = 	snop  }
0xa7: {  	[hbm4b:s3+s2] =	stream.indirect_vreg.scatter [tilespmem:s29], [sflag:$0x1], $0x80, v3, vm0, $0xb8;
	[tilespmem:$0x1B080] =	vst v63  }
0xa8: {  	p0 =	sne.s32 s6, $0x1  }
0xa9: {  	[hbm4b:s4+s2] =	stream.indirect_vreg.scatter [tilespmem:s30], [sflag:$0x1], $0x80, v3, vm0, $0xb8;
	[tilespmem:$0x1B080] =	vst v63  }
.Ltmp0:
0xaa: {  	_ = 	snop;
	(pc) =	sbr.rel @p0 .LBB2_1-.Ltmp0, $4  }
0xab: {  	[hbm4b:s5+s2] =	stream.indirect_vreg.scatter [tilespmem:s31], [sflag:$0x1], $0x80, v3, vm0, $0xb8;
	[tilespmem:$0x1B080] =	vst v63  }
0xac: {  	_ =	swait.ge [sflag:s0], $0xF000  }
0xad: {  	[sflag:s0] =	ssyncset.done $0x0  }
0xae: {  	s6 =	sadd.s32 $0xFFFFFFFF, s6;
	[sflag:s0] =	ssyncadd.s32 $0xFFFF1000  }
0xaf: {  	_ =	sfence.sel $0x180000  }
0xb0: {  	[bflag:$0x0] =	sbarrier.arrive $0xFFFF  }
0xb1: {  	_ =	strace $0x90000050  }
0xb2: {  	s0 =	stileid.u32;
	[bflag:$0x2] =	sbarrier.arrive $0xFFFF  }
0xb3: {  	p0 =	sne.s32 s0, $0x0;
	s0 =	rddreg [dreg:$0x3]  }
0xb4: {  	s0 =	sadd.s32 @!p0 $0x100000, s0  }
0xb5: {  	[sflag:s0] =	ssyncadd.tile.s32 @!p0 $0x1;
	_ =	shalt  }
.Lfunc_end2:
_tile_overlayer_lowered:
.L_overlay_start_2:
0xb6: {  	(tag) =	ssettag $0x2  }
0xb7: {  	s0 =	rddreg [dreg:$0x0];
	s2 =	stileid.u32  }
0xb8: {  	s1 =	rddreg [dreg:$0x1];
	p0 =	sne.s32 s2, $0x0  }
0xb9: {  	s3 =	rddreg [dreg:$0x2];
	[bflag:$0x3] =	sbarrier.arrive $0xFFFF;
	s2 =	simm.s32 @!p0 $0x1C02  }
0xba: {  	[timem:s3], [sflag:s2] =	dma.local @!p0 [hbm:s0], s1  }
0xbb: {  	s0 =	simm.s32 @!p0 $0x2  }
0xbc: {  	_ =	swait.ge @!p0 [sflag:s0], s1  }
0xbd: {  	s1 =	ssub.s32 @!p0 $0x0, s1;
	[sflag:s0] =	ssyncset.done @!p0 $0x0  }
0xbe: {  	[sflag:s0] =	ssyncadd.s32 @!p0 s1  }
0xbf: {  	[bflag:$0x3] =	sbarrier.arrive $0xFFFF  }
0xc0: {  	_ =	shalt  }

</sc_bundles>
